<compile_context>
chip_gen: v7x
topology: tpu7x:2x2x1
jax: 0.10.2.dev20260603
libtpu: 0.0.44.dev20260713+nightly
codegen_flags: <defaults>
</compile_context>

<pallas_src>
import jax
import jax.numpy as jnp
from jax import lax
from jax.experimental import pallas as pl
from jax.experimental.pallas import tpu as pltpu
from jax.experimental.pallas import tpu_sc as plsc

B, NG, NH, FH = 4, 4096, 4096, 8192
EPS = 1e-07
MAX_DIST = 5.0
QS, QL = 32, 128
UNROLL = 32

_NC, _NS, _L = 2, 16, 16
_NW = _NC * _NS
_BF = B * FH
_BV = B * NH
_BQ = B * NG
_FPW = _BF // _NW
_QPW = _BQ // _NW
_HF = _BF // _NC
_HV = _BV // _NC
_VPS = _HV // _NS

_mesh = plsc.VectorSubcoreMesh(core_axis_name="c", subcore_axis_name="s")


def _a1_body(hx, hy, hz, f0, f1, f2, out, f0_v, f1_v, f2_v, g_v):
    cid = lax.axis_index("c")
    sid = lax.axis_index("s")
    wid = sid * _NC + cid
    off = wid * _FPW
    pltpu.sync_copy(f0.at[pl.ds(off, _FPW)], f0_v)
    pltpu.sync_copy(f1.at[pl.ds(off, _FPW)], f1_v)
    pltpu.sync_copy(f2.at[pl.ds(off, _FPW)], f2_v)
    for vi, fv in ((0, f0_v), (1, f1_v), (2, f2_v)):
        for ci, tab in ((0, hx), (1, hy), (2, hz)):
            pltpu.sync_copy(tab.at[fv], g_v)
            pltpu.sync_copy(g_v, out.at[pl.ds((vi * 3 + ci) * _BF + off, _FPW)])


def _a1_call(hx, hy, hz, f0, f1, f2):
    k = pl.kernel(
        _a1_body,
        out_type=jax.ShapeDtypeStruct((9 * _BF,), jnp.float32),
        mesh=_mesh,
        scratch_types=[
            pltpu.VMEM((_FPW,), jnp.int32),
            pltpu.VMEM((_FPW,), jnp.int32),
            pltpu.VMEM((_FPW,), jnp.int32),
            pltpu.VMEM((_FPW,), jnp.float32),
        ],
    )
    return k(hx, hy, hz, f0, f1, f2)


def _a2_body(v_ref, fn_ref):
    v0x, v0y, v0z = v_ref[0], v_ref[1], v_ref[2]
    v1x, v1y, v1z = v_ref[3], v_ref[4], v_ref[5]
    v2x, v2y, v2z = v_ref[6], v_ref[7], v_ref[8]
    e1x, e1y, e1z = v1x - v0x, v1y - v0y, v1z - v0z
    e2x, e2y, e2z = v2x - v0x, v2y - v0y, v2z - v0z
    nx = e1y * e2z - e1z * e2y
    ny = e1z * e2x - e1x * e2z
    nz = e1x * e2y - e1y * e2x
    r = jnp.sqrt(nx * nx + ny * ny + nz * nz) + EPS
    fn_ref[0] = nx / r
    fn_ref[1] = ny / r
    fn_ref[2] = nz / r


def _a2_call(v):
    return pl.pallas_call(
        _a2_body,
        out_shape=jax.ShapeDtypeStruct((3, _BF), jnp.float32),
    )(v.reshape(9, _BF))


def _a3_body(fn, f0, f1, f2, z, out,
             f0_v, f1_v, f2_v, vx_v, vy_v, vz_v, o_v, nx_sp, ny_sp, nz_sp):
    cid = lax.axis_index("c")
    sid = lax.axis_index("s")
    voff = cid * _HV + sid * _VPS
    vsl = pl.ds(voff, _VPS)
    pltpu.sync_copy(z.at[vsl], nx_sp.at[vsl])
    pltpu.sync_copy(z.at[vsl], ny_sp.at[vsl])
    pltpu.sync_copy(z.at[vsl], nz_sp.at[vsl])
    plsc.subcore_barrier()
    fpw = _HF // _NS
    foff = cid * _HF + sid * fpw
    fsl = pl.ds(foff, fpw)
    pltpu.sync_copy(f0.at[fsl], f0_v)
    pltpu.sync_copy(f1.at[fsl], f1_v)
    pltpu.sync_copy(f2.at[fsl], f2_v)
    pltpu.sync_copy(fn.at[pl.ds(0 * _BF + foff, fpw)], vx_v)
    pltpu.sync_copy(fn.at[pl.ds(1 * _BF + foff, fpw)], vy_v)
    pltpu.sync_copy(fn.at[pl.ds(2 * _BF + foff, fpw)], vz_v)
    for fv in (f0_v, f1_v, f2_v):
        pltpu.sync_copy(vx_v, nx_sp.at[fv], add=True)
        pltpu.sync_copy(vy_v, ny_sp.at[fv], add=True)
        pltpu.sync_copy(vz_v, nz_sp.at[fv], add=True)
    plsc.subcore_barrier()
    for ci, sp in ((0, nx_sp), (1, ny_sp), (2, nz_sp)):
        pltpu.sync_copy(sp.at[vsl], o_v)
        pltpu.sync_copy(o_v, out.at[pl.ds(ci * _BV + voff, _VPS)])


def _a3_call(fn, f0, f1, f2):
    k = pl.kernel(
        _a3_body,
        out_type=jax.ShapeDtypeStruct((3 * _BV,), jnp.float32),
        mesh=_mesh,
        scratch_types=[
            pltpu.VMEM((_HF // _NS,), jnp.int32),
            pltpu.VMEM((_HF // _NS,), jnp.int32),
            pltpu.VMEM((_HF // _NS,), jnp.int32),
            pltpu.VMEM((_HF // _NS,), jnp.float32),
            pltpu.VMEM((_HF // _NS,), jnp.float32),
            pltpu.VMEM((_HF // _NS,), jnp.float32),
            pltpu.VMEM((_VPS,), jnp.float32),
            pltpu.VMEM_SHARED((_BV,), jnp.float32),
            pltpu.VMEM_SHARED((_BV,), jnp.float32),
            pltpu.VMEM_SHARED((_BV,), jnp.float32),
        ],
    )
    return k(fn.reshape(-1), f0, f1, f2, jnp.zeros((_BV,), jnp.float32))


def _knn_body(q_ref, a_ref, idx_ref):
    b = pl.program_id(0)
    qx = q_ref[0, 0]
    qy = q_ref[0, 1]
    qz = q_ref[0, 2]

    def score(jj):
        ax = a_ref[0, 0, jj]
        ay = a_ref[0, 1, jj]
        az = a_ref[0, 2, jj]
        c = a_ref[0, 3, jj]
        return (qx * ax + qy * ay) + (qz * az + c)

    def step(j, carry):
        b0, i0, b1, i1 = carry
        for k in range(0, UNROLL, 2):
            j0 = j * UNROLL + k
            j1 = j0 + 1
            s0 = score(j0)
            s1 = score(j1)
            p0 = s0 < b0
            p1 = s1 < b1
            b0 = jnp.where(p0, s0, b0)
            i0 = jnp.where(p0, j0, i0)
            b1 = jnp.where(p1, s1, b1)
            i1 = jnp.where(p1, j1, i1)
        return b0, i0, b1, i1

    inf = jnp.full((QS, QL), jnp.inf, dtype=jnp.float32)
    zero = jnp.zeros((QS, QL), dtype=jnp.int32)
    b0, i0, b1, i1 = lax.fori_loop(0, NH // UNROLL, step,
                                   (inf, zero, inf, zero))
    pm = b1 < b0
    bidx = jnp.where(pm, i1, i0)
    idx_ref[0] = bidx + b * NH


def _knn_call(q, a):
    return pl.pallas_call(
        _knn_body,
        grid=(B,),
        in_specs=[
            pl.BlockSpec((1, 3, QS, QL), lambda b: (b, 0, 0, 0)),
            pl.BlockSpec((1, 4, NH), lambda b: (b, 0, 0),
                         memory_space=pltpu.SMEM),
        ],
        out_specs=pl.BlockSpec((1, QS, QL), lambda b: (b, 0, 0)),
        out_shape=jax.ShapeDtypeStruct((B, QS, QL), jnp.int32),
    )(q, a)


def _c1_body(hx, hy, hz, nx, ny, nz, idx, out, i_v, g_v):
    cid = lax.axis_index("c")
    sid = lax.axis_index("s")
    wid = sid * _NC + cid
    off = wid * _QPW
    pltpu.sync_copy(idx.at[pl.ds(off, _QPW)], i_v)
    for ci, tab in ((0, hx), (1, hy), (2, hz), (3, nx), (4, ny), (5, nz)):
        pltpu.sync_copy(tab.at[i_v], g_v)
        pltpu.sync_copy(g_v, out.at[pl.ds(ci * _BQ + off, _QPW)])


def _c1_call(hx, hy, hz, vn, idx):
    k = pl.kernel(
        _c1_body,
        out_type=jax.ShapeDtypeStruct((6 * _BQ,), jnp.float32),
        mesh=_mesh,
        scratch_types=[
            pltpu.VMEM((_QPW,), jnp.int32),
            pltpu.VMEM((_QPW,), jnp.float32),
        ],
    )
    return k(hx, hy, hz, vn[:_BV], vn[_BV:2 * _BV], vn[2 * _BV:], idx)


def _c2_body(g_ref, q_ref, o_ref):
    ax, ay, az = g_ref[0, 0], g_ref[0, 1], g_ref[0, 2]
    nx, ny, nz = g_ref[0, 3], g_ref[0, 4], g_ref[0, 5]
    dx = q_ref[0, 0] - ax
    dy = q_ref[0, 1] - ay
    dz = q_ref[0, 2] - az
    l2 = jnp.sqrt(dx * dx + dy * dy + dz * dz)
    dot = dx * nx + dy * ny + dz * nz
    coll = (dot < 0.0) & (l2 <= MAX_DIST)
    o_ref[pl.program_id(0), 0] = jnp.sum(coll.astype(jnp.float32)) / NG


def _c2_call(g, q_soa):
    return pl.pallas_call(
        _c2_body,
        grid=(B,),
        in_specs=[
            pl.BlockSpec((1, 6, NG), lambda b: (b, 0, 0)),
            pl.BlockSpec((1, 3, NG), lambda b: (b, 0, 0)),
        ],
        out_specs=pl.BlockSpec((B, 1), lambda b: (0, 0),
                               memory_space=pltpu.SMEM),
        out_shape=jax.ShapeDtypeStruct((B, 1), jnp.float32),
    )(g, q_soa)


def kernel(pred, h_state, faces, h_faces):
    del faces
    hx = h_state[:, :, 0].reshape(-1)
    hy = h_state[:, :, 1].reshape(-1)
    hz = h_state[:, :, 2].reshape(-1)
    fadj = h_faces + (jnp.arange(B, dtype=jnp.int32) * NH)[:, None, None]
    f0 = fadj[:, :, 0].reshape(-1)
    f1 = fadj[:, :, 1].reshape(-1)
    f2 = fadj[:, :, 2].reshape(-1)

    v9 = _a1_call(hx, hy, hz, f0, f1, f2)
    fn = _a2_call(v9)
    vn = _a3_call(fn, f0, f1, f2)

    qr = pred.astype(jnp.bfloat16).astype(jnp.float32)
    ar = h_state.astype(jnp.bfloat16).astype(jnp.float32)
    q = qr.transpose(0, 2, 1).reshape(B, 3, QS, QL)
    an2 = jnp.sum(h_state * h_state, axis=-1)
    a = jnp.concatenate([(-2.0 * ar).transpose(0, 2, 1), an2[:, None, :]],
                        axis=1)
    idx = _knn_call(q, a).reshape(-1)

    g = _c1_call(hx, hy, hz, vn, idx)
    q_soa = pred.transpose(0, 2, 1)
    return _c2_call(g.reshape(6, B, NG).transpose(1, 0, 2), q_soa)

# --- scband reference (transcript-rebuilt; emitter-appended) ---
"""Pipeline reference for scband-collision-accuracy-15427522527884 (READ-ONLY COPY).

The authoritative reference and input builder live on the scoring server;
editing this copy changes nothing except your own understanding.
"""

import jax, jax.numpy as jnp
import numpy as np

B, NG, NH, FG, FH = 4, 4096, 4096, 8192, 8192
EPS = 1e-07
MAX_DIST = 5.0


def setup_inputs(seed: int = 0) -> dict:
    key = jax.random.key(seed)
    k1, k2, k3, k4 = jax.random.split(key, 4)
    pred = jax.random.normal(k1, (B, NG, 3), dtype=jnp.float32)
    h_state = jax.random.normal(k2, (B, NH, 3), dtype=jnp.float32)
    faces = jax.random.randint(k3, (B, FG, 3), 0, NG, dtype=jnp.int32)
    h_faces = jax.random.randint(k4, (B, FH, 3), 0, NH, dtype=jnp.int32)
    return {"pred": pred, "h_state": h_state, "faces": faces, "h_faces": h_faces}


def face_normals_batched(verts, faces):
    # verts: [B, N, 3], faces: [B, F, 3] int -> [B, F, 3] unit face normals
    v0 = jnp.take_along_axis(verts, faces[:, :, 0][..., None], axis=1)
    v1 = jnp.take_along_axis(verts, faces[:, :, 1][..., None], axis=1)
    v2 = jnp.take_along_axis(verts, faces[:, :, 2][..., None], axis=1)
    n = jnp.cross(v1 - v0, v2 - v0)
    n = n / (jnp.linalg.norm(n, axis=-1, keepdims=True) + EPS)
    return n


def vertex_normals(verts, faces, normalize_by_count=False):
    # equivalent of torch.bmm(v2f_mask_sparse, face_normals): scatter-add face
    # normals onto their 3 incident vertices, then L2-normalize.
    Bv, N, _ = verts.shape
    fn = face_normals_batched(verts, faces)            # [B, F, 3]
    fidx = faces.reshape(Bv, -1)                       # [B, 3F]
    fnr = jnp.repeat(fn, 3, axis=1)                    # [B, 3F, 3]

    def scat(ix, vals):
        return jnp.zeros((N, 3), dtype=vals.dtype).at[ix].add(vals)

    vn = jax.vmap(scat)(fidx, fnr)                     # [B, N, 3]
    if normalize_by_count:
        def cnt(ix):
            return jnp.zeros((N, 1), dtype=jnp.float32).at[ix].add(1.0)
        c = jax.vmap(cnt)(fidx)
        vn = vn / (c + EPS)
    vn = vn / (jnp.linalg.norm(vn, axis=-1, keepdims=True) + EPS)
    return vn


def knn1(anchor, query):
    # QueryAndGroup(max_radius=None, sample_num=1) == brute-force 1-NN
    d2 = (jnp.sum(query ** 2, -1, keepdims=True)
          + jnp.sum(anchor ** 2, -1)[:, None, :]
          - 2.0 * jnp.einsum('bqd,bad->bqa', query, anchor))
    return jnp.argmin(d2, axis=-1)                     # [B, Nq]


def accuracy_collision_count(query_mesh, anchor_mesh, anchor_normals):
    idx = knn1(anchor_mesh, query_mesh)
    grouped_xyz = jnp.take_along_axis(anchor_mesh, idx[..., None], axis=1)      # [B, Nq, 3]
    grouped_normals = jnp.take_along_axis(anchor_normals, idx[..., None], axis=1)
    grouped_diff = query_mesh - grouped_xyz
    grouped_diff_l2 = jnp.sqrt(jnp.sum(grouped_diff ** 2, axis=-1))
    dot = jnp.sum(grouped_diff * grouped_normals, axis=-1)
    valid_mask = (grouped_diff_l2 <= MAX_DIST).astype(dot.dtype)
    dot = dot * valid_mask
    collision_mask = dot < 0
    num_collisions = jnp.sum(collision_mask, axis=-1, keepdims=True)            # [B, 1]
    return num_collisions


def reference(pred, h_state, faces, h_faces):
    # garment vertex normals (computed as in original; used by per-garment loop)
    garment_vert_normals = vertex_normals(pred, faces, normalize_by_count=False)
    # human vertex normals: bmm(v2f, face_normals) / bmm(v2f, ones)
    human_vert_normals = vertex_normals(h_state, h_faces, normalize_by_count=True)
    g2h_collision_count = accuracy_collision_count(pred, h_state, human_vert_normals)
    garment_verts_num = pred.shape[1]
    g2h_collision_rate = g2h_collision_count.astype(jnp.float32) / garment_verts_num
    return g2h_collision_rate


if False:  # reference __main__ guard neutralized (emitter)
    out = reference(**setup_inputs())
    print(out.shape, out)

if __name__ == "__main__":
    import jax
    _d = setup_inputs()
    print(jax.jit(kernel)(*tuple(_d.values())))

</pallas_src>

<mosaic_0001>
#map = affine_map<(d0, d1) -> (0)>
module attributes {stable_mosaic.version = 14 : i64} {
  func.func @_a3_body(%arg0: i32, %arg1: i32, %arg2: memref<98304xf32, #tpu.memory_space<hbm>>, %arg3: memref<32768xi32, #tpu.memory_space<hbm>>, %arg4: memref<32768xi32, #tpu.memory_space<hbm>>, %arg5: memref<32768xi32, #tpu.memory_space<hbm>>, %arg6: memref<16384xf32, #tpu.memory_space<hbm>>, %arg7: memref<49152xf32, #tpu.memory_space<hbm>>, %arg8: memref<1024xi32, #tpu.memory_space<vmem>>, %arg9: memref<1024xi32, #tpu.memory_space<vmem>>, %arg10: memref<1024xi32, #tpu.memory_space<vmem>>, %arg11: memref<1024xf32, #tpu.memory_space<vmem>>, %arg12: memref<1024xf32, #tpu.memory_space<vmem>>, %arg13: memref<1024xf32, #tpu.memory_space<vmem>>, %arg14: memref<512xf32, #tpu.memory_space<vmem>>, %arg15: memref<16384xf32, #tpu.memory_space<vmem_shared>>, %arg16: memref<16384xf32, #tpu.memory_space<vmem_shared>>, %arg17: memref<16384xf32, #tpu.memory_space<vmem_shared>>) attributes {dimension_semantics = [#tpu.dimension_semantics<core_parallel>, #tpu.dimension_semantics<subcore_parallel>], iteration_bounds = array<i64: 2, 16>, scalar_prefetch = 0 : i64, scratch_operands = 10 : i64, tpu.core_type = #tpu.core_type<sc_vector_subcore>, window_params = [{transform_indices = #map}, {transform_indices = #map}, {transform_indices = #map}, {transform_indices = #map}, {transform_indices = #map}, {transform_indices = #map}]} {
    %mul3A = arith.constant 8192 : i32
    %mul3A_0 = arith.muli %arg0, %mul3A : i32
    %mul3A_1 = arith.constant 512 : i32
    %mul3A_2 = arith.muli %arg1, %mul3A_1 : i32
    %add3A = arith.addi %mul3A_0, %mul3A_2 : i32
    "tpu.region"() ({
      %run_scoped3A = tpu.sem_alloc : memref<!tpu.dma_semaphore, #tpu.memory_space<semaphore_mem>>
      %dma_start3A = tpu.memref_slice %arg15[%add3A] : memref<16384xf32, #tpu.memory_space<vmem_shared>> -> memref<512xf32, #tpu.memory_space<vmem_shared>>
      %dma_start3A_21 = tpu.memref_slice %arg6[%add3A] : memref<16384xf32, #tpu.memory_space<hbm>> -> memref<512xf32, #tpu.memory_space<hbm>>
      tpu.enqueue_dma source(%dma_start3A_21 : memref<512xf32, #tpu.memory_space<hbm>>) target(%dma_start3A : memref<512xf32, #tpu.memory_space<vmem_shared>>) target_semaphore(%run_scoped3A : memref<!tpu.dma_semaphore, #tpu.memory_space<semaphore_mem>>)
      %dma_wait3A = tpu.memref_slice %arg15[%add3A] : memref<16384xf32, #tpu.memory_space<vmem_shared>> -> memref<512xf32, #tpu.memory_space<vmem_shared>>
      %dma_wait3A_22 = tpu.memref_slice %arg6[%add3A] : memref<16384xf32, #tpu.memory_space<hbm>> -> memref<512xf32, #tpu.memory_space<hbm>>
      tpu.wait_dma2 semaphore(%run_scoped3A : memref<!tpu.dma_semaphore, #tpu.memory_space<semaphore_mem>>) src(%dma_wait3A_22 : memref<512xf32, #tpu.memory_space<hbm>>) dst(%dma_wait3A : memref<512xf32, #tpu.memory_space<vmem_shared>>)
      tpu.yield
    }) : () -> ()
    "tpu.region"() ({
      %run_scoped3A = tpu.sem_alloc : memref<!tpu.dma_semaphore, #tpu.memory_space<semaphore_mem>>
      %dma_start3A = tpu.memref_slice %arg16[%add3A] : memref<16384xf32, #tpu.memory_space<vmem_shared>> -> memref<512xf32, #tpu.memory_space<vmem_shared>>
      %dma_start3A_21 = tpu.memref_slice %arg6[%add3A] : memref<16384xf32, #tpu.memory_space<hbm>> -> memref<512xf32, #tpu.memory_space<hbm>>
      tpu.enqueue_dma source(%dma_start3A_21 : memref<512xf32, #tpu.memory_space<hbm>>) target(%dma_start3A : memref<512xf32, #tpu.memory_space<vmem_shared>>) target_semaphore(%run_scoped3A : memref<!tpu.dma_semaphore, #tpu.memory_space<semaphore_mem>>)
      %dma_wait3A = tpu.memref_slice %arg16[%add3A] : memref<16384xf32, #tpu.memory_space<vmem_shared>> -> memref<512xf32, #tpu.memory_space<vmem_shared>>
      %dma_wait3A_22 = tpu.memref_slice %arg6[%add3A] : memref<16384xf32, #tpu.memory_space<hbm>> -> memref<512xf32, #tpu.memory_space<hbm>>
      tpu.wait_dma2 semaphore(%run_scoped3A : memref<!tpu.dma_semaphore, #tpu.memory_space<semaphore_mem>>) src(%dma_wait3A_22 : memref<512xf32, #tpu.memory_space<hbm>>) dst(%dma_wait3A : memref<512xf32, #tpu.memory_space<vmem_shared>>)
      tpu.yield
    }) : () -> ()
    "tpu.region"() ({
      %run_scoped3A = tpu.sem_alloc : memref<!tpu.dma_semaphore, #tpu.memory_space<semaphore_mem>>
      %dma_start3A = tpu.memref_slice %arg17[%add3A] : memref<16384xf32, #tpu.memory_space<vmem_shared>> -> memref<512xf32, #tpu.memory_space<vmem_shared>>
      %dma_start3A_21 = tpu.memref_slice %arg6[%add3A] : memref<16384xf32, #tpu.memory_space<hbm>> -> memref<512xf32, #tpu.memory_space<hbm>>
      tpu.enqueue_dma source(%dma_start3A_21 : memref<512xf32, #tpu.memory_space<hbm>>) target(%dma_start3A : memref<512xf32, #tpu.memory_space<vmem_shared>>) target_semaphore(%run_scoped3A : memref<!tpu.dma_semaphore, #tpu.memory_space<semaphore_mem>>)
      %dma_wait3A = tpu.memref_slice %arg17[%add3A] : memref<16384xf32, #tpu.memory_space<vmem_shared>> -> memref<512xf32, #tpu.memory_space<vmem_shared>>
      %dma_wait3A_22 = tpu.memref_slice %arg6[%add3A] : memref<16384xf32, #tpu.memory_space<hbm>> -> memref<512xf32, #tpu.memory_space<hbm>>
      tpu.wait_dma2 semaphore(%run_scoped3A : memref<!tpu.dma_semaphore, #tpu.memory_space<semaphore_mem>>) src(%dma_wait3A_22 : memref<512xf32, #tpu.memory_space<hbm>>) dst(%dma_wait3A : memref<512xf32, #tpu.memory_space<vmem_shared>>)
      tpu.yield
    }) : () -> ()
    %barrier3A = arith.constant 0 : index
    tpu.barrier barrier_id(%barrier3A)
    %mul3A_3 = arith.constant 16384 : i32
    %mul3A_4 = arith.muli %arg0, %mul3A_3 : i32
    %mul3A_5 = arith.constant 1024 : i32
    %mul3A_6 = arith.muli %arg1, %mul3A_5 : i32
    %add3A_7 = arith.addi %mul3A_4, %mul3A_6 : i32
    "tpu.region"() ({
      %run_scoped3A = tpu.sem_alloc : memref<!tpu.dma_semaphore, #tpu.memory_space<semaphore_mem>>
      %dma_start3A = tpu.memref_slice %arg3[%add3A_7] : memref<32768xi32, #tpu.memory_space<hbm>> -> memref<1024xi32, #tpu.memory_space<hbm>>
      %dma_start3A_21 = tpu.memref_slice %arg3[%add3A_7] : memref<32768xi32, #tpu.memory_space<hbm>> -> memref<1024xi32, #tpu.memory_space<hbm>>
      tpu.enqueue_dma source(%dma_start3A_21 : memref<1024xi32, #tpu.memory_space<hbm>>) target(%arg8 : memref<1024xi32, #tpu.memory_space<vmem>>) target_semaphore(%run_scoped3A : memref<!tpu.dma_semaphore, #tpu.memory_space<semaphore_mem>>)
      %dma_wait3A = tpu.memref_slice %arg3[%add3A_7] : memref<32768xi32, #tpu.memory_space<hbm>> -> memref<1024xi32, #tpu.memory_space<hbm>>
      %dma_wait3A_22 = tpu.memref_slice %arg3[%add3A_7] : memref<32768xi32, #tpu.memory_space<hbm>> -> memref<1024xi32, #tpu.memory_space<hbm>>
      tpu.wait_dma2 semaphore(%run_scoped3A : memref<!tpu.dma_semaphore, #tpu.memory_space<semaphore_mem>>) src(%dma_wait3A_22 : memref<1024xi32, #tpu.memory_space<hbm>>) dst(%arg8 : memref<1024xi32, #tpu.memory_space<vmem>>)
      tpu.yield
    }) : () -> ()
    "tpu.region"() ({
      %run_scoped3A = tpu.sem_alloc : memref<!tpu.dma_semaphore, #tpu.memory_space<semaphore_mem>>
      %dma_start3A = tpu.memref_slice %arg4[%add3A_7] : memref<32768xi32, #tpu.memory_space<hbm>> -> memref<1024xi32, #tpu.memory_space<hbm>>
      %dma_start3A_21 = tpu.memref_slice %arg4[%add3A_7] : memref<32768xi32, #tpu.memory_space<hbm>> -> memref<1024xi32, #tpu.memory_space<hbm>>
      tpu.enqueue_dma source(%dma_start3A_21 : memref<1024xi32, #tpu.memory_space<hbm>>) target(%arg9 : memref<1024xi32, #tpu.memory_space<vmem>>) target_semaphore(%run_scoped3A : memref<!tpu.dma_semaphore, #tpu.memory_space<semaphore_mem>>)
      %dma_wait3A = tpu.memref_slice %arg4[%add3A_7] : memref<32768xi32, #tpu.memory_space<hbm>> -> memref<1024xi32, #tpu.memory_space<hbm>>
      %dma_wait3A_22 = tpu.memref_slice %arg4[%add3A_7] : memref<32768xi32, #tpu.memory_space<hbm>> -> memref<1024xi32, #tpu.memory_space<hbm>>
      tpu.wait_dma2 semaphore(%run_scoped3A : memref<!tpu.dma_semaphore, #tpu.memory_space<semaphore_mem>>) src(%dma_wait3A_22 : memref<1024xi32, #tpu.memory_space<hbm>>) dst(%arg9 : memref<1024xi32, #tpu.memory_space<vmem>>)
      tpu.yield
    }) : () -> ()
    "tpu.region"() ({
      %run_scoped3A = tpu.sem_alloc : memref<!tpu.dma_semaphore, #tpu.memory_space<semaphore_mem>>
      %dma_start3A = tpu.memref_slice %arg5[%add3A_7] : memref<32768xi32, #tpu.memory_space<hbm>> -> memref<1024xi32, #tpu.memory_space<hbm>>
      %dma_start3A_21 = tpu.memref_slice %arg5[%add3A_7] : memref<32768xi32, #tpu.memory_space<hbm>> -> memref<1024xi32, #tpu.memory_space<hbm>>
      tpu.enqueue_dma source(%dma_start3A_21 : memref<1024xi32, #tpu.memory_space<hbm>>) target(%arg10 : memref<1024xi32, #tpu.memory_space<vmem>>) target_semaphore(%run_scoped3A : memref<!tpu.dma_semaphore, #tpu.memory_space<semaphore_mem>>)
      %dma_wait3A = tpu.memref_slice %arg5[%add3A_7] : memref<32768xi32, #tpu.memory_space<hbm>> -> memref<1024xi32, #tpu.memory_space<hbm>>
      %dma_wait3A_22 = tpu.memref_slice %arg5[%add3A_7] : memref<32768xi32, #tpu.memory_space<hbm>> -> memref<1024xi32, #tpu.memory_space<hbm>>
      tpu.wait_dma2 semaphore(%run_scoped3A : memref<!tpu.dma_semaphore, #tpu.memory_space<semaphore_mem>>) src(%dma_wait3A_22 : memref<1024xi32, #tpu.memory_space<hbm>>) dst(%arg10 : memref<1024xi32, #tpu.memory_space<vmem>>)
      tpu.yield
    }) : () -> ()
    %add3A_8 = arith.constant 0 : i32
    %add3A_9 = arith.addi %add3A_8, %add3A_7 : i32
    "tpu.region"() ({
      %run_scoped3A = tpu.sem_alloc : memref<!tpu.dma_semaphore, #tpu.memory_space<semaphore_mem>>
      %dma_start3A = tpu.memref_slice %arg2[%add3A_9] : memref<98304xf32, #tpu.memory_space<hbm>> -> memref<1024xf32, #tpu.memory_space<hbm>>
      %dma_start3A_21 = tpu.memref_slice %arg2[%add3A_9] : memref<98304xf32, #tpu.memory_space<hbm>> -> memref<1024xf32, #tpu.memory_space<hbm>>
      tpu.enqueue_dma source(%dma_start3A_21 : memref<1024xf32, #tpu.memory_space<hbm>>) target(%arg11 : memref<1024xf32, #tpu.memory_space<vmem>>) target_semaphore(%run_scoped3A : memref<!tpu.dma_semaphore, #tpu.memory_space<semaphore_mem>>)
      %dma_wait3A = tpu.memref_slice %arg2[%add3A_9] : memref<98304xf32, #tpu.memory_space<hbm>> -> memref<1024xf32, #tpu.memory_space<hbm>>
      %dma_wait3A_22 = tpu.memref_slice %arg2[%add3A_9] : memref<98304xf32, #tpu.memory_space<hbm>> -> memref<1024xf32, #tpu.memory_space<hbm>>
      tpu.wait_dma2 semaphore(%run_scoped3A : memref<!tpu.dma_semaphore, #tpu.memory_space<semaphore_mem>>) src(%dma_wait3A_22 : memref<1024xf32, #tpu.memory_space<hbm>>) dst(%arg11 : memref<1024xf32, #tpu.memory_space<vmem>>)
      tpu.yield
    }) : () -> ()
    %add3A_10 = arith.constant 32768 : i32
    %add3A_11 = arith.addi %add3A_10, %add3A_7 : i32
    "tpu.region"() ({
      %run_scoped3A = tpu.sem_alloc : memref<!tpu.dma_semaphore, #tpu.memory_space<semaphore_mem>>
      %dma_start3A = tpu.memref_slice %arg2[%add3A_11] : memref<98304xf32, #tpu.memory_space<hbm>> -> memref<1024xf32, #tpu.memory_space<hbm>>
      %dma_start3A_21 = tpu.memref_slice %arg2[%add3A_11] : memref<98304xf32, #tpu.memory_space<hbm>> -> memref<1024xf32, #tpu.memory_space<hbm>>
      tpu.enqueue_dma source(%dma_start3A_21 : memref<1024xf32, #tpu.memory_space<hbm>>) target(%arg12 : memref<1024xf32, #tpu.memory_space<vmem>>) target_semaphore(%run_scoped3A : memref<!tpu.dma_semaphore, #tpu.memory_space<semaphore_mem>>)
      %dma_wait3A = tpu.memref_slice %arg2[%add3A_11] : memref<98304xf32, #tpu.memory_space<hbm>> -> memref<1024xf32, #tpu.memory_space<hbm>>
      %dma_wait3A_22 = tpu.memref_slice %arg2[%add3A_11] : memref<98304xf32, #tpu.memory_space<hbm>> -> memref<1024xf32, #tpu.memory_space<hbm>>
      tpu.wait_dma2 semaphore(%run_scoped3A : memref<!tpu.dma_semaphore, #tpu.memory_space<semaphore_mem>>) src(%dma_wait3A_22 : memref<1024xf32, #tpu.memory_space<hbm>>) dst(%arg12 : memref<1024xf32, #tpu.memory_space<vmem>>)
      tpu.yield
    }) : () -> ()
    %add3A_12 = arith.constant 65536 : i32
    %add3A_13 = arith.addi %add3A_12, %add3A_7 : i32
    "tpu.region"() ({
      %run_scoped3A = tpu.sem_alloc : memref<!tpu.dma_semaphore, #tpu.memory_space<semaphore_mem>>
      %dma_start3A = tpu.memref_slice %arg2[%add3A_13] : memref<98304xf32, #tpu.memory_space<hbm>> -> memref<1024xf32, #tpu.memory_space<hbm>>
      %dma_start3A_21 = tpu.memref_slice %arg2[%add3A_13] : memref<98304xf32, #tpu.memory_space<hbm>> -> memref<1024xf32, #tpu.memory_space<hbm>>
      tpu.enqueue_dma source(%dma_start3A_21 : memref<1024xf32, #tpu.memory_space<hbm>>) target(%arg13 : memref<1024xf32, #tpu.memory_space<vmem>>) target_semaphore(%run_scoped3A : memref<!tpu.dma_semaphore, #tpu.memory_space<semaphore_mem>>)
      %dma_wait3A = tpu.memref_slice %arg2[%add3A_13] : memref<98304xf32, #tpu.memory_space<hbm>> -> memref<1024xf32, #tpu.memory_space<hbm>>
      %dma_wait3A_22 = tpu.memref_slice %arg2[%add3A_13] : memref<98304xf32, #tpu.memory_space<hbm>> -> memref<1024xf32, #tpu.memory_space<hbm>>
      tpu.wait_dma2 semaphore(%run_scoped3A : memref<!tpu.dma_semaphore, #tpu.memory_space<semaphore_mem>>) src(%dma_wait3A_22 : memref<1024xf32, #tpu.memory_space<hbm>>) dst(%arg13 : memref<1024xf32, #tpu.memory_space<vmem>>)
      tpu.yield
    }) : () -> ()
    "tpu.region"() ({
      %run_scoped3A = tpu.sem_alloc : memref<!tpu.dma_semaphore, #tpu.memory_space<semaphore_mem>>
      %dma_start3A = arith.constant 0 : i32
      %dma_start3A_21 = tpu.memref_slice %arg15[%dma_start3A] : memref<16384xf32, #tpu.memory_space<vmem_shared>> -> memref<16384xf32, #tpu.memory_space<vmem_shared>>
      tpu.enqueue_indirect_dma source(%arg11 : memref<1024xf32, #tpu.memory_space<vmem>>) target(%dma_start3A_21 : memref<16384xf32, #tpu.memory_space<vmem_shared>>) offsets(%arg8 : memref<1024xi32, #tpu.memory_space<vmem>>) semaphore(%run_scoped3A : memref<!tpu.dma_semaphore, #tpu.memory_space<semaphore_mem>>) {add = true}
      %dma_wait3A = arith.constant 0 : i32
      %dma_wait3A_22 = tpu.memref_slice %arg15[%dma_wait3A] : memref<16384xf32, #tpu.memory_space<vmem_shared>> -> memref<16384xf32, #tpu.memory_space<vmem_shared>>
      tpu.wait_indirect_dma semaphore(%run_scoped3A : memref<!tpu.dma_semaphore, #tpu.memory_space<semaphore_mem>>) src(%arg11 : memref<1024xf32, #tpu.memory_space<vmem>>) dst(%dma_wait3A_22 : memref<16384xf32, #tpu.memory_space<vmem_shared>>)
      tpu.yield
    }) : () -> ()
    "tpu.region"() ({
      %run_scoped3A = tpu.sem_alloc : memref<!tpu.dma_semaphore, #tpu.memory_space<semaphore_mem>>
      %dma_start3A = arith.constant 0 : i32
      %dma_start3A_21 = tpu.memref_slice %arg16[%dma_start3A] : memref<16384xf32, #tpu.memory_space<vmem_shared>> -> memref<16384xf32, #tpu.memory_space<vmem_shared>>
      tpu.enqueue_indirect_dma source(%arg12 : memref<1024xf32, #tpu.memory_space<vmem>>) target(%dma_start3A_21 : memref<16384xf32, #tpu.memory_space<vmem_shared>>) offsets(%arg8 : memref<1024xi32, #tpu.memory_space<vmem>>) semaphore(%run_scoped3A : memref<!tpu.dma_semaphore, #tpu.memory_space<semaphore_mem>>) {add = true}
      %dma_wait3A = arith.constant 0 : i32
      %dma_wait3A_22 = tpu.memref_slice %arg16[%dma_wait3A] : memref<16384xf32, #tpu.memory_space<vmem_shared>> -> memref<16384xf32, #tpu.memory_space<vmem_shared>>
      tpu.wait_indirect_dma semaphore(%run_scoped3A : memref<!tpu.dma_semaphore, #tpu.memory_space<semaphore_mem>>) src(%arg12 : memref<1024xf32, #tpu.memory_space<vmem>>) dst(%dma_wait3A_22 : memref<16384xf32, #tpu.memory_space<vmem_shared>>)
      tpu.yield
    }) : () -> ()
    "tpu.region"() ({
      %run_scoped3A = tpu.sem_alloc : memref<!tpu.dma_semaphore, #tpu.memory_space<semaphore_mem>>
      %dma_start3A = arith.constant 0 : i32
      %dma_start3A_21 = tpu.memref_slice %arg17[%dma_start3A] : memref<16384xf32, #tpu.memory_space<vmem_shared>> -> memref<16384xf32, #tpu.memory_space<vmem_shared>>
      tpu.enqueue_indirect_dma source(%arg13 : memref<1024xf32, #tpu.memory_space<vmem>>) target(%dma_start3A_21 : memref<16384xf32, #tpu.memory_space<vmem_shared>>) offsets(%arg8 : memref<1024xi32, #tpu.memory_space<vmem>>) semaphore(%run_scoped3A : memref<!tpu.dma_semaphore, #tpu.memory_space<semaphore_mem>>) {add = true}
      %dma_wait3A = arith.constant 0 : i32
      %dma_wait3A_22 = tpu.memref_slice %arg17[%dma_wait3A] : memref<16384xf32, #tpu.memory_space<vmem_shared>> -> memref<16384xf32, #tpu.memory_space<vmem_shared>>
      tpu.wait_indirect_dma semaphore(%run_scoped3A : memref<!tpu.dma_semaphore, #tpu.memory_space<semaphore_mem>>) src(%arg13 : memref<1024xf32, #tpu.memory_space<vmem>>) dst(%dma_wait3A_22 : memref<16384xf32, #tpu.memory_space<vmem_shared>>)
      tpu.yield
    }) : () -> ()
    "tpu.region"() ({
      %run_scoped3A = tpu.sem_alloc : memref<!tpu.dma_semaphore, #tpu.memory_space<semaphore_mem>>
      %dma_start3A = arith.constant 0 : i32
      %dma_start3A_21 = tpu.memref_slice %arg15[%dma_start3A] : memref<16384xf32, #tpu.memory_space<vmem_shared>> -> memref<16384xf32, #tpu.memory_space<vmem_shared>>
      tpu.enqueue_indirect_dma source(%arg11 : memref<1024xf32, #tpu.memory_space<vmem>>) target(%dma_start3A_21 : memref<16384xf32, #tpu.memory_space<vmem_shared>>) offsets(%arg9 : memref<1024xi32, #tpu.memory_space<vmem>>) semaphore(%run_scoped3A : memref<!tpu.dma_semaphore, #tpu.memory_space<semaphore_mem>>) {add = true}
      %dma_wait3A = arith.constant 0 : i32
      %dma_wait3A_22 = tpu.memref_slice %arg15[%dma_wait3A] : memref<16384xf32, #tpu.memory_space<vmem_shared>> -> memref<16384xf32, #tpu.memory_space<vmem_shared>>
      tpu.wait_indirect_dma semaphore(%run_scoped3A : memref<!tpu.dma_semaphore, #tpu.memory_space<semaphore_mem>>) src(%arg11 : memref<1024xf32, #tpu.memory_space<vmem>>) dst(%dma_wait3A_22 : memref<16384xf32, #tpu.memory_space<vmem_shared>>)
      tpu.yield
    }) : () -> ()
    "tpu.region"() ({
      %run_scoped3A = tpu.sem_alloc : memref<!tpu.dma_semaphore, #tpu.memory_space<semaphore_mem>>
      %dma_start3A = arith.constant 0 : i32
      %dma_start3A_21 = tpu.memref_slice %arg16[%dma_start3A] : memref<16384xf32, #tpu.memory_space<vmem_shared>> -> memref<16384xf32, #tpu.memory_space<vmem_shared>>
      tpu.enqueue_indirect_dma source(%arg12 : memref<1024xf32, #tpu.memory_space<vmem>>) target(%dma_start3A_21 : memref<16384xf32, #tpu.memory_space<vmem_shared>>) offsets(%arg9 : memref<1024xi32, #tpu.memory_space<vmem>>) semaphore(%run_scoped3A : memref<!tpu.dma_semaphore, #tpu.memory_space<semaphore_mem>>) {add = true}
      %dma_wait3A = arith.constant 0 : i32
      %dma_wait3A_22 = tpu.memref_slice %arg16[%dma_wait3A] : memref<16384xf32, #tpu.memory_space<vmem_shared>> -> memref<16384xf32, #tpu.memory_space<vmem_shared>>
      tpu.wait_indirect_dma semaphore(%run_scoped3A : memref<!tpu.dma_semaphore, #tpu.memory_space<semaphore_mem>>) src(%arg12 : memref<1024xf32, #tpu.memory_space<vmem>>) dst(%dma_wait3A_22 : memref<16384xf32, #tpu.memory_space<vmem_shared>>)
      tpu.yield
    }) : () -> ()
    "tpu.region"() ({
      %run_scoped3A = tpu.sem_alloc : memref<!tpu.dma_semaphore, #tpu.memory_space<semaphore_mem>>
      %dma_start3A = arith.constant 0 : i32
      %dma_start3A_21 = tpu.memref_slice %arg17[%dma_start3A] : memref<16384xf32, #tpu.memory_space<vmem_shared>> -> memref<16384xf32, #tpu.memory_space<vmem_shared>>
      tpu.enqueue_indirect_dma source(%arg13 : memref<1024xf32, #tpu.memory_space<vmem>>) target(%dma_start3A_21 : memref<16384xf32, #tpu.memory_space<vmem_shared>>) offsets(%arg9 : memref<1024xi32, #tpu.memory_space<vmem>>) semaphore(%run_scoped3A : memref<!tpu.dma_semaphore, #tpu.memory_space<semaphore_mem>>) {add = true}
      %dma_wait3A = arith.constant 0 : i32
      %dma_wait3A_22 = tpu.memref_slice %arg17[%dma_wait3A] : memref<16384xf32, #tpu.memory_space<vmem_shared>> -> memref<16384xf32, #tpu.memory_space<vmem_shared>>
      tpu.wait_indirect_dma semaphore(%run_scoped3A : memref<!tpu.dma_semaphore, #tpu.memory_space<semaphore_mem>>) src(%arg13 : memref<1024xf32, #tpu.memory_space<vmem>>) dst(%dma_wait3A_22 : memref<16384xf32, #tpu.memory_space<vmem_shared>>)
      tpu.yield
    }) : () -> ()
    "tpu.region"() ({
      %run_scoped3A = tpu.sem_alloc : memref<!tpu.dma_semaphore, #tpu.memory_space<semaphore_mem>>
      %dma_start3A = arith.constant 0 : i32
      %dma_start3A_21 = tpu.memref_slice %arg15[%dma_start3A] : memref<16384xf32, #tpu.memory_space<vmem_shared>> -> memref<16384xf32, #tpu.memory_space<vmem_shared>>
      tpu.enqueue_indirect_dma source(%arg11 : memref<1024xf32, #tpu.memory_space<vmem>>) target(%dma_start3A_21 : memref<16384xf32, #tpu.memory_space<vmem_shared>>) offsets(%arg10 : memref<1024xi32, #tpu.memory_space<vmem>>) semaphore(%run_scoped3A : memref<!tpu.dma_semaphore, #tpu.memory_space<semaphore_mem>>) {add = true}
      %dma_wait3A = arith.constant 0 : i32
      %dma_wait3A_22 = tpu.memref_slice %arg15[%dma_wait3A] : memref<16384xf32, #tpu.memory_space<vmem_shared>> -> memref<16384xf32, #tpu.memory_space<vmem_shared>>
      tpu.wait_indirect_dma semaphore(%run_scoped3A : memref<!tpu.dma_semaphore, #tpu.memory_space<semaphore_mem>>) src(%arg11 : memref<1024xf32, #tpu.memory_space<vmem>>) dst(%dma_wait3A_22 : memref<16384xf32, #tpu.memory_space<vmem_shared>>)
      tpu.yield
    }) : () -> ()
    "tpu.region"() ({
      %run_scoped3A = tpu.sem_alloc : memref<!tpu.dma_semaphore, #tpu.memory_space<semaphore_mem>>
      %dma_start3A = arith.constant 0 : i32
      %dma_start3A_21 = tpu.memref_slice %arg16[%dma_start3A] : memref<16384xf32, #tpu.memory_space<vmem_shared>> -> memref<16384xf32, #tpu.memory_space<vmem_shared>>
      tpu.enqueue_indirect_dma source(%arg12 : memref<1024xf32, #tpu.memory_space<vmem>>) target(%dma_start3A_21 : memref<16384xf32, #tpu.memory_space<vmem_shared>>) offsets(%arg10 : memref<1024xi32, #tpu.memory_space<vmem>>) semaphore(%run_scoped3A : memref<!tpu.dma_semaphore, #tpu.memory_space<semaphore_mem>>) {add = true}
      %dma_wait3A = arith.constant 0 : i32
      %dma_wait3A_22 = tpu.memref_slice %arg16[%dma_wait3A] : memref<16384xf32, #tpu.memory_space<vmem_shared>> -> memref<16384xf32, #tpu.memory_space<vmem_shared>>
      tpu.wait_indirect_dma semaphore(%run_scoped3A : memref<!tpu.dma_semaphore, #tpu.memory_space<semaphore_mem>>) src(%arg12 : memref<1024xf32, #tpu.memory_space<vmem>>) dst(%dma_wait3A_22 : memref<16384xf32, #tpu.memory_space<vmem_shared>>)
      tpu.yield
    }) : () -> ()
    "tpu.region"() ({
      %run_scoped3A = tpu.sem_alloc : memref<!tpu.dma_semaphore, #tpu.memory_space<semaphore_mem>>
      %dma_start3A = arith.constant 0 : i32
      %dma_start3A_21 = tpu.memref_slice %arg17[%dma_start3A] : memref<16384xf32, #tpu.memory_space<vmem_shared>> -> memref<16384xf32, #tpu.memory_space<vmem_shared>>
      tpu.enqueue_indirect_dma source(%arg13 : memref<1024xf32, #tpu.memory_space<vmem>>) target(%dma_start3A_21 : memref<16384xf32, #tpu.memory_space<vmem_shared>>) offsets(%arg10 : memref<1024xi32, #tpu.memory_space<vmem>>) semaphore(%run_scoped3A : memref<!tpu.dma_semaphore, #tpu.memory_space<semaphore_mem>>) {add = true}
      %dma_wait3A = arith.constant 0 : i32
      %dma_wait3A_22 = tpu.memref_slice %arg17[%dma_wait3A] : memref<16384xf32, #tpu.memory_space<vmem_shared>> -> memref<16384xf32, #tpu.memory_space<vmem_shared>>
      tpu.wait_indirect_dma semaphore(%run_scoped3A : memref<!tpu.dma_semaphore, #tpu.memory_space<semaphore_mem>>) src(%arg13 : memref<1024xf32, #tpu.memory_space<vmem>>) dst(%dma_wait3A_22 : memref<16384xf32, #tpu.memory_space<vmem_shared>>)
      tpu.yield
    }) : () -> ()
    %barrier3A_14 = arith.constant 0 : index
    tpu.barrier barrier_id(%barrier3A_14)
    "tpu.region"() ({
      %run_scoped3A = tpu.sem_alloc : memref<!tpu.dma_semaphore, #tpu.memory_space<semaphore_mem>>
      %dma_start3A = tpu.memref_slice %arg15[%add3A] : memref<16384xf32, #tpu.memory_space<vmem_shared>> -> memref<512xf32, #tpu.memory_space<vmem_shared>>
      %dma_start3A_21 = tpu.memref_slice %arg15[%add3A] : memref<16384xf32, #tpu.memory_space<vmem_shared>> -> memref<512xf32, #tpu.memory_space<vmem_shared>>
      tpu.enqueue_dma source(%dma_start3A_21 : memref<512xf32, #tpu.memory_space<vmem_shared>>) target(%arg14 : memref<512xf32, #tpu.memory_space<vmem>>) target_semaphore(%run_scoped3A : memref<!tpu.dma_semaphore, #tpu.memory_space<semaphore_mem>>)
      %dma_wait3A = tpu.memref_slice %arg15[%add3A] : memref<16384xf32, #tpu.memory_space<vmem_shared>> -> memref<512xf32, #tpu.memory_space<vmem_shared>>
      %dma_wait3A_22 = tpu.memref_slice %arg15[%add3A] : memref<16384xf32, #tpu.memory_space<vmem_shared>> -> memref<512xf32, #tpu.memory_space<vmem_shared>>
      tpu.wait_dma2 semaphore(%run_scoped3A : memref<!tpu.dma_semaphore, #tpu.memory_space<semaphore_mem>>) src(%dma_wait3A_22 : memref<512xf32, #tpu.memory_space<vmem_shared>>) dst(%arg14 : memref<512xf32, #tpu.memory_space<vmem>>)
      tpu.yield
    }) : () -> ()
    %add3A_15 = arith.constant 0 : i32
    %add3A_16 = arith.addi %add3A_15, %add3A : i32
    "tpu.region"() ({
      %run_scoped3A = tpu.sem_alloc : memref<!tpu.dma_semaphore, #tpu.memory_space<semaphore_mem>>
      %dma_start3A = tpu.memref_slice %arg7[%add3A_16] : memref<49152xf32, #tpu.memory_space<hbm>> -> memref<512xf32, #tpu.memory_space<hbm>>
      %dma_start3A_21 = tpu.memref_slice %arg7[%add3A_16] : memref<49152xf32, #tpu.memory_space<hbm>> -> memref<512xf32, #tpu.memory_space<hbm>>
      tpu.enqueue_dma source(%arg14 : memref<512xf32, #tpu.memory_space<vmem>>) target(%dma_start3A_21 : memref<512xf32, #tpu.memory_space<hbm>>) target_semaphore(%run_scoped3A : memref<!tpu.dma_semaphore, #tpu.memory_space<semaphore_mem>>)
      %dma_wait3A = tpu.memref_slice %arg7[%add3A_16] : memref<49152xf32, #tpu.memory_space<hbm>> -> memref<512xf32, #tpu.memory_space<hbm>>
      %dma_wait3A_22 = tpu.memref_slice %arg7[%add3A_16] : memref<49152xf32, #tpu.memory_space<hbm>> -> memref<512xf32, #tpu.memory_space<hbm>>
      tpu.wait_dma2 semaphore(%run_scoped3A : memref<!tpu.dma_semaphore, #tpu.memory_space<semaphore_mem>>) src(%arg14 : memref<512xf32, #tpu.memory_space<vmem>>) dst(%dma_wait3A_22 : memref<512xf32, #tpu.memory_space<hbm>>)
      tpu.yield
    }) : () -> ()
    "tpu.region"() ({
      %run_scoped3A = tpu.sem_alloc : memref<!tpu.dma_semaphore, #tpu.memory_space<semaphore_mem>>
      %dma_start3A = tpu.memref_slice %arg16[%add3A] : memref<16384xf32, #tpu.memory_space<vmem_shared>> -> memref<512xf32, #tpu.memory_space<vmem_shared>>
      %dma_start3A_21 = tpu.memref_slice %arg16[%add3A] : memref<16384xf32, #tpu.memory_space<vmem_shared>> -> memref<512xf32, #tpu.memory_space<vmem_shared>>
      tpu.enqueue_dma source(%dma_start3A_21 : memref<512xf32, #tpu.memory_space<vmem_shared>>) target(%arg14 : memref<512xf32, #tpu.memory_space<vmem>>) target_semaphore(%run_scoped3A : memref<!tpu.dma_semaphore, #tpu.memory_space<semaphore_mem>>)
      %dma_wait3A = tpu.memref_slice %arg16[%add3A] : memref<16384xf32, #tpu.memory_space<vmem_shared>> -> memref<512xf32, #tpu.memory_space<vmem_shared>>
      %dma_wait3A_22 = tpu.memref_slice %arg16[%add3A] : memref<16384xf32, #tpu.memory_space<vmem_shared>> -> memref<512xf32, #tpu.memory_space<vmem_shared>>
      tpu.wait_dma2 semaphore(%run_scoped3A : memref<!tpu.dma_semaphore, #tpu.memory_space<semaphore_mem>>) src(%dma_wait3A_22 : memref<512xf32, #tpu.memory_space<vmem_shared>>) dst(%arg14 : memref<512xf32, #tpu.memory_space<vmem>>)
      tpu.yield
    }) : () -> ()
    %add3A_17 = arith.constant 16384 : i32
    %add3A_18 = arith.addi %add3A_17, %add3A : i32
    "tpu.region"() ({
      %run_scoped3A = tpu.sem_alloc : memref<!tpu.dma_semaphore, #tpu.memory_space<semaphore_mem>>
      %dma_start3A = tpu.memref_slice %arg7[%add3A_18] : memref<49152xf32, #tpu.memory_space<hbm>> -> memref<512xf32, #tpu.memory_space<hbm>>
      %dma_start3A_21 = tpu.memref_slice %arg7[%add3A_18] : memref<49152xf32, #tpu.memory_space<hbm>> -> memref<512xf32, #tpu.memory_space<hbm>>
      tpu.enqueue_dma source(%arg14 : memref<512xf32, #tpu.memory_space<vmem>>) target(%dma_start3A_21 : memref<512xf32, #tpu.memory_space<hbm>>) target_semaphore(%run_scoped3A : memref<!tpu.dma_semaphore, #tpu.memory_space<semaphore_mem>>)
      %dma_wait3A = tpu.memref_slice %arg7[%add3A_18] : memref<49152xf32, #tpu.memory_space<hbm>> -> memref<512xf32, #tpu.memory_space<hbm>>
      %dma_wait3A_22 = tpu.memref_slice %arg7[%add3A_18] : memref<49152xf32, #tpu.memory_space<hbm>> -> memref<512xf32, #tpu.memory_space<hbm>>
      tpu.wait_dma2 semaphore(%run_scoped3A : memref<!tpu.dma_semaphore, #tpu.memory_space<semaphore_mem>>) src(%arg14 : memref<512xf32, #tpu.memory_space<vmem>>) dst(%dma_wait3A_22 : memref<512xf32, #tpu.memory_space<hbm>>)
      tpu.yield
    }) : () -> ()
    "tpu.region"() ({
      %run_scoped3A = tpu.sem_alloc : memref<!tpu.dma_semaphore, #tpu.memory_space<semaphore_mem>>
      %dma_start3A = tpu.memref_slice %arg17[%add3A] : memref<16384xf32, #tpu.memory_space<vmem_shared>> -> memref<512xf32, #tpu.memory_space<vmem_shared>>
      %dma_start3A_21 = tpu.memref_slice %arg17[%add3A] : memref<16384xf32, #tpu.memory_space<vmem_shared>> -> memref<512xf32, #tpu.memory_space<vmem_shared>>
      tpu.enqueue_dma source(%dma_start3A_21 : memref<512xf32, #tpu.memory_space<vmem_shared>>) target(%arg14 : memref<512xf32, #tpu.memory_space<vmem>>) target_semaphore(%run_scoped3A : memref<!tpu.dma_semaphore, #tpu.memory_space<semaphore_mem>>)
      %dma_wait3A = tpu.memref_slice %arg17[%add3A] : memref<16384xf32, #tpu.memory_space<vmem_shared>> -> memref<512xf32, #tpu.memory_space<vmem_shared>>
      %dma_wait3A_22 = tpu.memref_slice %arg17[%add3A] : memref<16384xf32, #tpu.memory_space<vmem_shared>> -> memref<512xf32, #tpu.memory_space<vmem_shared>>
      tpu.wait_dma2 semaphore(%run_scoped3A : memref<!tpu.dma_semaphore, #tpu.memory_space<semaphore_mem>>) src(%dma_wait3A_22 : memref<512xf32, #tpu.memory_space<vmem_shared>>) dst(%arg14 : memref<512xf32, #tpu.memory_space<vmem>>)
      tpu.yield
    }) : () -> ()
    %add3A_19 = arith.constant 32768 : i32
    %add3A_20 = arith.addi %add3A_19, %add3A : i32
    "tpu.region"() ({
      %run_scoped3A = tpu.sem_alloc : memref<!tpu.dma_semaphore, #tpu.memory_space<semaphore_mem>>
      %dma_start3A = tpu.memref_slice %arg7[%add3A_20] : memref<49152xf32, #tpu.memory_space<hbm>> -> memref<512xf32, #tpu.memory_space<hbm>>
      %dma_start3A_21 = tpu.memref_slice %arg7[%add3A_20] : memref<49152xf32, #tpu.memory_space<hbm>> -> memref<512xf32, #tpu.memory_space<hbm>>
      tpu.enqueue_dma source(%arg14 : memref<512xf32, #tpu.memory_space<vmem>>) target(%dma_start3A_21 : memref<512xf32, #tpu.memory_space<hbm>>) target_semaphore(%run_scoped3A : memref<!tpu.dma_semaphore, #tpu.memory_space<semaphore_mem>>)
      %dma_wait3A = tpu.memref_slice %arg7[%add3A_20] : memref<49152xf32, #tpu.memory_space<hbm>> -> memref<512xf32, #tpu.memory_space<hbm>>
      %dma_wait3A_22 = tpu.memref_slice %arg7[%add3A_20] : memref<49152xf32, #tpu.memory_space<hbm>> -> memref<512xf32, #tpu.memory_space<hbm>>
      tpu.wait_dma2 semaphore(%run_scoped3A : memref<!tpu.dma_semaphore, #tpu.memory_space<semaphore_mem>>) src(%arg14 : memref<512xf32, #tpu.memory_space<vmem>>) dst(%dma_wait3A_22 : memref<512xf32, #tpu.memory_space<hbm>>)
      tpu.yield
    }) : () -> ()
    return
  }
}

#map = affine_map<(d0, d1) -> (0)>
module attributes {stable_mosaic.version = 14 : i64} {
  func.func @_a1_body(%arg0: i32, %arg1: i32, %arg2: memref<16384xf32, #tpu.memory_space<hbm>>, %arg3: memref<16384xf32, #tpu.memory_space<hbm>>, %arg4: memref<16384xf32, #tpu.memory_space<hbm>>, %arg5: memref<32768xi32, #tpu.memory_space<hbm>>, %arg6: memref<32768xi32, #tpu.memory_space<hbm>>, %arg7: memref<32768xi32, #tpu.memory_space<hbm>>, %arg8: memref<294912xf32, #tpu.memory_space<hbm>>, %arg9: memref<1024xi32, #tpu.memory_space<vmem>>, %arg10: memref<1024xi32, #tpu.memory_space<vmem>>, %arg11: memref<1024xi32, #tpu.memory_space<vmem>>, %arg12: memref<1024xf32, #tpu.memory_space<vmem>>) attributes {dimension_semantics = [#tpu.dimension_semantics<core_parallel>, #tpu.dimension_semantics<subcore_parallel>], iteration_bounds = array<i64: 2, 16>, scalar_prefetch = 0 : i64, scratch_operands = 4 : i64, tpu.core_type = #tpu.core_type<sc_vector_subcore>, window_params = [{transform_indices = #map}, {transform_indices = #map}, {transform_indices = #map}, {transform_indices = #map}, {transform_indices = #map}, {transform_indices = #map}, {transform_indices = #map}]} {
    %mul3A = arith.constant 2 : i32
    %mul3A_0 = arith.muli %arg1, %mul3A : i32
    %add3A = arith.addi %mul3A_0, %arg0 : i32
    %mul3A_1 = arith.constant 1024 : i32
    %mul3A_2 = arith.muli %add3A, %mul3A_1 : i32
    "tpu.region"() ({
      %run_scoped3A = tpu.sem_alloc : memref<!tpu.dma_semaphore, #tpu.memory_space<semaphore_mem>>
      %dma_start3A = tpu.memref_slice %arg5[%mul3A_2] : memref<32768xi32, #tpu.memory_space<hbm>> -> memref<1024xi32, #tpu.memory_space<hbm>>
      %dma_start3A_21 = tpu.memref_slice %arg5[%mul3A_2] : memref<32768xi32, #tpu.memory_space<hbm>> -> memref<1024xi32, #tpu.memory_space<hbm>>
      tpu.enqueue_dma source(%dma_start3A_21 : memref<1024xi32, #tpu.memory_space<hbm>>) target(%arg9 : memref<1024xi32, #tpu.memory_space<vmem>>) target_semaphore(%run_scoped3A : memref<!tpu.dma_semaphore, #tpu.memory_space<semaphore_mem>>)
      %dma_wait3A = tpu.memref_slice %arg5[%mul3A_2] : memref<32768xi32, #tpu.memory_space<hbm>> -> memref<1024xi32, #tpu.memory_space<hbm>>
      %dma_wait3A_22 = tpu.memref_slice %arg5[%mul3A_2] : memref<32768xi32, #tpu.memory_space<hbm>> -> memref<1024xi32, #tpu.memory_space<hbm>>
      tpu.wait_dma2 semaphore(%run_scoped3A : memref<!tpu.dma_semaphore, #tpu.memory_space<semaphore_mem>>) src(%dma_wait3A_22 : memref<1024xi32, #tpu.memory_space<hbm>>) dst(%arg9 : memref<1024xi32, #tpu.memory_space<vmem>>)
      tpu.yield
    }) : () -> ()
    "tpu.region"() ({
      %run_scoped3A = tpu.sem_alloc : memref<!tpu.dma_semaphore, #tpu.memory_space<semaphore_mem>>
      %dma_start3A = tpu.memref_slice %arg6[%mul3A_2] : memref<32768xi32, #tpu.memory_space<hbm>> -> memref<1024xi32, #tpu.memory_space<hbm>>
      %dma_start3A_21 = tpu.memref_slice %arg6[%mul3A_2] : memref<32768xi32, #tpu.memory_space<hbm>> -> memref<1024xi32, #tpu.memory_space<hbm>>
      tpu.enqueue_dma source(%dma_start3A_21 : memref<1024xi32, #tpu.memory_space<hbm>>) target(%arg10 : memref<1024xi32, #tpu.memory_space<vmem>>) target_semaphore(%run_scoped3A : memref<!tpu.dma_semaphore, #tpu.memory_space<semaphore_mem>>)
      %dma_wait3A = tpu.memref_slice %arg6[%mul3A_2] : memref<32768xi32, #tpu.memory_space<hbm>> -> memref<1024xi32, #tpu.memory_space<hbm>>
      %dma_wait3A_22 = tpu.memref_slice %arg6[%mul3A_2] : memref<32768xi32, #tpu.memory_space<hbm>> -> memref<1024xi32, #tpu.memory_space<hbm>>
      tpu.wait_dma2 semaphore(%run_scoped3A : memref<!tpu.dma_semaphore, #tpu.memory_space<semaphore_mem>>) src(%dma_wait3A_22 : memref<1024xi32, #tpu.memory_space<hbm>>) dst(%arg10 : memref<1024xi32, #tpu.memory_space<vmem>>)
      tpu.yield
    }) : () -> ()
    "tpu.region"() ({
      %run_scoped3A = tpu.sem_alloc : memref<!tpu.dma_semaphore, #tpu.memory_space<semaphore_mem>>
      %dma_start3A = tpu.memref_slice %arg7[%mul3A_2] : memref<32768xi32, #tpu.memory_space<hbm>> -> memref<1024xi32, #tpu.memory_space<hbm>>
      %dma_start3A_21 = tpu.memref_slice %arg7[%mul3A_2] : memref<32768xi32, #tpu.memory_space<hbm>> -> memref<1024xi32, #tpu.memory_space<hbm>>
      tpu.enqueue_dma source(%dma_start3A_21 : memref<1024xi32, #tpu.memory_space<hbm>>) target(%arg11 : memref<1024xi32, #tpu.memory_space<vmem>>) target_semaphore(%run_scoped3A : memref<!tpu.dma_semaphore, #tpu.memory_space<semaphore_mem>>)
      %dma_wait3A = tpu.memref_slice %arg7[%mul3A_2] : memref<32768xi32, #tpu.memory_space<hbm>> -> memref<1024xi32, #tpu.memory_space<hbm>>
      %dma_wait3A_22 = tpu.memref_slice %arg7[%mul3A_2] : memref<32768xi32, #tpu.memory_space<hbm>> -> memref<1024xi32, #tpu.memory_space<hbm>>
      tpu.wait_dma2 semaphore(%run_scoped3A : memref<!tpu.dma_semaphore, #tpu.memory_space<semaphore_mem>>) src(%dma_wait3A_22 : memref<1024xi32, #tpu.memory_space<hbm>>) dst(%arg11 : memref<1024xi32, #tpu.memory_space<vmem>>)
      tpu.yield
    }) : () -> ()
    "tpu.region"() ({
      %run_scoped3A = tpu.sem_alloc : memref<!tpu.dma_semaphore, #tpu.memory_space<semaphore_mem>>
      %dma_start3A = arith.constant 0 : i32
      %dma_start3A_21 = tpu.memref_slice %arg2[%dma_start3A] : memref<16384xf32, #tpu.memory_space<hbm>> -> memref<16384xf32, #tpu.memory_space<hbm>>
      tpu.enqueue_indirect_dma source(%dma_start3A_21 : memref<16384xf32, #tpu.memory_space<hbm>>) target(%arg12 : memref<1024xf32, #tpu.memory_space<vmem>>) offsets(%arg9 : memref<1024xi32, #tpu.memory_space<vmem>>) semaphore(%run_scoped3A : memref<!tpu.dma_semaphore, #tpu.memory_space<semaphore_mem>>)
      %dma_wait3A = arith.constant 0 : i32
      %dma_wait3A_22 = tpu.memref_slice %arg2[%dma_wait3A] : memref<16384xf32, #tpu.memory_space<hbm>> -> memref<16384xf32, #tpu.memory_space<hbm>>
      tpu.wait_indirect_dma semaphore(%run_scoped3A : memref<!tpu.dma_semaphore, #tpu.memory_space<semaphore_mem>>) src(%dma_wait3A_22 : memref<16384xf32, #tpu.memory_space<hbm>>) dst(%arg12 : memref<1024xf32, #tpu.memory_space<vmem>>)
      tpu.yield
    }) : () -> ()
    %add3A_3 = arith.constant 0 : i32
    %add3A_4 = arith.addi %add3A_3, %mul3A_2 : i32
    "tpu.region"() ({
      %run_scoped3A = tpu.sem_alloc : memref<!tpu.dma_semaphore, #tpu.memory_space<semaphore_mem>>
      %dma_start3A = tpu.memref_slice %arg8[%add3A_4] : memref<294912xf32, #tpu.memory_space<hbm>> -> memref<1024xf32, #tpu.memory_space<hbm>>
      %dma_start3A_21 = tpu.memref_slice %arg8[%add3A_4] : memref<294912xf32, #tpu.memory_space<hbm>> -> memref<1024xf32, #tpu.memory_space<hbm>>
      tpu.enqueue_dma source(%arg12 : memref<1024xf32, #tpu.memory_space<vmem>>) target(%dma_start3A_21 : memref<1024xf32, #tpu.memory_space<hbm>>) target_semaphore(%run_scoped3A : memref<!tpu.dma_semaphore, #tpu.memory_space<semaphore_mem>>)
      %dma_wait3A = tpu.memref_slice %arg8[%add3A_4] : memref<294912xf32, #tpu.memory_space<hbm>> -> memref<1024xf32, #tpu.memory_space<hbm>>
      %dma_wait3A_22 = tpu.memref_slice %arg8[%add3A_4] : memref<294912xf32, #tpu.memory_space<hbm>> -> memref<1024xf32, #tpu.memory_space<hbm>>
      tpu.wait_dma2 semaphore(%run_scoped3A : memref<!tpu.dma_semaphore, #tpu.memory_space<semaphore_mem>>) src(%arg12 : memref<1024xf32, #tpu.memory_space<vmem>>) dst(%dma_wait3A_22 : memref<1024xf32, #tpu.memory_space<hbm>>)
      tpu.yield
    }) : () -> ()
    "tpu.region"() ({
      %run_scoped3A = tpu.sem_alloc : memref<!tpu.dma_semaphore, #tpu.memory_space<semaphore_mem>>
      %dma_start3A = arith.constant 0 : i32
      %dma_start3A_21 = tpu.memref_slice %arg3[%dma_start3A] : memref<16384xf32, #tpu.memory_space<hbm>> -> memref<16384xf32, #tpu.memory_space<hbm>>
      tpu.enqueue_indirect_dma source(%dma_start3A_21 : memref<16384xf32, #tpu.memory_space<hbm>>) target(%arg12 : memref<1024xf32, #tpu.memory_space<vmem>>) offsets(%arg9 : memref<1024xi32, #tpu.memory_space<vmem>>) semaphore(%run_scoped3A : memref<!tpu.dma_semaphore, #tpu.memory_space<semaphore_mem>>)
      %dma_wait3A = arith.constant 0 : i32
      %dma_wait3A_22 = tpu.memref_slice %arg3[%dma_wait3A] : memref<16384xf32, #tpu.memory_space<hbm>> -> memref<16384xf32, #tpu.memory_space<hbm>>
      tpu.wait_indirect_dma semaphore(%run_scoped3A : memref<!tpu.dma_semaphore, #tpu.memory_space<semaphore_mem>>) src(%dma_wait3A_22 : memref<16384xf32, #tpu.memory_space<hbm>>) dst(%arg12 : memref<1024xf32, #tpu.memory_space<vmem>>)
      tpu.yield
    }) : () -> ()
    %add3A_5 = arith.constant 32768 : i32
    %add3A_6 = arith.addi %add3A_5, %mul3A_2 : i32
    "tpu.region"() ({
      %run_scoped3A = tpu.sem_alloc : memref<!tpu.dma_semaphore, #tpu.memory_space<semaphore_mem>>
      %dma_start3A = tpu.memref_slice %arg8[%add3A_6] : memref<294912xf32, #tpu.memory_space<hbm>> -> memref<1024xf32, #tpu.memory_space<hbm>>
      %dma_start3A_21 = tpu.memref_slice %arg8[%add3A_6] : memref<294912xf32, #tpu.memory_space<hbm>> -> memref<1024xf32, #tpu.memory_space<hbm>>
      tpu.enqueue_dma source(%arg12 : memref<1024xf32, #tpu.memory_space<vmem>>) target(%dma_start3A_21 : memref<1024xf32, #tpu.memory_space<hbm>>) target_semaphore(%run_scoped3A : memref<!tpu.dma_semaphore, #tpu.memory_space<semaphore_mem>>)
      %dma_wait3A = tpu.memref_slice %arg8[%add3A_6] : memref<294912xf32, #tpu.memory_space<hbm>> -> memref<1024xf32, #tpu.memory_space<hbm>>
      %dma_wait3A_22 = tpu.memref_slice %arg8[%add3A_6] : memref<294912xf32, #tpu.memory_space<hbm>> -> memref<1024xf32, #tpu.memory_space<hbm>>
      tpu.wait_dma2 semaphore(%run_scoped3A : memref<!tpu.dma_semaphore, #tpu.memory_space<semaphore_mem>>) src(%arg12 : memref<1024xf32, #tpu.memory_space<vmem>>) dst(%dma_wait3A_22 : memref<1024xf32, #tpu.memory_space<hbm>>)
      tpu.yield
    }) : () -> ()
    "tpu.region"() ({
      %run_scoped3A = tpu.sem_alloc : memref<!tpu.dma_semaphore, #tpu.memory_space<semaphore_mem>>
      %dma_start3A = arith.constant 0 : i32
      %dma_start3A_21 = tpu.memref_slice %arg4[%dma_start3A] : memref<16384xf32, #tpu.memory_space<hbm>> -> memref<16384xf32, #tpu.memory_space<hbm>>
      tpu.enqueue_indirect_dma source(%dma_start3A_21 : memref<16384xf32, #tpu.memory_space<hbm>>) target(%arg12 : memref<1024xf32, #tpu.memory_space<vmem>>) offsets(%arg9 : memref<1024xi32, #tpu.memory_space<vmem>>) semaphore(%run_scoped3A : memref<!tpu.dma_semaphore, #tpu.memory_space<semaphore_mem>>)
      %dma_wait3A = arith.constant 0 : i32
      %dma_wait3A_22 = tpu.memref_slice %arg4[%dma_wait3A] : memref<16384xf32, #tpu.memory_space<hbm>> -> memref<16384xf32, #tpu.memory_space<hbm>>
      tpu.wait_indirect_dma semaphore(%run_scoped3A : memref<!tpu.dma_semaphore, #tpu.memory_space<semaphore_mem>>) src(%dma_wait3A_22 : memref<16384xf32, #tpu.memory_space<hbm>>) dst(%arg12 : memref<1024xf32, #tpu.memory_space<vmem>>)
      tpu.yield
    }) : () -> ()
    %add3A_7 = arith.constant 65536 : i32
    %add3A_8 = arith.addi %add3A_7, %mul3A_2 : i32
    "tpu.region"() ({
      %run_scoped3A = tpu.sem_alloc : memref<!tpu.dma_semaphore, #tpu.memory_space<semaphore_mem>>
      %dma_start3A = tpu.memref_slice %arg8[%add3A_8] : memref<294912xf32, #tpu.memory_space<hbm>> -> memref<1024xf32, #tpu.memory_space<hbm>>
      %dma_start3A_21 = tpu.memref_slice %arg8[%add3A_8] : memref<294912xf32, #tpu.memory_space<hbm>> -> memref<1024xf32, #tpu.memory_space<hbm>>
      tpu.enqueue_dma source(%arg12 : memref<1024xf32, #tpu.memory_space<vmem>>) target(%dma_start3A_21 : memref<1024xf32, #tpu.memory_space<hbm>>) target_semaphore(%run_scoped3A : memref<!tpu.dma_semaphore, #tpu.memory_space<semaphore_mem>>)
      %dma_wait3A = tpu.memref_slice %arg8[%add3A_8] : memref<294912xf32, #tpu.memory_space<hbm>> -> memref<1024xf32, #tpu.memory_space<hbm>>
      %dma_wait3A_22 = tpu.memref_slice %arg8[%add3A_8] : memref<294912xf32, #tpu.memory_space<hbm>> -> memref<1024xf32, #tpu.memory_space<hbm>>
      tpu.wait_dma2 semaphore(%run_scoped3A : memref<!tpu.dma_semaphore, #tpu.memory_space<semaphore_mem>>) src(%arg12 : memref<1024xf32, #tpu.memory_space<vmem>>) dst(%dma_wait3A_22 : memref<1024xf32, #tpu.memory_space<hbm>>)
      tpu.yield
    }) : () -> ()
    "tpu.region"() ({
      %run_scoped3A = tpu.sem_alloc : memref<!tpu.dma_semaphore, #tpu.memory_space<semaphore_mem>>
      %dma_start3A = arith.constant 0 : i32
      %dma_start3A_21 = tpu.memref_slice %arg2[%dma_start3A] : memref<16384xf32, #tpu.memory_space<hbm>> -> memref<16384xf32, #tpu.memory_space<hbm>>
      tpu.enqueue_indirect_dma source(%dma_start3A_21 : memref<16384xf32, #tpu.memory_space<hbm>>) target(%arg12 : memref<1024xf32, #tpu.memory_space<vmem>>) offsets(%arg10 : memref<1024xi32, #tpu.memory_space<vmem>>) semaphore(%run_scoped3A : memref<!tpu.dma_semaphore, #tpu.memory_space<semaphore_mem>>)
      %dma_wait3A = arith.constant 0 : i32
      %dma_wait3A_22 = tpu.memref_slice %arg2[%dma_wait3A] : memref<16384xf32, #tpu.memory_space<hbm>> -> memref<16384xf32, #tpu.memory_space<hbm>>
      tpu.wait_indirect_dma semaphore(%run_scoped3A : memref<!tpu.dma_semaphore, #tpu.memory_space<semaphore_mem>>) src(%dma_wait3A_22 : memref<16384xf32, #tpu.memory_space<hbm>>) dst(%arg12 : memref<1024xf32, #tpu.memory_space<vmem>>)
      tpu.yield
    }) : () -> ()
    %add3A_9 = arith.constant 98304 : i32
    %add3A_10 = arith.addi %add3A_9, %mul3A_2 : i32
    "tpu.region"() ({
      %run_scoped3A = tpu.sem_alloc : memref<!tpu.dma_semaphore, #tpu.memory_space<semaphore_mem>>
      %dma_start3A = tpu.memref_slice %arg8[%add3A_10] : memref<294912xf32, #tpu.memory_space<hbm>> -> memref<1024xf32, #tpu.memory_space<hbm>>
      %dma_start3A_21 = tpu.memref_slice %arg8[%add3A_10] : memref<294912xf32, #tpu.memory_space<hbm>> -> memref<1024xf32, #tpu.memory_space<hbm>>
      tpu.enqueue_dma source(%arg12 : memref<1024xf32, #tpu.memory_space<vmem>>) target(%dma_start3A_21 : memref<1024xf32, #tpu.memory_space<hbm>>) target_semaphore(%run_scoped3A : memref<!tpu.dma_semaphore, #tpu.memory_space<semaphore_mem>>)
      %dma_wait3A = tpu.memref_slice %arg8[%add3A_10] : memref<294912xf32, #tpu.memory_space<hbm>> -> memref<1024xf32, #tpu.memory_space<hbm>>
      %dma_wait3A_22 = tpu.memref_slice %arg8[%add3A_10] : memref<294912xf32, #tpu.memory_space<hbm>> -> memref<1024xf32, #tpu.memory_space<hbm>>
      tpu.wait_dma2 semaphore(%run_scoped3A : memref<!tpu.dma_semaphore, #tpu.memory_space<semaphore_mem>>) src(%arg12 : memref<1024xf32, #tpu.memory_space<vmem>>) dst(%dma_wait3A_22 : memref<1024xf32, #tpu.memory_space<hbm>>)
      tpu.yield
    }) : () -> ()
    "tpu.region"() ({
      %run_scoped3A = tpu.sem_alloc : memref<!tpu.dma_semaphore, #tpu.memory_space<semaphore_mem>>
      %dma_start3A = arith.constant 0 : i32
      %dma_start3A_21 = tpu.memref_slice %arg3[%dma_start3A] : memref<16384xf32, #tpu.memory_space<hbm>> -> memref<16384xf32, #tpu.memory_space<hbm>>
      tpu.enqueue_indirect_dma source(%dma_start3A_21 : memref<16384xf32, #tpu.memory_space<hbm>>) target(%arg12 : memref<1024xf32, #tpu.memory_space<vmem>>) offsets(%arg10 : memref<1024xi32, #tpu.memory_space<vmem>>) semaphore(%run_scoped3A : memref<!tpu.dma_semaphore, #tpu.memory_space<semaphore_mem>>)
      %dma_wait3A = arith.constant 0 : i32
      %dma_wait3A_22 = tpu.memref_slice %arg3[%dma_wait3A] : memref<16384xf32, #tpu.memory_space<hbm>> -> memref<16384xf32, #tpu.memory_space<hbm>>
      tpu.wait_indirect_dma semaphore(%run_scoped3A : memref<!tpu.dma_semaphore, #tpu.memory_space<semaphore_mem>>) src(%dma_wait3A_22 : memref<16384xf32, #tpu.memory_space<hbm>>) dst(%arg12 : memref<1024xf32, #tpu.memory_space<vmem>>)
      tpu.yield
    }) : () -> ()
    %add3A_11 = arith.constant 131072 : i32
    %add3A_12 = arith.addi %add3A_11, %mul3A_2 : i32
    "tpu.region"() ({
      %run_scoped3A = tpu.sem_alloc : memref<!tpu.dma_semaphore, #tpu.memory_space<semaphore_mem>>
      %dma_start3A = tpu.memref_slice %arg8[%add3A_12] : memref<294912xf32, #tpu.memory_space<hbm>> -> memref<1024xf32, #tpu.memory_space<hbm>>
      %dma_start3A_21 = tpu.memref_slice %arg8[%add3A_12] : memref<294912xf32, #tpu.memory_space<hbm>> -> memref<1024xf32, #tpu.memory_space<hbm>>
      tpu.enqueue_dma source(%arg12 : memref<1024xf32, #tpu.memory_space<vmem>>) target(%dma_start3A_21 : memref<1024xf32, #tpu.memory_space<hbm>>) target_semaphore(%run_scoped3A : memref<!tpu.dma_semaphore, #tpu.memory_space<semaphore_mem>>)
      %dma_wait3A = tpu.memref_slice %arg8[%add3A_12] : memref<294912xf32, #tpu.memory_space<hbm>> -> memref<1024xf32, #tpu.memory_space<hbm>>
      %dma_wait3A_22 = tpu.memref_slice %arg8[%add3A_12] : memref<294912xf32, #tpu.memory_space<hbm>> -> memref<1024xf32, #tpu.memory_space<hbm>>
      tpu.wait_dma2 semaphore(%run_scoped3A : memref<!tpu.dma_semaphore, #tpu.memory_space<semaphore_mem>>) src(%arg12 : memref<1024xf32, #tpu.memory_space<vmem>>) dst(%dma_wait3A_22 : memref<1024xf32, #tpu.memory_space<hbm>>)
      tpu.yield
    }) : () -> ()
    "tpu.region"() ({
      %run_scoped3A = tpu.sem_alloc : memref<!tpu.dma_semaphore, #tpu.memory_space<semaphore_mem>>
      %dma_start3A = arith.constant 0 : i32
      %dma_start3A_21 = tpu.memref_slice %arg4[%dma_start3A] : memref<16384xf32, #tpu.memory_space<hbm>> -> memref<16384xf32, #tpu.memory_space<hbm>>
      tpu.enqueue_indirect_dma source(%dma_start3A_21 : memref<16384xf32, #tpu.memory_space<hbm>>) target(%arg12 : memref<1024xf32, #tpu.memory_space<vmem>>) offsets(%arg10 : memref<1024xi32, #tpu.memory_space<vmem>>) semaphore(%run_scoped3A : memref<!tpu.dma_semaphore, #tpu.memory_space<semaphore_mem>>)
      %dma_wait3A = arith.constant 0 : i32
      %dma_wait3A_22 = tpu.memref_slice %arg4[%dma_wait3A] : memref<16384xf32, #tpu.memory_space<hbm>> -> memref<16384xf32, #tpu.memory_space<hbm>>
      tpu.wait_indirect_dma semaphore(%run_scoped3A : memref<!tpu.dma_semaphore, #tpu.memory_space<semaphore_mem>>) src(%dma_wait3A_22 : memref<16384xf32, #tpu.memory_space<hbm>>) dst(%arg12 : memref<1024xf32, #tpu.memory_space<vmem>>)
      tpu.yield
    }) : () -> ()
    %add3A_13 = arith.constant 163840 : i32
    %add3A_14 = arith.addi %add3A_13, %mul3A_2 : i32
    "tpu.region"() ({
      %run_scoped3A = tpu.sem_alloc : memref<!tpu.dma_semaphore, #tpu.memory_space<semaphore_mem>>
      %dma_start3A = tpu.memref_slice %arg8[%add3A_14] : memref<294912xf32, #tpu.memory_space<hbm>> -> memref<1024xf32, #tpu.memory_space<hbm>>
      %dma_start3A_21 = tpu.memref_slice %arg8[%add3A_14] : memref<294912xf32, #tpu.memory_space<hbm>> -> memref<1024xf32, #tpu.memory_space<hbm>>
      tpu.enqueue_dma source(%arg12 : memref<1024xf32, #tpu.memory_space<vmem>>) target(%dma_start3A_21 : memref<1024xf32, #tpu.memory_space<hbm>>) target_semaphore(%run_scoped3A : memref<!tpu.dma_semaphore, #tpu.memory_space<semaphore_mem>>)
      %dma_wait3A = tpu.memref_slice %arg8[%add3A_14] : memref<294912xf32, #tpu.memory_space<hbm>> -> memref<1024xf32, #tpu.memory_space<hbm>>
      %dma_wait3A_22 = tpu.memref_slice %arg8[%add3A_14] : memref<294912xf32, #tpu.memory_space<hbm>> -> memref<1024xf32, #tpu.memory_space<hbm>>
      tpu.wait_dma2 semaphore(%run_scoped3A : memref<!tpu.dma_semaphore, #tpu.memory_space<semaphore_mem>>) src(%arg12 : memref<1024xf32, #tpu.memory_space<vmem>>) dst(%dma_wait3A_22 : memref<1024xf32, #tpu.memory_space<hbm>>)
      tpu.yield
    }) : () -> ()
    "tpu.region"() ({
      %run_scoped3A = tpu.sem_alloc : memref<!tpu.dma_semaphore, #tpu.memory_space<semaphore_mem>>
      %dma_start3A = arith.constant 0 : i32
      %dma_start3A_21 = tpu.memref_slice %arg2[%dma_start3A] : memref<16384xf32, #tpu.memory_space<hbm>> -> memref<16384xf32, #tpu.memory_space<hbm>>
      tpu.enqueue_indirect_dma source(%dma_start3A_21 : memref<16384xf32, #tpu.memory_space<hbm>>) target(%arg12 : memref<1024xf32, #tpu.memory_space<vmem>>) offsets(%arg11 : memref<1024xi32, #tpu.memory_space<vmem>>) semaphore(%run_scoped3A : memref<!tpu.dma_semaphore, #tpu.memory_space<semaphore_mem>>)
      %dma_wait3A = arith.constant 0 : i32
      %dma_wait3A_22 = tpu.memref_slice %arg2[%dma_wait3A] : memref<16384xf32, #tpu.memory_space<hbm>> -> memref<16384xf32, #tpu.memory_space<hbm>>
      tpu.wait_indirect_dma semaphore(%run_scoped3A : memref<!tpu.dma_semaphore, #tpu.memory_space<semaphore_mem>>) src(%dma_wait3A_22 : memref<16384xf32, #tpu.memory_space<hbm>>) dst(%arg12 : memref<1024xf32, #tpu.memory_space<vmem>>)
      tpu.yield
    }) : () -> ()
    %add3A_15 = arith.constant 196608 : i32
    %add3A_16 = arith.addi %add3A_15, %mul3A_2 : i32
    "tpu.region"() ({
      %run_scoped3A = tpu.sem_alloc : memref<!tpu.dma_semaphore, #tpu.memory_space<semaphore_mem>>
      %dma_start3A = tpu.memref_slice %arg8[%add3A_16] : memref<294912xf32, #tpu.memory_space<hbm>> -> memref<1024xf32, #tpu.memory_space<hbm>>
      %dma_start3A_21 = tpu.memref_slice %arg8[%add3A_16] : memref<294912xf32, #tpu.memory_space<hbm>> -> memref<1024xf32, #tpu.memory_space<hbm>>
      tpu.enqueue_dma source(%arg12 : memref<1024xf32, #tpu.memory_space<vmem>>) target(%dma_start3A_21 : memref<1024xf32, #tpu.memory_space<hbm>>) target_semaphore(%run_scoped3A : memref<!tpu.dma_semaphore, #tpu.memory_space<semaphore_mem>>)
      %dma_wait3A = tpu.memref_slice %arg8[%add3A_16] : memref<294912xf32, #tpu.memory_space<hbm>> -> memref<1024xf32, #tpu.memory_space<hbm>>
      %dma_wait3A_22 = tpu.memref_slice %arg8[%add3A_16] : memref<294912xf32, #tpu.memory_space<hbm>> -> memref<1024xf32, #tpu.memory_space<hbm>>
      tpu.wait_dma2 semaphore(%run_scoped3A : memref<!tpu.dma_semaphore, #tpu.memory_space<semaphore_mem>>) src(%arg12 : memref<1024xf32, #tpu.memory_space<vmem>>) dst(%dma_wait3A_22 : memref<1024xf32, #tpu.memory_space<hbm>>)
      tpu.yield
    }) : () -> ()
    "tpu.region"() ({
      %run_scoped3A = tpu.sem_alloc : memref<!tpu.dma_semaphore, #tpu.memory_space<semaphore_mem>>
      %dma_start3A = arith.constant 0 : i32
      %dma_start3A_21 = tpu.memref_slice %arg3[%dma_start3A] : memref<16384xf32, #tpu.memory_space<hbm>> -> memref<16384xf32, #tpu.memory_space<hbm>>
      tpu.enqueue_indirect_dma source(%dma_start3A_21 : memref<16384xf32, #tpu.memory_space<hbm>>) target(%arg12 : memref<1024xf32, #tpu.memory_space<vmem>>) offsets(%arg11 : memref<1024xi32, #tpu.memory_space<vmem>>) semaphore(%run_scoped3A : memref<!tpu.dma_semaphore, #tpu.memory_space<semaphore_mem>>)
      %dma_wait3A = arith.constant 0 : i32
      %dma_wait3A_22 = tpu.memref_slice %arg3[%dma_wait3A] : memref<16384xf32, #tpu.memory_space<hbm>> -> memref<16384xf32, #tpu.memory_space<hbm>>
      tpu.wait_indirect_dma semaphore(%run_scoped3A : memref<!tpu.dma_semaphore, #tpu.memory_space<semaphore_mem>>) src(%dma_wait3A_22 : memref<16384xf32, #tpu.memory_space<hbm>>) dst(%arg12 : memref<1024xf32, #tpu.memory_space<vmem>>)
      tpu.yield
    }) : () -> ()
    %add3A_17 = arith.constant 229376 : i32
    %add3A_18 = arith.addi %add3A_17, %mul3A_2 : i32
    "tpu.region"() ({
      %run_scoped3A = tpu.sem_alloc : memref<!tpu.dma_semaphore, #tpu.memory_space<semaphore_mem>>
      %dma_start3A = tpu.memref_slice %arg8[%add3A_18] : memref<294912xf32, #tpu.memory_space<hbm>> -> memref<1024xf32, #tpu.memory_space<hbm>>
      %dma_start3A_21 = tpu.memref_slice %arg8[%add3A_18] : memref<294912xf32, #tpu.memory_space<hbm>> -> memref<1024xf32, #tpu.memory_space<hbm>>
      tpu.enqueue_dma source(%arg12 : memref<1024xf32, #tpu.memory_space<vmem>>) target(%dma_start3A_21 : memref<1024xf32, #tpu.memory_space<hbm>>) target_semaphore(%run_scoped3A : memref<!tpu.dma_semaphore, #tpu.memory_space<semaphore_mem>>)
      %dma_wait3A = tpu.memref_slice %arg8[%add3A_18] : memref<294912xf32, #tpu.memory_space<hbm>> -> memref<1024xf32, #tpu.memory_space<hbm>>
      %dma_wait3A_22 = tpu.memref_slice %arg8[%add3A_18] : memref<294912xf32, #tpu.memory_space<hbm>> -> memref<1024xf32, #tpu.memory_space<hbm>>
      tpu.wait_dma2 semaphore(%run_scoped3A : memref<!tpu.dma_semaphore, #tpu.memory_space<semaphore_mem>>) src(%arg12 : memref<1024xf32, #tpu.memory_space<vmem>>) dst(%dma_wait3A_22 : memref<1024xf32, #tpu.memory_space<hbm>>)
      tpu.yield
    }) : () -> ()
    "tpu.region"() ({
      %run_scoped3A = tpu.sem_alloc : memref<!tpu.dma_semaphore, #tpu.memory_space<semaphore_mem>>
      %dma_start3A = arith.constant 0 : i32
      %dma_start3A_21 = tpu.memref_slice %arg4[%dma_start3A] : memref<16384xf32, #tpu.memory_space<hbm>> -> memref<16384xf32, #tpu.memory_space<hbm>>
      tpu.enqueue_indirect_dma source(%dma_start3A_21 : memref<16384xf32, #tpu.memory_space<hbm>>) target(%arg12 : memref<1024xf32, #tpu.memory_space<vmem>>) offsets(%arg11 : memref<1024xi32, #tpu.memory_space<vmem>>) semaphore(%run_scoped3A : memref<!tpu.dma_semaphore, #tpu.memory_space<semaphore_mem>>)
      %dma_wait3A = arith.constant 0 : i32
      %dma_wait3A_22 = tpu.memref_slice %arg4[%dma_wait3A] : memref<16384xf32, #tpu.memory_space<hbm>> -> memref<16384xf32, #tpu.memory_space<hbm>>
      tpu.wait_indirect_dma semaphore(%run_scoped3A : memref<!tpu.dma_semaphore, #tpu.memory_space<semaphore_mem>>) src(%dma_wait3A_22 : memref<16384xf32, #tpu.memory_space<hbm>>) dst(%arg12 : memref<1024xf32, #tpu.memory_space<vmem>>)
      tpu.yield
    }) : () -> ()
    %add3A_19 = arith.constant 262144 : i32
    %add3A_20 = arith.addi %add3A_19, %mul3A_2 : i32
    "tpu.region"() ({
      %run_scoped3A = tpu.sem_alloc : memref<!tpu.dma_semaphore, #tpu.memory_space<semaphore_mem>>
      %dma_start3A = tpu.memref_slice %arg8[%add3A_20] : memref<294912xf32, #tpu.memory_space<hbm>> -> memref<1024xf32, #tpu.memory_space<hbm>>
      %dma_start3A_21 = tpu.memref_slice %arg8[%add3A_20] : memref<294912xf32, #tpu.memory_space<hbm>> -> memref<1024xf32, #tpu.memory_space<hbm>>
      tpu.enqueue_dma source(%arg12 : memref<1024xf32, #tpu.memory_space<vmem>>) target(%dma_start3A_21 : memref<1024xf32, #tpu.memory_space<hbm>>) target_semaphore(%run_scoped3A : memref<!tpu.dma_semaphore, #tpu.memory_space<semaphore_mem>>)
      %dma_wait3A = tpu.memref_slice %arg8[%add3A_20] : memref<294912xf32, #tpu.memory_space<hbm>> -> memref<1024xf32, #tpu.memory_space<hbm>>
      %dma_wait3A_22 = tpu.memref_slice %arg8[%add3A_20] : memref<294912xf32, #tpu.memory_space<hbm>> -> memref<1024xf32, #tpu.memory_space<hbm>>
      tpu.wait_dma2 semaphore(%run_scoped3A : memref<!tpu.dma_semaphore, #tpu.memory_space<semaphore_mem>>) src(%arg12 : memref<1024xf32, #tpu.memory_space<vmem>>) dst(%dma_wait3A_22 : memref<1024xf32, #tpu.memory_space<hbm>>)
      tpu.yield
    }) : () -> ()
    return
  }
}

#map = affine_map<(d0, d1) -> (0)>
module attributes {stable_mosaic.version = 14 : i64} {
  func.func @_c1_body(%arg0: i32, %arg1: i32, %arg2: memref<16384xf32, #tpu.memory_space<hbm>>, %arg3: memref<16384xf32, #tpu.memory_space<hbm>>, %arg4: memref<16384xf32, #tpu.memory_space<hbm>>, %arg5: memref<16384xf32, #tpu.memory_space<hbm>>, %arg6: memref<16384xf32, #tpu.memory_space<hbm>>, %arg7: memref<16384xf32, #tpu.memory_space<hbm>>, %arg8: memref<16384xi32, #tpu.memory_space<hbm>>, %arg9: memref<98304xf32, #tpu.memory_space<hbm>>, %arg10: memref<512xi32, #tpu.memory_space<vmem>>, %arg11: memref<512xf32, #tpu.memory_space<vmem>>) attributes {dimension_semantics = [#tpu.dimension_semantics<core_parallel>, #tpu.dimension_semantics<subcore_parallel>], iteration_bounds = array<i64: 2, 16>, scalar_prefetch = 0 : i64, scratch_operands = 2 : i64, tpu.core_type = #tpu.core_type<sc_vector_subcore>, window_params = [{transform_indices = #map}, {transform_indices = #map}, {transform_indices = #map}, {transform_indices = #map}, {transform_indices = #map}, {transform_indices = #map}, {transform_indices = #map}, {transform_indices = #map}]} {
    %mul3A = arith.constant 2 : i32
    %mul3A_0 = arith.muli %arg1, %mul3A : i32
    %add3A = arith.addi %mul3A_0, %arg0 : i32
    %mul3A_1 = arith.constant 512 : i32
    %mul3A_2 = arith.muli %add3A, %mul3A_1 : i32
    "tpu.region"() ({
      %run_scoped3A = tpu.sem_alloc : memref<!tpu.dma_semaphore, #tpu.memory_space<semaphore_mem>>
      %dma_start3A = tpu.memref_slice %arg8[%mul3A_2] : memref<16384xi32, #tpu.memory_space<hbm>> -> memref<512xi32, #tpu.memory_space<hbm>>
      %dma_start3A_15 = tpu.memref_slice %arg8[%mul3A_2] : memref<16384xi32, #tpu.memory_space<hbm>> -> memref<512xi32, #tpu.memory_space<hbm>>
      tpu.enqueue_dma source(%dma_start3A_15 : memref<512xi32, #tpu.memory_space<hbm>>) target(%arg10 : memref<512xi32, #tpu.memory_space<vmem>>) target_semaphore(%run_scoped3A : memref<!tpu.dma_semaphore, #tpu.memory_space<semaphore_mem>>)
      %dma_wait3A = tpu.memref_slice %arg8[%mul3A_2] : memref<16384xi32, #tpu.memory_space<hbm>> -> memref<512xi32, #tpu.memory_space<hbm>>
      %dma_wait3A_16 = tpu.memref_slice %arg8[%mul3A_2] : memref<16384xi32, #tpu.memory_space<hbm>> -> memref<512xi32, #tpu.memory_space<hbm>>
      tpu.wait_dma2 semaphore(%run_scoped3A : memref<!tpu.dma_semaphore, #tpu.memory_space<semaphore_mem>>) src(%dma_wait3A_16 : memref<512xi32, #tpu.memory_space<hbm>>) dst(%arg10 : memref<512xi32, #tpu.memory_space<vmem>>)
      tpu.yield
    }) : () -> ()
    "tpu.region"() ({
      %run_scoped3A = tpu.sem_alloc : memref<!tpu.dma_semaphore, #tpu.memory_space<semaphore_mem>>
      %dma_start3A = arith.constant 0 : i32
      %dma_start3A_15 = tpu.memref_slice %arg2[%dma_start3A] : memref<16384xf32, #tpu.memory_space<hbm>> -> memref<16384xf32, #tpu.memory_space<hbm>>
      tpu.enqueue_indirect_dma source(%dma_start3A_15 : memref<16384xf32, #tpu.memory_space<hbm>>) target(%arg11 : memref<512xf32, #tpu.memory_space<vmem>>) offsets(%arg10 : memref<512xi32, #tpu.memory_space<vmem>>) semaphore(%run_scoped3A : memref<!tpu.dma_semaphore, #tpu.memory_space<semaphore_mem>>)
      %dma_wait3A = arith.constant 0 : i32
      %dma_wait3A_16 = tpu.memref_slice %arg2[%dma_wait3A] : memref<16384xf32, #tpu.memory_space<hbm>> -> memref<16384xf32, #tpu.memory_space<hbm>>
      tpu.wait_indirect_dma semaphore(%run_scoped3A : memref<!tpu.dma_semaphore, #tpu.memory_space<semaphore_mem>>) src(%dma_wait3A_16 : memref<16384xf32, #tpu.memory_space<hbm>>) dst(%arg11 : memref<512xf32, #tpu.memory_space<vmem>>)
      tpu.yield
    }) : () -> ()
    %add3A_3 = arith.constant 0 : i32
    %add3A_4 = arith.addi %add3A_3, %mul3A_2 : i32
    "tpu.region"() ({
      %run_scoped3A = tpu.sem_alloc : memref<!tpu.dma_semaphore, #tpu.memory_space<semaphore_mem>>
      %dma_start3A = tpu.memref_slice %arg9[%add3A_4] : memref<98304xf32, #tpu.memory_space<hbm>> -> memref<512xf32, #tpu.memory_space<hbm>>
      %dma_start3A_15 = tpu.memref_slice %arg9[%add3A_4] : memref<98304xf32, #tpu.memory_space<hbm>> -> memref<512xf32, #tpu.memory_space<hbm>>
      tpu.enqueue_dma source(%arg11 : memref<512xf32, #tpu.memory_space<vmem>>) target(%dma_start3A_15 : memref<512xf32, #tpu.memory_space<hbm>>) target_semaphore(%run_scoped3A : memref<!tpu.dma_semaphore, #tpu.memory_space<semaphore_mem>>)
      %dma_wait3A = tpu.memref_slice %arg9[%add3A_4] : memref<98304xf32, #tpu.memory_space<hbm>> -> memref<512xf32, #tpu.memory_space<hbm>>
      %dma_wait3A_16 = tpu.memref_slice %arg9[%add3A_4] : memref<98304xf32, #tpu.memory_space<hbm>> -> memref<512xf32, #tpu.memory_space<hbm>>
      tpu.wait_dma2 semaphore(%run_scoped3A : memref<!tpu.dma_semaphore, #tpu.memory_space<semaphore_mem>>) src(%arg11 : memref<512xf32, #tpu.memory_space<vmem>>) dst(%dma_wait3A_16 : memref<512xf32, #tpu.memory_space<hbm>>)
      tpu.yield
    }) : () -> ()
    "tpu.region"() ({
      %run_scoped3A = tpu.sem_alloc : memref<!tpu.dma_semaphore, #tpu.memory_space<semaphore_mem>>
      %dma_start3A = arith.constant 0 : i32
      %dma_start3A_15 = tpu.memref_slice %arg3[%dma_start3A] : memref<16384xf32, #tpu.memory_space<hbm>> -> memref<16384xf32, #tpu.memory_space<hbm>>
      tpu.enqueue_indirect_dma source(%dma_start3A_15 : memref<16384xf32, #tpu.memory_space<hbm>>) target(%arg11 : memref<512xf32, #tpu.memory_space<vmem>>) offsets(%arg10 : memref<512xi32, #tpu.memory_space<vmem>>) semaphore(%run_scoped3A : memref<!tpu.dma_semaphore, #tpu.memory_space<semaphore_mem>>)
      %dma_wait3A = arith.constant 0 : i32
      %dma_wait3A_16 = tpu.memref_slice %arg3[%dma_wait3A] : memref<16384xf32, #tpu.memory_space<hbm>> -> memref<16384xf32, #tpu.memory_space<hbm>>
      tpu.wait_indirect_dma semaphore(%run_scoped3A : memref<!tpu.dma_semaphore, #tpu.memory_space<semaphore_mem>>) src(%dma_wait3A_16 : memref<16384xf32, #tpu.memory_space<hbm>>) dst(%arg11 : memref<512xf32, #tpu.memory_space<vmem>>)
      tpu.yield
    }) : () -> ()
    %add3A_5 = arith.constant 16384 : i32
    %add3A_6 = arith.addi %add3A_5, %mul3A_2 : i32
    "tpu.region"() ({
      %run_scoped3A = tpu.sem_alloc : memref<!tpu.dma_semaphore, #tpu.memory_space<semaphore_mem>>
      %dma_start3A = tpu.memref_slice %arg9[%add3A_6] : memref<98304xf32, #tpu.memory_space<hbm>> -> memref<512xf32, #tpu.memory_space<hbm>>
      %dma_start3A_15 = tpu.memref_slice %arg9[%add3A_6] : memref<98304xf32, #tpu.memory_space<hbm>> -> memref<512xf32, #tpu.memory_space<hbm>>
      tpu.enqueue_dma source(%arg11 : memref<512xf32, #tpu.memory_space<vmem>>) target(%dma_start3A_15 : memref<512xf32, #tpu.memory_space<hbm>>) target_semaphore(%run_scoped3A : memref<!tpu.dma_semaphore, #tpu.memory_space<semaphore_mem>>)
      %dma_wait3A = tpu.memref_slice %arg9[%add3A_6] : memref<98304xf32, #tpu.memory_space<hbm>> -> memref<512xf32, #tpu.memory_space<hbm>>
      %dma_wait3A_16 = tpu.memref_slice %arg9[%add3A_6] : memref<98304xf32, #tpu.memory_space<hbm>> -> memref<512xf32, #tpu.memory_space<hbm>>
      tpu.wait_dma2 semaphore(%run_scoped3A : memref<!tpu.dma_semaphore, #tpu.memory_space<semaphore_mem>>) src(%arg11 : memref<512xf32, #tpu.memory_space<vmem>>) dst(%dma_wait3A_16 : memref<512xf32, #tpu.memory_space<hbm>>)
      tpu.yield
    }) : () -> ()
    "tpu.region"() ({
      %run_scoped3A = tpu.sem_alloc : memref<!tpu.dma_semaphore, #tpu.memory_space<semaphore_mem>>
      %dma_start3A = arith.constant 0 : i32
      %dma_start3A_15 = tpu.memref_slice %arg4[%dma_start3A] : memref<16384xf32, #tpu.memory_space<hbm>> -> memref<16384xf32, #tpu.memory_space<hbm>>
      tpu.enqueue_indirect_dma source(%dma_start3A_15 : memref<16384xf32, #tpu.memory_space<hbm>>) target(%arg11 : memref<512xf32, #tpu.memory_space<vmem>>) offsets(%arg10 : memref<512xi32, #tpu.memory_space<vmem>>) semaphore(%run_scoped3A : memref<!tpu.dma_semaphore, #tpu.memory_space<semaphore_mem>>)
      %dma_wait3A = arith.constant 0 : i32
      %dma_wait3A_16 = tpu.memref_slice %arg4[%dma_wait3A] : memref<16384xf32, #tpu.memory_space<hbm>> -> memref<16384xf32, #tpu.memory_space<hbm>>
      tpu.wait_indirect_dma semaphore(%run_scoped3A : memref<!tpu.dma_semaphore, #tpu.memory_space<semaphore_mem>>) src(%dma_wait3A_16 : memref<16384xf32, #tpu.memory_space<hbm>>) dst(%arg11 : memref<512xf32, #tpu.memory_space<vmem>>)
      tpu.yield
    }) : () -> ()
    %add3A_7 = arith.constant 32768 : i32
    %add3A_8 = arith.addi %add3A_7, %mul3A_2 : i32
    "tpu.region"() ({
      %run_scoped3A = tpu.sem_alloc : memref<!tpu.dma_semaphore, #tpu.memory_space<semaphore_mem>>
      %dma_start3A = tpu.memref_slice %arg9[%add3A_8] : memref<98304xf32, #tpu.memory_space<hbm>> -> memref<512xf32, #tpu.memory_space<hbm>>
      %dma_start3A_15 = tpu.memref_slice %arg9[%add3A_8] : memref<98304xf32, #tpu.memory_space<hbm>> -> memref<512xf32, #tpu.memory_space<hbm>>
      tpu.enqueue_dma source(%arg11 : memref<512xf32, #tpu.memory_space<vmem>>) target(%dma_start3A_15 : memref<512xf32, #tpu.memory_space<hbm>>) target_semaphore(%run_scoped3A : memref<!tpu.dma_semaphore, #tpu.memory_space<semaphore_mem>>)
      %dma_wait3A = tpu.memref_slice %arg9[%add3A_8] : memref<98304xf32, #tpu.memory_space<hbm>> -> memref<512xf32, #tpu.memory_space<hbm>>
      %dma_wait3A_16 = tpu.memref_slice %arg9[%add3A_8] : memref<98304xf32, #tpu.memory_space<hbm>> -> memref<512xf32, #tpu.memory_space<hbm>>
      tpu.wait_dma2 semaphore(%run_scoped3A : memref<!tpu.dma_semaphore, #tpu.memory_space<semaphore_mem>>) src(%arg11 : memref<512xf32, #tpu.memory_space<vmem>>) dst(%dma_wait3A_16 : memref<512xf32, #tpu.memory_space<hbm>>)
      tpu.yield
    }) : () -> ()
    "tpu.region"() ({
      %run_scoped3A = tpu.sem_alloc : memref<!tpu.dma_semaphore, #tpu.memory_space<semaphore_mem>>
      %dma_start3A = arith.constant 0 : i32
      %dma_start3A_15 = tpu.memref_slice %arg5[%dma_start3A] : memref<16384xf32, #tpu.memory_space<hbm>> -> memref<16384xf32, #tpu.memory_space<hbm>>
      tpu.enqueue_indirect_dma source(%dma_start3A_15 : memref<16384xf32, #tpu.memory_space<hbm>>) target(%arg11 : memref<512xf32, #tpu.memory_space<vmem>>) offsets(%arg10 : memref<512xi32, #tpu.memory_space<vmem>>) semaphore(%run_scoped3A : memref<!tpu.dma_semaphore, #tpu.memory_space<semaphore_mem>>)
      %dma_wait3A = arith.constant 0 : i32
      %dma_wait3A_16 = tpu.memref_slice %arg5[%dma_wait3A] : memref<16384xf32, #tpu.memory_space<hbm>> -> memref<16384xf32, #tpu.memory_space<hbm>>
      tpu.wait_indirect_dma semaphore(%run_scoped3A : memref<!tpu.dma_semaphore, #tpu.memory_space<semaphore_mem>>) src(%dma_wait3A_16 : memref<16384xf32, #tpu.memory_space<hbm>>) dst(%arg11 : memref<512xf32, #tpu.memory_space<vmem>>)
      tpu.yield
    }) : () -> ()
    %add3A_9 = arith.constant 49152 : i32
    %add3A_10 = arith.addi %add3A_9, %mul3A_2 : i32
    "tpu.region"() ({
      %run_scoped3A = tpu.sem_alloc : memref<!tpu.dma_semaphore, #tpu.memory_space<semaphore_mem>>
      %dma_start3A = tpu.memref_slice %arg9[%add3A_10] : memref<98304xf32, #tpu.memory_space<hbm>> -> memref<512xf32, #tpu.memory_space<hbm>>
      %dma_start3A_15 = tpu.memref_slice %arg9[%add3A_10] : memref<98304xf32, #tpu.memory_space<hbm>> -> memref<512xf32, #tpu.memory_space<hbm>>
      tpu.enqueue_dma source(%arg11 : memref<512xf32, #tpu.memory_space<vmem>>) target(%dma_start3A_15 : memref<512xf32, #tpu.memory_space<hbm>>) target_semaphore(%run_scoped3A : memref<!tpu.dma_semaphore, #tpu.memory_space<semaphore_mem>>)
      %dma_wait3A = tpu.memref_slice %arg9[%add3A_10] : memref<98304xf32, #tpu.memory_space<hbm>> -> memref<512xf32, #tpu.memory_space<hbm>>
      %dma_wait3A_16 = tpu.memref_slice %arg9[%add3A_10] : memref<98304xf32, #tpu.memory_space<hbm>> -> memref<512xf32, #tpu.memory_space<hbm>>
      tpu.wait_dma2 semaphore(%run_scoped3A : memref<!tpu.dma_semaphore, #tpu.memory_space<semaphore_mem>>) src(%arg11 : memref<512xf32, #tpu.memory_space<vmem>>) dst(%dma_wait3A_16 : memref<512xf32, #tpu.memory_space<hbm>>)
      tpu.yield
    }) : () -> ()
    "tpu.region"() ({
      %run_scoped3A = tpu.sem_alloc : memref<!tpu.dma_semaphore, #tpu.memory_space<semaphore_mem>>
      %dma_start3A = arith.constant 0 : i32
      %dma_start3A_15 = tpu.memref_slice %arg6[%dma_start3A] : memref<16384xf32, #tpu.memory_space<hbm>> -> memref<16384xf32, #tpu.memory_space<hbm>>
      tpu.enqueue_indirect_dma source(%dma_start3A_15 : memref<16384xf32, #tpu.memory_space<hbm>>) target(%arg11 : memref<512xf32, #tpu.memory_space<vmem>>) offsets(%arg10 : memref<512xi32, #tpu.memory_space<vmem>>) semaphore(%run_scoped3A : memref<!tpu.dma_semaphore, #tpu.memory_space<semaphore_mem>>)
      %dma_wait3A = arith.constant 0 : i32
      %dma_wait3A_16 = tpu.memref_slice %arg6[%dma_wait3A] : memref<16384xf32, #tpu.memory_space<hbm>> -> memref<16384xf32, #tpu.memory_space<hbm>>
      tpu.wait_indirect_dma semaphore(%run_scoped3A : memref<!tpu.dma_semaphore, #tpu.memory_space<semaphore_mem>>) src(%dma_wait3A_16 : memref<16384xf32, #tpu.memory_space<hbm>>) dst(%arg11 : memref<512xf32, #tpu.memory_space<vmem>>)
      tpu.yield
    }) : () -> ()
    %add3A_11 = arith.constant 65536 : i32
    %add3A_12 = arith.addi %add3A_11, %mul3A_2 : i32
    "tpu.region"() ({
      %run_scoped3A = tpu.sem_alloc : memref<!tpu.dma_semaphore, #tpu.memory_space<semaphore_mem>>
      %dma_start3A = tpu.memref_slice %arg9[%add3A_12] : memref<98304xf32, #tpu.memory_space<hbm>> -> memref<512xf32, #tpu.memory_space<hbm>>
      %dma_start3A_15 = tpu.memref_slice %arg9[%add3A_12] : memref<98304xf32, #tpu.memory_space<hbm>> -> memref<512xf32, #tpu.memory_space<hbm>>
      tpu.enqueue_dma source(%arg11 : memref<512xf32, #tpu.memory_space<vmem>>) target(%dma_start3A_15 : memref<512xf32, #tpu.memory_space<hbm>>) target_semaphore(%run_scoped3A : memref<!tpu.dma_semaphore, #tpu.memory_space<semaphore_mem>>)
      %dma_wait3A = tpu.memref_slice %arg9[%add3A_12] : memref<98304xf32, #tpu.memory_space<hbm>> -> memref<512xf32, #tpu.memory_space<hbm>>
      %dma_wait3A_16 = tpu.memref_slice %arg9[%add3A_12] : memref<98304xf32, #tpu.memory_space<hbm>> -> memref<512xf32, #tpu.memory_space<hbm>>
      tpu.wait_dma2 semaphore(%run_scoped3A : memref<!tpu.dma_semaphore, #tpu.memory_space<semaphore_mem>>) src(%arg11 : memref<512xf32, #tpu.memory_space<vmem>>) dst(%dma_wait3A_16 : memref<512xf32, #tpu.memory_space<hbm>>)
      tpu.yield
    }) : () -> ()
    "tpu.region"() ({
      %run_scoped3A = tpu.sem_alloc : memref<!tpu.dma_semaphore, #tpu.memory_space<semaphore_mem>>
      %dma_start3A = arith.constant 0 : i32
      %dma_start3A_15 = tpu.memref_slice %arg7[%dma_start3A] : memref<16384xf32, #tpu.memory_space<hbm>> -> memref<16384xf32, #tpu.memory_space<hbm>>
      tpu.enqueue_indirect_dma source(%dma_start3A_15 : memref<16384xf32, #tpu.memory_space<hbm>>) target(%arg11 : memref<512xf32, #tpu.memory_space<vmem>>) offsets(%arg10 : memref<512xi32, #tpu.memory_space<vmem>>) semaphore(%run_scoped3A : memref<!tpu.dma_semaphore, #tpu.memory_space<semaphore_mem>>)
      %dma_wait3A = arith.constant 0 : i32
      %dma_wait3A_16 = tpu.memref_slice %arg7[%dma_wait3A] : memref<16384xf32, #tpu.memory_space<hbm>> -> memref<16384xf32, #tpu.memory_space<hbm>>
      tpu.wait_indirect_dma semaphore(%run_scoped3A : memref<!tpu.dma_semaphore, #tpu.memory_space<semaphore_mem>>) src(%dma_wait3A_16 : memref<16384xf32, #tpu.memory_space<hbm>>) dst(%arg11 : memref<512xf32, #tpu.memory_space<vmem>>)
      tpu.yield
    }) : () -> ()
    %add3A_13 = arith.constant 81920 : i32
    %add3A_14 = arith.addi %add3A_13, %mul3A_2 : i32
    "tpu.region"() ({
      %run_scoped3A = tpu.sem_alloc : memref<!tpu.dma_semaphore, #tpu.memory_space<semaphore_mem>>
      %dma_start3A = tpu.memref_slice %arg9[%add3A_14] : memref<98304xf32, #tpu.memory_space<hbm>> -> memref<512xf32, #tpu.memory_space<hbm>>
      %dma_start3A_15 = tpu.memref_slice %arg9[%add3A_14] : memref<98304xf32, #tpu.memory_space<hbm>> -> memref<512xf32, #tpu.memory_space<hbm>>
      tpu.enqueue_dma source(%arg11 : memref<512xf32, #tpu.memory_space<vmem>>) target(%dma_start3A_15 : memref<512xf32, #tpu.memory_space<hbm>>) target_semaphore(%run_scoped3A : memref<!tpu.dma_semaphore, #tpu.memory_space<semaphore_mem>>)
      %dma_wait3A = tpu.memref_slice %arg9[%add3A_14] : memref<98304xf32, #tpu.memory_space<hbm>> -> memref<512xf32, #tpu.memory_space<hbm>>
      %dma_wait3A_16 = tpu.memref_slice %arg9[%add3A_14] : memref<98304xf32, #tpu.memory_space<hbm>> -> memref<512xf32, #tpu.memory_space<hbm>>
      tpu.wait_dma2 semaphore(%run_scoped3A : memref<!tpu.dma_semaphore, #tpu.memory_space<semaphore_mem>>) src(%arg11 : memref<512xf32, #tpu.memory_space<vmem>>) dst(%dma_wait3A_16 : memref<512xf32, #tpu.memory_space<hbm>>)
      tpu.yield
    }) : () -> ()
    return
  }
}

module attributes {stable_mosaic.version = 14 : i64} {
  func.func @_a2_body(%arg0: memref<9x32768xf32, #tpu.memory_space<vmem>>, %arg1: memref<3x32768xf32, #tpu.memory_space<vmem>>) attributes {dimension_semantics = [], scalar_prefetch = 0 : i64, scratch_operands = 0 : i64, tpu.core_type = #tpu.core_type<tc>} {
    %get3A = arith.constant 0 : index
    %get3A_0 = arith.constant 0 : index
    %get3A_1 = vector.load %arg0[%get3A, %get3A_0] : memref<9x32768xf32, #tpu.memory_space<vmem>>, vector<1x32768xf32>
    %get3A_2 = vector.shape_cast %get3A_1 : vector<1x32768xf32> to vector<32768xf32>
    %get3A_3 = arith.constant 1 : index
    %get3A_4 = arith.constant 0 : index
    %get3A_5 = vector.load %arg0[%get3A_3, %get3A_4] : memref<9x32768xf32, #tpu.memory_space<vmem>>, vector<1x32768xf32>
    %get3A_6 = vector.shape_cast %get3A_5 : vector<1x32768xf32> to vector<32768xf32>
    %get3A_7 = arith.constant 2 : index
    %get3A_8 = arith.constant 0 : index
    %get3A_9 = vector.load %arg0[%get3A_7, %get3A_8] : memref<9x32768xf32, #tpu.memory_space<vmem>>, vector<1x32768xf32>
    %get3A_10 = vector.shape_cast %get3A_9 : vector<1x32768xf32> to vector<32768xf32>
    %get3A_11 = arith.constant 3 : index
    %get3A_12 = arith.constant 0 : index
    %get3A_13 = vector.load %arg0[%get3A_11, %get3A_12] : memref<9x32768xf32, #tpu.memory_space<vmem>>, vector<1x32768xf32>
    %get3A_14 = vector.shape_cast %get3A_13 : vector<1x32768xf32> to vector<32768xf32>
    %get3A_15 = arith.constant 4 : index
    %get3A_16 = arith.constant 0 : index
    %get3A_17 = vector.load %arg0[%get3A_15, %get3A_16] : memref<9x32768xf32, #tpu.memory_space<vmem>>, vector<1x32768xf32>
    %get3A_18 = vector.shape_cast %get3A_17 : vector<1x32768xf32> to vector<32768xf32>
    %get3A_19 = arith.constant 5 : index
    %get3A_20 = arith.constant 0 : index
    %get3A_21 = vector.load %arg0[%get3A_19, %get3A_20] : memref<9x32768xf32, #tpu.memory_space<vmem>>, vector<1x32768xf32>
    %get3A_22 = vector.shape_cast %get3A_21 : vector<1x32768xf32> to vector<32768xf32>
    %get3A_23 = arith.constant 6 : index
    %get3A_24 = arith.constant 0 : index
    %get3A_25 = vector.load %arg0[%get3A_23, %get3A_24] : memref<9x32768xf32, #tpu.memory_space<vmem>>, vector<1x32768xf32>
    %get3A_26 = vector.shape_cast %get3A_25 : vector<1x32768xf32> to vector<32768xf32>
    %get3A_27 = arith.constant 7 : index
    %get3A_28 = arith.constant 0 : index
    %get3A_29 = vector.load %arg0[%get3A_27, %get3A_28] : memref<9x32768xf32, #tpu.memory_space<vmem>>, vector<1x32768xf32>
    %get3A_30 = vector.shape_cast %get3A_29 : vector<1x32768xf32> to vector<32768xf32>
    %get3A_31 = arith.constant 8 : index
    %get3A_32 = arith.constant 0 : index
    %get3A_33 = vector.load %arg0[%get3A_31, %get3A_32] : memref<9x32768xf32, #tpu.memory_space<vmem>>, vector<1x32768xf32>
    %get3A_34 = vector.shape_cast %get3A_33 : vector<1x32768xf32> to vector<32768xf32>
    %sub3A = arith.subf %get3A_14, %get3A_2 : vector<32768xf32>
    %sub3A_35 = arith.subf %get3A_18, %get3A_6 : vector<32768xf32>
    %sub3A_36 = arith.subf %get3A_22, %get3A_10 : vector<32768xf32>
    %sub3A_37 = arith.subf %get3A_26, %get3A_2 : vector<32768xf32>
    %sub3A_38 = arith.subf %get3A_30, %get3A_6 : vector<32768xf32>
    %sub3A_39 = arith.subf %get3A_34, %get3A_10 : vector<32768xf32>
    %mul3A = arith.mulf %sub3A_35, %sub3A_39 : vector<32768xf32>
    %mul3A_40 = arith.mulf %sub3A_36, %sub3A_38 : vector<32768xf32>
    %sub3A_41 = arith.subf %mul3A, %mul3A_40 : vector<32768xf32>
    %mul3A_42 = arith.mulf %sub3A_36, %sub3A_37 : vector<32768xf32>
    %mul3A_43 = arith.mulf %sub3A, %sub3A_39 : vector<32768xf32>
    %sub3A_44 = arith.subf %mul3A_42, %mul3A_43 : vector<32768xf32>
    %mul3A_45 = arith.mulf %sub3A, %sub3A_38 : vector<32768xf32>
    %mul3A_46 = arith.mulf %sub3A_35, %sub3A_37 : vector<32768xf32>
    %sub3A_47 = arith.subf %mul3A_45, %mul3A_46 : vector<32768xf32>
    %mul3A_48 = arith.mulf %sub3A_41, %sub3A_41 : vector<32768xf32>
    %mul3A_49 = arith.mulf %sub3A_44, %sub3A_44 : vector<32768xf32>
    %add3A = arith.addf %mul3A_48, %mul3A_49 : vector<32768xf32>
    %mul3A_50 = arith.mulf %sub3A_47, %sub3A_47 : vector<32768xf32>
    %add3A_51 = arith.addf %add3A, %mul3A_50 : vector<32768xf32>
    %sqrt3A = math.sqrt %add3A_51 : vector<32768xf32>
    %add3A_52 = arith.constant 1.000000e-07 : f32
    %add3A_53 = vector.broadcast %add3A_52 : f32 to vector<32768xf32>
    %add3A_54 = arith.addf %sqrt3A, %add3A_53 : vector<32768xf32>
    %div3A = arith.divf %sub3A_41, %add3A_54 : vector<32768xf32>
    %swap3A = arith.constant 0 : index
    %swap3A_55 = arith.constant 0 : index
    %swap3A_56 = vector.load %arg1[%swap3A, %swap3A_55] : memref<3x32768xf32, #tpu.memory_space<vmem>>, vector<1x32768xf32>
    %swap3A_57 = vector.shape_cast %swap3A_56 : vector<1x32768xf32> to vector<32768xf32>
    %swap3A_58 = vector.shape_cast %div3A : vector<32768xf32> to vector<1x32768xf32>
    tpu.vector_store %arg1[%swap3A, %swap3A_55], %swap3A_58 {strides = array<i32>} : memref<3x32768xf32, #tpu.memory_space<vmem>>, vector<1x32768xf32>,
    %div3A_59 = arith.divf %sub3A_44, %add3A_54 : vector<32768xf32>
    %swap3A_60 = arith.constant 1 : index
    %swap3A_61 = arith.constant 0 : index
    %swap3A_62 = vector.load %arg1[%swap3A_60, %swap3A_61] : memref<3x32768xf32, #tpu.memory_space<vmem>>, vector<1x32768xf32>
    %swap3A_63 = vector.shape_cast %swap3A_62 : vector<1x32768xf32> to vector<32768xf32>
    %swap3A_64 = vector.shape_cast %div3A_59 : vector<32768xf32> to vector<1x32768xf32>
    tpu.vector_store %arg1[%swap3A_60, %swap3A_61], %swap3A_64 {strides = array<i32>} : memref<3x32768xf32, #tpu.memory_space<vmem>>, vector<1x32768xf32>,
    %div3A_65 = arith.divf %sub3A_47, %add3A_54 : vector<32768xf32>
    %swap3A_66 = arith.constant 2 : index
    %swap3A_67 = arith.constant 0 : index
    %swap3A_68 = vector.load %arg1[%swap3A_66, %swap3A_67] : memref<3x32768xf32, #tpu.memory_space<vmem>>, vector<1x32768xf32>
    %swap3A_69 = vector.shape_cast %swap3A_68 : vector<1x32768xf32> to vector<32768xf32>
    %swap3A_70 = vector.shape_cast %div3A_65 : vector<32768xf32> to vector<1x32768xf32>
    tpu.vector_store %arg1[%swap3A_66, %swap3A_67], %swap3A_70 {strides = array<i32>} : memref<3x32768xf32, #tpu.memory_space<vmem>>, vector<1x32768xf32>,
    return
  }
}

module attributes {stable_mosaic.version = 14 : i64} {
  func.func @_knn_body(%arg0: i32, %arg1: memref<1x3x32x128xf32, #tpu.memory_space<vmem>>, %arg2: memref<1x4x4096xf32, #tpu.memory_space<smem>>, %arg3: memref<1x32x128xi32, #tpu.memory_space<vmem>>) attributes {dimension_semantics = [#tpu.dimension_semantics<arbitrary>], iteration_bounds = array<i64: 4>, scalar_prefetch = 0 : i64, scratch_operands = 0 : i64, tpu.core_type = #tpu.core_type<tc>, window_params = [{transform_indices = @transform_0, window_bounds = array<i64: 1, 3, 32, 128>}, {transform_indices = @transform_1, window_bounds = array<i64: 1, 4, 4096>}, {transform_indices = @transform_2, window_bounds = array<i64: 1, 32, 128>}]} {
    %get3A = arith.constant 0 : index
    %get3A_0 = arith.constant 0 : index
    %get3A_1 = arith.constant 0 : index
    %get3A_2 = arith.constant 0 : index
    %get3A_3 = vector.load %arg1[%get3A, %get3A_0, %get3A_1, %get3A_2] : memref<1x3x32x128xf32, #tpu.memory_space<vmem>>, vector<1x1x32x128xf32>
    %get3A_4 = vector.shape_cast %get3A_3 : vector<1x1x32x128xf32> to vector<32x128xf32>
    %get3A_5 = arith.constant 0 : index
    %get3A_6 = arith.constant 1 : index
    %get3A_7 = arith.constant 0 : index
    %get3A_8 = arith.constant 0 : index
    %get3A_9 = vector.load %arg1[%get3A_5, %get3A_6, %get3A_7, %get3A_8] : memref<1x3x32x128xf32, #tpu.memory_space<vmem>>, vector<1x1x32x128xf32>
    %get3A_10 = vector.shape_cast %get3A_9 : vector<1x1x32x128xf32> to vector<32x128xf32>
    %get3A_11 = arith.constant 0 : index
    %get3A_12 = arith.constant 2 : index
    %get3A_13 = arith.constant 0 : index
    %get3A_14 = arith.constant 0 : index
    %get3A_15 = vector.load %arg1[%get3A_11, %get3A_12, %get3A_13, %get3A_14] : memref<1x3x32x128xf32, #tpu.memory_space<vmem>>, vector<1x1x32x128xf32>
    %get3A_16 = vector.shape_cast %get3A_15 : vector<1x1x32x128xf32> to vector<32x128xf32>
    %broadcast_in_dim3A = arith.constant 0x7F800000 : f32
    %broadcast_in_dim3A_17 = vector.broadcast %broadcast_in_dim3A : f32 to vector<32x128xf32>
    %broadcast_in_dim3A_18 = arith.constant 0 : i32
    %broadcast_in_dim3A_19 = vector.broadcast %broadcast_in_dim3A_18 : i32 to vector<32x128xi32>
    %scan3A = arith.constant 0 : i32
    %scan3A_20 = arith.constant 128 : i32
    %scan3A_21 = arith.addi %scan3A, %scan3A_20 : i32
    %scan3A_22 = arith.constant 1 : i32
    %scan3A_23:4 = scf.for %scan3A_32 = %scan3A to %scan3A_21 step %scan3A_22 iter_args(%scan3A_33 = %broadcast_in_dim3A_17, %scan3A_34 = %broadcast_in_dim3A_19, %scan3A_35 = %broadcast_in_dim3A_17, %scan3A_36 = %broadcast_in_dim3A_19) -> (vector<32x128xf32>, vector<32x128xi32>, vector<32x128xf32>, vector<32x128xi32>)  : i32 {
      %mul3A_37 = arith.constant 32 : i32
      %mul3A_38 = arith.muli %scan3A_32, %mul3A_37 : i32
      %add3A_39 = arith.constant 0 : i32
      %add3A_40 = arith.addi %mul3A_38, %add3A_39 : i32
      %add3A_41 = arith.constant 1 : i32
      %add3A_42 = arith.addi %add3A_40, %add3A_41 : i32
      %get3A_43 = arith.constant 0 : index
      %get3A_44 = arith.constant 0 : index
      %get3A_45 = arith.index_cast %add3A_40 : i32 to index
      %get3A_46 = memref.load %arg2[%get3A_43, %get3A_44, %get3A_45] : memref<1x4x4096xf32, #tpu.memory_space<smem>>
      %get3A_47 = arith.constant 0 : index
      %get3A_48 = arith.constant 1 : index
      %get3A_49 = arith.index_cast %add3A_40 : i32 to index
      %get3A_50 = memref.load %arg2[%get3A_47, %get3A_48, %get3A_49] : memref<1x4x4096xf32, #tpu.memory_space<smem>>
      %get3A_51 = arith.constant 0 : index
      %get3A_52 = arith.constant 2 : index
      %get3A_53 = arith.index_cast %add3A_40 : i32 to index
      %get3A_54 = memref.load %arg2[%get3A_51, %get3A_52, %get3A_53] : memref<1x4x4096xf32, #tpu.memory_space<smem>>
      %get3A_55 = arith.constant 0 : index
      %get3A_56 = arith.constant 3 : index
      %get3A_57 = arith.index_cast %add3A_40 : i32 to index
      %get3A_58 = memref.load %arg2[%get3A_55, %get3A_56, %get3A_57] : memref<1x4x4096xf32, #tpu.memory_space<smem>>
      %mul3A_59 = vector.broadcast %get3A_46 : f32 to vector<32x128xf32>
      %mul3A_60 = arith.mulf %get3A_4, %mul3A_59 : vector<32x128xf32>
      %mul3A_61 = vector.broadcast %get3A_50 : f32 to vector<32x128xf32>
      %mul3A_62 = arith.mulf %get3A_10, %mul3A_61 : vector<32x128xf32>
      %add3A_63 = arith.addf %mul3A_60, %mul3A_62 : vector<32x128xf32>
      %mul3A_64 = vector.broadcast %get3A_54 : f32 to vector<32x128xf32>
      %mul3A_65 = arith.mulf %get3A_16, %mul3A_64 : vector<32x128xf32>
      %add3A_66 = vector.broadcast %get3A_58 : f32 to vector<32x128xf32>
      %add3A_67 = arith.addf %mul3A_65, %add3A_66 : vector<32x128xf32>
      %add3A_68 = arith.addf %add3A_63, %add3A_67 : vector<32x128xf32>
      %get3A_69 = arith.constant 0 : index
      %get3A_70 = arith.constant 0 : index
      %get3A_71 = arith.index_cast %add3A_42 : i32 to index
      %get3A_72 = memref.load %arg2[%get3A_69, %get3A_70, %get3A_71] : memref<1x4x4096xf32, #tpu.memory_space<smem>>
      %get3A_73 = arith.constant 0 : index
      %get3A_74 = arith.constant 1 : index
      %get3A_75 = arith.index_cast %add3A_42 : i32 to index
      %get3A_76 = memref.load %arg2[%get3A_73, %get3A_74, %get3A_75] : memref<1x4x4096xf32, #tpu.memory_space<smem>>
      %get3A_77 = arith.constant 0 : index
      %get3A_78 = arith.constant 2 : index
      %get3A_79 = arith.index_cast %add3A_42 : i32 to index
      %get3A_80 = memref.load %arg2[%get3A_77, %get3A_78, %get3A_79] : memref<1x4x4096xf32, #tpu.memory_space<smem>>
      %get3A_81 = arith.constant 0 : index
      %get3A_82 = arith.constant 3 : index
      %get3A_83 = arith.index_cast %add3A_42 : i32 to index
      %get3A_84 = memref.load %arg2[%get3A_81, %get3A_82, %get3A_83] : memref<1x4x4096xf32, #tpu.memory_space<smem>>
      %mul3A_85 = vector.broadcast %get3A_72 : f32 to vector<32x128xf32>
      %mul3A_86 = arith.mulf %get3A_4, %mul3A_85 : vector<32x128xf32>
      %mul3A_87 = vector.broadcast %get3A_76 : f32 to vector<32x128xf32>
      %mul3A_88 = arith.mulf %get3A_10, %mul3A_87 : vector<32x128xf32>
      %add3A_89 = arith.addf %mul3A_86, %mul3A_88 : vector<32x128xf32>
      %mul3A_90 = vector.broadcast %get3A_80 : f32 to vector<32x128xf32>
      %mul3A_91 = arith.mulf %get3A_16, %mul3A_90 : vector<32x128xf32>
      %add3A_92 = vector.broadcast %get3A_84 : f32 to vector<32x128xf32>
      %add3A_93 = arith.addf %mul3A_91, %add3A_92 : vector<32x128xf32>
      %add3A_94 = arith.addf %add3A_89, %add3A_93 : vector<32x128xf32>
      %lt3A_95 = arith.cmpf olt, %add3A_68, %scan3A_33 : vector<32x128xf32>
      %lt3A_96 = arith.cmpf olt, %add3A_94, %scan3A_35 : vector<32x128xf32>
      %select_n3A_97 = arith.select %lt3A_95, %add3A_68, %scan3A_33 : vector<32x128xi1>, vector<32x128xf32>
      %broadcast_in_dim3A_98 = vector.broadcast %add3A_40 : i32 to vector<32x128xi32>
      %select_n3A_99 = arith.select %lt3A_95, %broadcast_in_dim3A_98, %scan3A_34 : vector<32x128xi1>, vector<32x128xi32>
      %select_n3A_100 = arith.select %lt3A_96, %add3A_94, %scan3A_35 : vector<32x128xi1>, vector<32x128xf32>
      %broadcast_in_dim3A_101 = vector.broadcast %add3A_42 : i32 to vector<32x128xi32>
      %select_n3A_102 = arith.select %lt3A_96, %broadcast_in_dim3A_101, %scan3A_36 : vector<32x128xi1>, vector<32x128xi32>
      %mul3A_103 = arith.constant 32 : i32
      %mul3A_104 = arith.muli %scan3A_32, %mul3A_103 : i32
      %add3A_105 = arith.constant 2 : i32
      %add3A_106 = arith.addi %mul3A_104, %add3A_105 : i32
      %add3A_107 = arith.constant 1 : i32
      %add3A_108 = arith.addi %add3A_106, %add3A_107 : i32
      %get3A_109 = arith.constant 0 : index
      %get3A_110 = arith.constant 0 : index
      %get3A_111 = arith.index_cast %add3A_106 : i32 to index
      %get3A_112 = memref.load %arg2[%get3A_109, %get3A_110, %get3A_111] : memref<1x4x4096xf32, #tpu.memory_space<smem>>
      %get3A_113 = arith.constant 0 : index
      %get3A_114 = arith.constant 1 : index
      %get3A_115 = arith.index_cast %add3A_106 : i32 to index
      %get3A_116 = memref.load %arg2[%get3A_113, %get3A_114, %get3A_115] : memref<1x4x4096xf32, #tpu.memory_space<smem>>
      %get3A_117 = arith.constant 0 : index
      %get3A_118 = arith.constant 2 : index
      %get3A_119 = arith.index_cast %add3A_106 : i32 to index
      %get3A_120 = memref.load %arg2[%get3A_117, %get3A_118, %get3A_119] : memref<1x4x4096xf32, #tpu.memory_space<smem>>
      %get3A_121 = arith.constant 0 : index
      %get3A_122 = arith.constant 3 : index
      %get3A_123 = arith.index_cast %add3A_106 : i32 to index
      %get3A_124 = memref.load %arg2[%get3A_121, %get3A_122, %get3A_123] : memref<1x4x4096xf32, #tpu.memory_space<smem>>
      %mul3A_125 = vector.broadcast %get3A_112 : f32 to vector<32x128xf32>
      %mul3A_126 = arith.mulf %get3A_4, %mul3A_125 : vector<32x128xf32>
      %mul3A_127 = vector.broadcast %get3A_116 : f32 to vector<32x128xf32>
      %mul3A_128 = arith.mulf %get3A_10, %mul3A_127 : vector<32x128xf32>
      %add3A_129 = arith.addf %mul3A_126, %mul3A_128 : vector<32x128xf32>
      %mul3A_130 = vector.broadcast %get3A_120 : f32 to vector<32x128xf32>
      %mul3A_131 = arith.mulf %get3A_16, %mul3A_130 : vector<32x128xf32>
      %add3A_132 = vector.broadcast %get3A_124 : f32 to vector<32x128xf32>
      %add3A_133 = arith.addf %mul3A_131, %add3A_132 : vector<32x128xf32>
      %add3A_134 = arith.addf %add3A_129, %add3A_133 : vector<32x128xf32>
      %get3A_135 = arith.constant 0 : index
      %get3A_136 = arith.constant 0 : index
      %get3A_137 = arith.index_cast %add3A_108 : i32 to index
      %get3A_138 = memref.load %arg2[%get3A_135, %get3A_136, %get3A_137] : memref<1x4x4096xf32, #tpu.memory_space<smem>>
      %get3A_139 = arith.constant 0 : index
      %get3A_140 = arith.constant 1 : index
      %get3A_141 = arith.index_cast %add3A_108 : i32 to index
      %get3A_142 = memref.load %arg2[%get3A_139, %get3A_140, %get3A_141] : memref<1x4x4096xf32, #tpu.memory_space<smem>>
      %get3A_143 = arith.constant 0 : index
      %get3A_144 = arith.constant 2 : index
      %get3A_145 = arith.index_cast %add3A_108 : i32 to index
      %get3A_146 = memref.load %arg2[%get3A_143, %get3A_144, %get3A_145] : memref<1x4x4096xf32, #tpu.memory_space<smem>>
      %get3A_147 = arith.constant 0 : index
      %get3A_148 = arith.constant 3 : index
      %get3A_149 = arith.index_cast %add3A_108 : i32 to index
      %get3A_150 = memref.load %arg2[%get3A_147, %get3A_148, %get3A_149] : memref<1x4x4096xf32, #tpu.memory_space<smem>>
      %mul3A_151 = vector.broadcast %get3A_138 : f32 to vector<32x128xf32>
      %mul3A_152 = arith.mulf %get3A_4, %mul3A_151 : vector<32x128xf32>
      %mul3A_153 = vector.broadcast %get3A_142 : f32 to vector<32x128xf32>
      %mul3A_154 = arith.mulf %get3A_10, %mul3A_153 : vector<32x128xf32>
      %add3A_155 = arith.addf %mul3A_152, %mul3A_154 : vector<32x128xf32>
      %mul3A_156 = vector.broadcast %get3A_146 : f32 to vector<32x128xf32>
      %mul3A_157 = arith.mulf %get3A_16, %mul3A_156 : vector<32x128xf32>
      %add3A_158 = vector.broadcast %get3A_150 : f32 to vector<32x128xf32>
      %add3A_159 = arith.addf %mul3A_157, %add3A_158 : vector<32x128xf32>
      %add3A_160 = arith.addf %add3A_155, %add3A_159 : vector<32x128xf32>
      %lt3A_161 = arith.cmpf olt, %add3A_134, %select_n3A_97 : vector<32x128xf32>
      %lt3A_162 = arith.cmpf olt, %add3A_160, %select_n3A_100 : vector<32x128xf32>
      %select_n3A_163 = arith.select %lt3A_161, %add3A_134, %select_n3A_97 : vector<32x128xi1>, vector<32x128xf32>
      %broadcast_in_dim3A_164 = vector.broadcast %add3A_106 : i32 to vector<32x128xi32>
      %select_n3A_165 = arith.select %lt3A_161, %broadcast_in_dim3A_164, %select_n3A_99 : vector<32x128xi1>, vector<32x128xi32>
      %select_n3A_166 = arith.select %lt3A_162, %add3A_160, %select_n3A_100 : vector<32x128xi1>, vector<32x128xf32>
      %broadcast_in_dim3A_167 = vector.broadcast %add3A_108 : i32 to vector<32x128xi32>
      %select_n3A_168 = arith.select %lt3A_162, %broadcast_in_dim3A_167, %select_n3A_102 : vector<32x128xi1>, vector<32x128xi32>
      %mul3A_169 = arith.constant 32 : i32
      %mul3A_170 = arith.muli %scan3A_32, %mul3A_169 : i32
      %add3A_171 = arith.constant 4 : i32
      %add3A_172 = arith.addi %mul3A_170, %add3A_171 : i32
      %add3A_173 = arith.constant 1 : i32
      %add3A_174 = arith.addi %add3A_172, %add3A_173 : i32
      %get3A_175 = arith.constant 0 : index
      %get3A_176 = arith.constant 0 : index
      %get3A_177 = arith.index_cast %add3A_172 : i32 to index
      %get3A_178 = memref.load %arg2[%get3A_175, %get3A_176, %get3A_177] : memref<1x4x4096xf32, #tpu.memory_space<smem>>
      %get3A_179 = arith.constant 0 : index
      %get3A_180 = arith.constant 1 : index
      %get3A_181 = arith.index_cast %add3A_172 : i32 to index
      %get3A_182 = memref.load %arg2[%get3A_179, %get3A_180, %get3A_181] : memref<1x4x4096xf32, #tpu.memory_space<smem>>
      %get3A_183 = arith.constant 0 : index
      %get3A_184 = arith.constant 2 : index
      %get3A_185 = arith.index_cast %add3A_172 : i32 to index
      %get3A_186 = memref.load %arg2[%get3A_183, %get3A_184, %get3A_185] : memref<1x4x4096xf32, #tpu.memory_space<smem>>
      %get3A_187 = arith.constant 0 : index
      %get3A_188 = arith.constant 3 : index
      %get3A_189 = arith.index_cast %add3A_172 : i32 to index
      %get3A_190 = memref.load %arg2[%get3A_187, %get3A_188, %get3A_189] : memref<1x4x4096xf32, #tpu.memory_space<smem>>
      %mul3A_191 = vector.broadcast %get3A_178 : f32 to vector<32x128xf32>
      %mul3A_192 = arith.mulf %get3A_4, %mul3A_191 : vector<32x128xf32>
      %mul3A_193 = vector.broadcast %get3A_182 : f32 to vector<32x128xf32>
      %mul3A_194 = arith.mulf %get3A_10, %mul3A_193 : vector<32x128xf32>
      %add3A_195 = arith.addf %mul3A_192, %mul3A_194 : vector<32x128xf32>
      %mul3A_196 = vector.broadcast %get3A_186 : f32 to vector<32x128xf32>
      %mul3A_197 = arith.mulf %get3A_16, %mul3A_196 : vector<32x128xf32>
      %add3A_198 = vector.broadcast %get3A_190 : f32 to vector<32x128xf32>
      %add3A_199 = arith.addf %mul3A_197, %add3A_198 : vector<32x128xf32>
      %add3A_200 = arith.addf %add3A_195, %add3A_199 : vector<32x128xf32>
      %get3A_201 = arith.constant 0 : index
      %get3A_202 = arith.constant 0 : index
      %get3A_203 = arith.index_cast %add3A_174 : i32 to index
      %get3A_204 = memref.load %arg2[%get3A_201, %get3A_202, %get3A_203] : memref<1x4x4096xf32, #tpu.memory_space<smem>>
      %get3A_205 = arith.constant 0 : index
      %get3A_206 = arith.constant 1 : index
      %get3A_207 = arith.index_cast %add3A_174 : i32 to index
      %get3A_208 = memref.load %arg2[%get3A_205, %get3A_206, %get3A_207] : memref<1x4x4096xf32, #tpu.memory_space<smem>>
      %get3A_209 = arith.constant 0 : index
      %get3A_210 = arith.constant 2 : index
      %get3A_211 = arith.index_cast %add3A_174 : i32 to index
      %get3A_212 = memref.load %arg2[%get3A_209, %get3A_210, %get3A_211] : memref<1x4x4096xf32, #tpu.memory_space<smem>>
      %get3A_213 = arith.constant 0 : index
      %get3A_214 = arith.constant 3 : index
      %get3A_215 = arith.index_cast %add3A_174 : i32 to index
      %get3A_216 = memref.load %arg2[%get3A_213, %get3A_214, %get3A_215] : memref<1x4x4096xf32, #tpu.memory_space<smem>>
      %mul3A_217 = vector.broadcast %get3A_204 : f32 to vector<32x128xf32>
      %mul3A_218 = arith.mulf %get3A_4, %mul3A_217 : vector<32x128xf32>
      %mul3A_219 = vector.broadcast %get3A_208 : f32 to vector<32x128xf32>
      %mul3A_220 = arith.mulf %get3A_10, %mul3A_219 : vector<32x128xf32>
      %add3A_221 = arith.addf %mul3A_218, %mul3A_220 : vector<32x128xf32>
      %mul3A_222 = vector.broadcast %get3A_212 : f32 to vector<32x128xf32>
      %mul3A_223 = arith.mulf %get3A_16, %mul3A_222 : vector<32x128xf32>
      %add3A_224 = vector.broadcast %get3A_216 : f32 to vector<32x128xf32>
      %add3A_225 = arith.addf %mul3A_223, %add3A_224 : vector<32x128xf32>
      %add3A_226 = arith.addf %add3A_221, %add3A_225 : vector<32x128xf32>
      %lt3A_227 = arith.cmpf olt, %add3A_200, %select_n3A_163 : vector<32x128xf32>
      %lt3A_228 = arith.cmpf olt, %add3A_226, %select_n3A_166 : vector<32x128xf32>
      %select_n3A_229 = arith.select %lt3A_227, %add3A_200, %select_n3A_163 : vector<32x128xi1>, vector<32x128xf32>
      %broadcast_in_dim3A_230 = vector.broadcast %add3A_172 : i32 to vector<32x128xi32>
      %select_n3A_231 = arith.select %lt3A_227, %broadcast_in_dim3A_230, %select_n3A_165 : vector<32x128xi1>, vector<32x128xi32>
      %select_n3A_232 = arith.select %lt3A_228, %add3A_226, %select_n3A_166 : vector<32x128xi1>, vector<32x128xf32>
      %broadcast_in_dim3A_233 = vector.broadcast %add3A_174 : i32 to vector<32x128xi32>
      %select_n3A_234 = arith.select %lt3A_228, %broadcast_in_dim3A_233, %select_n3A_168 : vector<32x128xi1>, vector<32x128xi32>
      %mul3A_235 = arith.constant 32 : i32
      %mul3A_236 = arith.muli %scan3A_32, %mul3A_235 : i32
      %add3A_237 = arith.constant 6 : i32
      %add3A_238 = arith.addi %mul3A_236, %add3A_237 : i32
      %add3A_239 = arith.constant 1 : i32
      %add3A_240 = arith.addi %add3A_238, %add3A_239 : i32
      %get3A_241 = arith.constant 0 : index
      %get3A_242 = arith.constant 0 : index
      %get3A_243 = arith.index_cast %add3A_238 : i32 to index
      %get3A_244 = memref.load %arg2[%get3A_241, %get3A_242, %get3A_243] : memref<1x4x4096xf32, #tpu.memory_space<smem>>
      %get3A_245 = arith.constant 0 : index
      %get3A_246 = arith.constant 1 : index
      %get3A_247 = arith.index_cast %add3A_238 : i32 to index
      %get3A_248 = memref.load %arg2[%get3A_245, %get3A_246, %get3A_247] : memref<1x4x4096xf32, #tpu.memory_space<smem>>
      %get3A_249 = arith.constant 0 : index
      %get3A_250 = arith.constant 2 : index
      %get3A_251 = arith.index_cast %add3A_238 : i32 to index
      %get3A_252 = memref.load %arg2[%get3A_249, %get3A_250, %get3A_251] : memref<1x4x4096xf32, #tpu.memory_space<smem>>
      %get3A_253 = arith.constant 0 : index
      %get3A_254 = arith.constant 3 : index
      %get3A_255 = arith.index_cast %add3A_238 : i32 to index
      %get3A_256 = memref.load %arg2[%get3A_253, %get3A_254, %get3A_255] : memref<1x4x4096xf32, #tpu.memory_space<smem>>
      %mul3A_257 = vector.broadcast %get3A_244 : f32 to vector<32x128xf32>
      %mul3A_258 = arith.mulf %get3A_4, %mul3A_257 : vector<32x128xf32>
      %mul3A_259 = vector.broadcast %get3A_248 : f32 to vector<32x128xf32>
      %mul3A_260 = arith.mulf %get3A_10, %mul3A_259 : vector<32x128xf32>
      %add3A_261 = arith.addf %mul3A_258, %mul3A_260 : vector<32x128xf32>
      %mul3A_262 = vector.broadcast %get3A_252 : f32 to vector<32x128xf32>
      %mul3A_263 = arith.mulf %get3A_16, %mul3A_262 : vector<32x128xf32>
      %add3A_264 = vector.broadcast %get3A_256 : f32 to vector<32x128xf32>
      %add3A_265 = arith.addf %mul3A_263, %add3A_264 : vector<32x128xf32>
      %add3A_266 = arith.addf %add3A_261, %add3A_265 : vector<32x128xf32>
      %get3A_267 = arith.constant 0 : index
      %get3A_268 = arith.constant 0 : index
      %get3A_269 = arith.index_cast %add3A_240 : i32 to index
      %get3A_270 = memref.load %arg2[%get3A_267, %get3A_268, %get3A_269] : memref<1x4x4096xf32, #tpu.memory_space<smem>>
      %get3A_271 = arith.constant 0 : index
      %get3A_272 = arith.constant 1 : index
      %get3A_273 = arith.index_cast %add3A_240 : i32 to index
      %get3A_274 = memref.load %arg2[%get3A_271, %get3A_272, %get3A_273] : memref<1x4x4096xf32, #tpu.memory_space<smem>>
      %get3A_275 = arith.constant 0 : index
      %get3A_276 = arith.constant 2 : index
      %get3A_277 = arith.index_cast %add3A_240 : i32 to index
      %get3A_278 = memref.load %arg2[%get3A_275, %get3A_276, %get3A_277] : memref<1x4x4096xf32, #tpu.memory_space<smem>>
      %get3A_279 = arith.constant 0 : index
      %get3A_280 = arith.constant 3 : index
      %get3A_281 = arith.index_cast %add3A_240 : i32 to index
      %get3A_282 = memref.load %arg2[%get3A_279, %get3A_280, %get3A_281] : memref<1x4x4096xf32, #tpu.memory_space<smem>>
      %mul3A_283 = vector.broadcast %get3A_270 : f32 to vector<32x128xf32>
      %mul3A_284 = arith.mulf %get3A_4, %mul3A_283 : vector<32x128xf32>
      %mul3A_285 = vector.broadcast %get3A_274 : f32 to vector<32x128xf32>
      %mul3A_286 = arith.mulf %get3A_10, %mul3A_285 : vector<32x128xf32>
      %add3A_287 = arith.addf %mul3A_284, %mul3A_286 : vector<32x128xf32>
      %mul3A_288 = vector.broadcast %get3A_278 : f32 to vector<32x128xf32>
      %mul3A_289 = arith.mulf %get3A_16, %mul3A_288 : vector<32x128xf32>
      %add3A_290 = vector.broadcast %get3A_282 : f32 to vector<32x128xf32>
      %add3A_291 = arith.addf %mul3A_289, %add3A_290 : vector<32x128xf32>
      %add3A_292 = arith.addf %add3A_287, %add3A_291 : vector<32x128xf32>
      %lt3A_293 = arith.cmpf olt, %add3A_266, %select_n3A_229 : vector<32x128xf32>
      %lt3A_294 = arith.cmpf olt, %add3A_292, %select_n3A_232 : vector<32x128xf32>
      %select_n3A_295 = arith.select %lt3A_293, %add3A_266, %select_n3A_229 : vector<32x128xi1>, vector<32x128xf32>
      %broadcast_in_dim3A_296 = vector.broadcast %add3A_238 : i32 to vector<32x128xi32>
      %select_n3A_297 = arith.select %lt3A_293, %broadcast_in_dim3A_296, %select_n3A_231 : vector<32x128xi1>, vector<32x128xi32>
      %select_n3A_298 = arith.select %lt3A_294, %add3A_292, %select_n3A_232 : vector<32x128xi1>, vector<32x128xf32>
      %broadcast_in_dim3A_299 = vector.broadcast %add3A_240 : i32 to vector<32x128xi32>
      %select_n3A_300 = arith.select %lt3A_294, %broadcast_in_dim3A_299, %select_n3A_234 : vector<32x128xi1>, vector<32x128xi32>
      %mul3A_301 = arith.constant 32 : i32
      %mul3A_302 = arith.muli %scan3A_32, %mul3A_301 : i32
      %add3A_303 = arith.constant 8 : i32
      %add3A_304 = arith.addi %mul3A_302, %add3A_303 : i32
      %add3A_305 = arith.constant 1 : i32
      %add3A_306 = arith.addi %add3A_304, %add3A_305 : i32
      %get3A_307 = arith.constant 0 : index
      %get3A_308 = arith.constant 0 : index
      %get3A_309 = arith.index_cast %add3A_304 : i32 to index
      %get3A_310 = memref.load %arg2[%get3A_307, %get3A_308, %get3A_309] : memref<1x4x4096xf32, #tpu.memory_space<smem>>
      %get3A_311 = arith.constant 0 : index
      %get3A_312 = arith.constant 1 : index
      %get3A_313 = arith.index_cast %add3A_304 : i32 to index
      %get3A_314 = memref.load %arg2[%get3A_311, %get3A_312, %get3A_313] : memref<1x4x4096xf32, #tpu.memory_space<smem>>
      %get3A_315 = arith.constant 0 : index
      %get3A_316 = arith.constant 2 : index
      %get3A_317 = arith.index_cast %add3A_304 : i32 to index
      %get3A_318 = memref.load %arg2[%get3A_315, %get3A_316, %get3A_317] : memref<1x4x4096xf32, #tpu.memory_space<smem>>
      %get3A_319 = arith.constant 0 : index
      %get3A_320 = arith.constant 3 : index
      %get3A_321 = arith.index_cast %add3A_304 : i32 to index
      %get3A_322 = memref.load %arg2[%get3A_319, %get3A_320, %get3A_321] : memref<1x4x4096xf32, #tpu.memory_space<smem>>
      %mul3A_323 = vector.broadcast %get3A_310 : f32 to vector<32x128xf32>
      %mul3A_324 = arith.mulf %get3A_4, %mul3A_323 : vector<32x128xf32>
      %mul3A_325 = vector.broadcast %get3A_314 : f32 to vector<32x128xf32>
      %mul3A_326 = arith.mulf %get3A_10, %mul3A_325 : vector<32x128xf32>
      %add3A_327 = arith.addf %mul3A_324, %mul3A_326 : vector<32x128xf32>
      %mul3A_328 = vector.broadcast %get3A_318 : f32 to vector<32x128xf32>
      %mul3A_329 = arith.mulf %get3A_16, %mul3A_328 : vector<32x128xf32>
      %add3A_330 = vector.broadcast %get3A_322 : f32 to vector<32x128xf32>
      %add3A_331 = arith.addf %mul3A_329, %add3A_330 : vector<32x128xf32>
      %add3A_332 = arith.addf %add3A_327, %add3A_331 : vector<32x128xf32>
      %get3A_333 = arith.constant 0 : index
      %get3A_334 = arith.constant 0 : index
      %get3A_335 = arith.index_cast %add3A_306 : i32 to index
      %get3A_336 = memref.load %arg2[%get3A_333, %get3A_334, %get3A_335] : memref<1x4x4096xf32, #tpu.memory_space<smem>>
      %get3A_337 = arith.constant 0 : index
      %get3A_338 = arith.constant 1 : index
      %get3A_339 = arith.index_cast %add3A_306 : i32 to index
      %get3A_340 = memref.load %arg2[%get3A_337, %get3A_338, %get3A_339] : memref<1x4x4096xf32, #tpu.memory_space<smem>>
      %get3A_341 = arith.constant 0 : index
      %get3A_342 = arith.constant 2 : index
      %get3A_343 = arith.index_cast %add3A_306 : i32 to index
      %get3A_344 = memref.load %arg2[%get3A_341, %get3A_342, %get3A_343] : memref<1x4x4096xf32, #tpu.memory_space<smem>>
      %get3A_345 = arith.constant 0 : index
      %get3A_346 = arith.constant 3 : index
      %get3A_347 = arith.index_cast %add3A_306 : i32 to index
      %get3A_348 = memref.load %arg2[%get3A_345, %get3A_346, %get3A_347] : memref<1x4x4096xf32, #tpu.memory_space<smem>>
      %mul3A_349 = vector.broadcast %get3A_336 : f32 to vector<32x128xf32>
      %mul3A_350 = arith.mulf %get3A_4, %mul3A_349 : vector<32x128xf32>
      %mul3A_351 = vector.broadcast %get3A_340 : f32 to vector<32x128xf32>
      %mul3A_352 = arith.mulf %get3A_10, %mul3A_351 : vector<32x128xf32>
      %add3A_353 = arith.addf %mul3A_350, %mul3A_352 : vector<32x128xf32>
      %mul3A_354 = vector.broadcast %get3A_344 : f32 to vector<32x128xf32>
      %mul3A_355 = arith.mulf %get3A_16, %mul3A_354 : vector<32x128xf32>
      %add3A_356 = vector.broadcast %get3A_348 : f32 to vector<32x128xf32>
      %add3A_357 = arith.addf %mul3A_355, %add3A_356 : vector<32x128xf32>
      %add3A_358 = arith.addf %add3A_353, %add3A_357 : vector<32x128xf32>
      %lt3A_359 = arith.cmpf olt, %add3A_332, %select_n3A_295 : vector<32x128xf32>
      %lt3A_360 = arith.cmpf olt, %add3A_358, %select_n3A_298 : vector<32x128xf32>
      %select_n3A_361 = arith.select %lt3A_359, %add3A_332, %select_n3A_295 : vector<32x128xi1>, vector<32x128xf32>
      %broadcast_in_dim3A_362 = vector.broadcast %add3A_304 : i32 to vector<32x128xi32>
      %select_n3A_363 = arith.select %lt3A_359, %broadcast_in_dim3A_362, %select_n3A_297 : vector<32x128xi1>, vector<32x128xi32>
      %select_n3A_364 = arith.select %lt3A_360, %add3A_358, %select_n3A_298 : vector<32x128xi1>, vector<32x128xf32>
      %broadcast_in_dim3A_365 = vector.broadcast %add3A_306 : i32 to vector<32x128xi32>
      %select_n3A_366 = arith.select %lt3A_360, %broadcast_in_dim3A_365, %select_n3A_300 : vector<32x128xi1>, vector<32x128xi32>
      %mul3A_367 = arith.constant 32 : i32
      %mul3A_368 = arith.muli %scan3A_32, %mul3A_367 : i32
      %add3A_369 = arith.constant 10 : i32
      %add3A_370 = arith.addi %mul3A_368, %add3A_369 : i32
      %add3A_371 = arith.constant 1 : i32
      %add3A_372 = arith.addi %add3A_370, %add3A_371 : i32
      %get3A_373 = arith.constant 0 : index
      %get3A_374 = arith.constant 0 : index
      %get3A_375 = arith.index_cast %add3A_370 : i32 to index
      %get3A_376 = memref.load %arg2[%get3A_373, %get3A_374, %get3A_375] : memref<1x4x4096xf32, #tpu.memory_space<smem>>
      %get3A_377 = arith.constant 0 : index
      %get3A_378 = arith.constant 1 : index
      %get3A_379 = arith.index_cast %add3A_370 : i32 to index
      %get3A_380 = memref.load %arg2[%get3A_377, %get3A_378, %get3A_379] : memref<1x4x4096xf32, #tpu.memory_space<smem>>
      %get3A_381 = arith.constant 0 : index
      %get3A_382 = arith.constant 2 : index
      %get3A_383 = arith.index_cast %add3A_370 : i32 to index
      %get3A_384 = memref.load %arg2[%get3A_381, %get3A_382, %get3A_383] : memref<1x4x4096xf32, #tpu.memory_space<smem>>
      %get3A_385 = arith.constant 0 : index
      %get3A_386 = arith.constant 3 : index
      %get3A_387 = arith.index_cast %add3A_370 : i32 to index
      %get3A_388 = memref.load %arg2[%get3A_385, %get3A_386, %get3A_387] : memref<1x4x4096xf32, #tpu.memory_space<smem>>
      %mul3A_389 = vector.broadcast %get3A_376 : f32 to vector<32x128xf32>
      %mul3A_390 = arith.mulf %get3A_4, %mul3A_389 : vector<32x128xf32>
      %mul3A_391 = vector.broadcast %get3A_380 : f32 to vector<32x128xf32>
      %mul3A_392 = arith.mulf %get3A_10, %mul3A_391 : vector<32x128xf32>
      %add3A_393 = arith.addf %mul3A_390, %mul3A_392 : vector<32x128xf32>
      %mul3A_394 = vector.broadcast %get3A_384 : f32 to vector<32x128xf32>
      %mul3A_395 = arith.mulf %get3A_16, %mul3A_394 : vector<32x128xf32>
      %add3A_396 = vector.broadcast %get3A_388 : f32 to vector<32x128xf32>
      %add3A_397 = arith.addf %mul3A_395, %add3A_396 : vector<32x128xf32>
      %add3A_398 = arith.addf %add3A_393, %add3A_397 : vector<32x128xf32>
      %get3A_399 = arith.constant 0 : index
      %get3A_400 = arith.constant 0 : index
      %get3A_401 = arith.index_cast %add3A_372 : i32 to index
      %get3A_402 = memref.load %arg2[%get3A_399, %get3A_400, %get3A_401] : memref<1x4x4096xf32, #tpu.memory_space<smem>>
      %get3A_403 = arith.constant 0 : index
      %get3A_404 = arith.constant 1 : index
      %get3A_405 = arith.index_cast %add3A_372 : i32 to index
      %get3A_406 = memref.load %arg2[%get3A_403, %get3A_404, %get3A_405] : memref<1x4x4096xf32, #tpu.memory_space<smem>>
      %get3A_407 = arith.constant 0 : index
      %get3A_408 = arith.constant 2 : index
      %get3A_409 = arith.index_cast %add3A_372 : i32 to index
      %get3A_410 = memref.load %arg2[%get3A_407, %get3A_408, %get3A_409] : memref<1x4x4096xf32, #tpu.memory_space<smem>>
      %get3A_411 = arith.constant 0 : index
      %get3A_412 = arith.constant 3 : index
      %get3A_413 = arith.index_cast %add3A_372 : i32 to index
      %get3A_414 = memref.load %arg2[%get3A_411, %get3A_412, %get3A_413] : memref<1x4x4096xf32, #tpu.memory_space<smem>>
      %mul3A_415 = vector.broadcast %get3A_402 : f32 to vector<32x128xf32>
      %mul3A_416 = arith.mulf %get3A_4, %mul3A_415 : vector<32x128xf32>
      %mul3A_417 = vector.broadcast %get3A_406 : f32 to vector<32x128xf32>
      %mul3A_418 = arith.mulf %get3A_10, %mul3A_417 : vector<32x128xf32>
      %add3A_419 = arith.addf %mul3A_416, %mul3A_418 : vector<32x128xf32>
      %mul3A_420 = vector.broadcast %get3A_410 : f32 to vector<32x128xf32>
      %mul3A_421 = arith.mulf %get3A_16, %mul3A_420 : vector<32x128xf32>
      %add3A_422 = vector.broadcast %get3A_414 : f32 to vector<32x128xf32>
      %add3A_423 = arith.addf %mul3A_421, %add3A_422 : vector<32x128xf32>
      %add3A_424 = arith.addf %add3A_419, %add3A_423 : vector<32x128xf32>
      %lt3A_425 = arith.cmpf olt, %add3A_398, %select_n3A_361 : vector<32x128xf32>
      %lt3A_426 = arith.cmpf olt, %add3A_424, %select_n3A_364 : vector<32x128xf32>
      %select_n3A_427 = arith.select %lt3A_425, %add3A_398, %select_n3A_361 : vector<32x128xi1>, vector<32x128xf32>
      %broadcast_in_dim3A_428 = vector.broadcast %add3A_370 : i32 to vector<32x128xi32>
      %select_n3A_429 = arith.select %lt3A_425, %broadcast_in_dim3A_428, %select_n3A_363 : vector<32x128xi1>, vector<32x128xi32>
      %select_n3A_430 = arith.select %lt3A_426, %add3A_424, %select_n3A_364 : vector<32x128xi1>, vector<32x128xf32>
      %broadcast_in_dim3A_431 = vector.broadcast %add3A_372 : i32 to vector<32x128xi32>
      %select_n3A_432 = arith.select %lt3A_426, %broadcast_in_dim3A_431, %select_n3A_366 : vector<32x128xi1>, vector<32x128xi32>
      %mul3A_433 = arith.constant 32 : i32
      %mul3A_434 = arith.muli %scan3A_32, %mul3A_433 : i32
      %add3A_435 = arith.constant 12 : i32
      %add3A_436 = arith.addi %mul3A_434, %add3A_435 : i32
      %add3A_437 = arith.constant 1 : i32
      %add3A_438 = arith.addi %add3A_436, %add3A_437 : i32
      %get3A_439 = arith.constant 0 : index
      %get3A_440 = arith.constant 0 : index
      %get3A_441 = arith.index_cast %add3A_436 : i32 to index
      %get3A_442 = memref.load %arg2[%get3A_439, %get3A_440, %get3A_441] : memref<1x4x4096xf32, #tpu.memory_space<smem>>
      %get3A_443 = arith.constant 0 : index
      %get3A_444 = arith.constant 1 : index
      %get3A_445 = arith.index_cast %add3A_436 : i32 to index
      %get3A_446 = memref.load %arg2[%get3A_443, %get3A_444, %get3A_445] : memref<1x4x4096xf32, #tpu.memory_space<smem>>
      %get3A_447 = arith.constant 0 : index
      %get3A_448 = arith.constant 2 : index
      %get3A_449 = arith.index_cast %add3A_436 : i32 to index
      %get3A_450 = memref.load %arg2[%get3A_447, %get3A_448, %get3A_449] : memref<1x4x4096xf32, #tpu.memory_space<smem>>
      %get3A_451 = arith.constant 0 : index
      %get3A_452 = arith.constant 3 : index
      %get3A_453 = arith.index_cast %add3A_436 : i32 to index
      %get3A_454 = memref.load %arg2[%get3A_451, %get3A_452, %get3A_453] : memref<1x4x4096xf32, #tpu.memory_space<smem>>
      %mul3A_455 = vector.broadcast %get3A_442 : f32 to vector<32x128xf32>
      %mul3A_456 = arith.mulf %get3A_4, %mul3A_455 : vector<32x128xf32>
      %mul3A_457 = vector.broadcast %get3A_446 : f32 to vector<32x128xf32>
      %mul3A_458 = arith.mulf %get3A_10, %mul3A_457 : vector<32x128xf32>
      %add3A_459 = arith.addf %mul3A_456, %mul3A_458 : vector<32x128xf32>
      %mul3A_460 = vector.broadcast %get3A_450 : f32 to vector<32x128xf32>
      %mul3A_461 = arith.mulf %get3A_16, %mul3A_460 : vector<32x128xf32>
      %add3A_462 = vector.broadcast %get3A_454 : f32 to vector<32x128xf32>
      %add3A_463 = arith.addf %mul3A_461, %add3A_462 : vector<32x128xf32>
      %add3A_464 = arith.addf %add3A_459, %add3A_463 : vector<32x128xf32>
      %get3A_465 = arith.constant 0 : index
      %get3A_466 = arith.constant 0 : index
      %get3A_467 = arith.index_cast %add3A_438 : i32 to index
      %get3A_468 = memref.load %arg2[%get3A_465, %get3A_466, %get3A_467] : memref<1x4x4096xf32, #tpu.memory_space<smem>>
      %get3A_469 = arith.constant 0 : index
      %get3A_470 = arith.constant 1 : index
      %get3A_471 = arith.index_cast %add3A_438 : i32 to index
      %get3A_472 = memref.load %arg2[%get3A_469, %get3A_470, %get3A_471] : memref<1x4x4096xf32, #tpu.memory_space<smem>>
      %get3A_473 = arith.constant 0 : index
      %get3A_474 = arith.constant 2 : index
      %get3A_475 = arith.index_cast %add3A_438 : i32 to index
      %get3A_476 = memref.load %arg2[%get3A_473, %get3A_474, %get3A_475] : memref<1x4x4096xf32, #tpu.memory_space<smem>>
      %get3A_477 = arith.constant 0 : index
      %get3A_478 = arith.constant 3 : index
      %get3A_479 = arith.index_cast %add3A_438 : i32 to index
      %get3A_480 = memref.load %arg2[%get3A_477, %get3A_478, %get3A_479] : memref<1x4x4096xf32, #tpu.memory_space<smem>>
      %mul3A_481 = vector.broadcast %get3A_468 : f32 to vector<32x128xf32>
      %mul3A_482 = arith.mulf %get3A_4, %mul3A_481 : vector<32x128xf32>
      %mul3A_483 = vector.broadcast %get3A_472 : f32 to vector<32x128xf32>
      %mul3A_484 = arith.mulf %get3A_10, %mul3A_483 : vector<32x128xf32>
      %add3A_485 = arith.addf %mul3A_482, %mul3A_484 : vector<32x128xf32>
      %mul3A_486 = vector.broadcast %get3A_476 : f32 to vector<32x128xf32>
      %mul3A_487 = arith.mulf %get3A_16, %mul3A_486 : vector<32x128xf32>
      %add3A_488 = vector.broadcast %get3A_480 : f32 to vector<32x128xf32>
      %add3A_489 = arith.addf %mul3A_487, %add3A_488 : vector<32x128xf32>
      %add3A_490 = arith.addf %add3A_485, %add3A_489 : vector<32x128xf32>
      %lt3A_491 = arith.cmpf olt, %add3A_464, %select_n3A_427 : vector<32x128xf32>
      %lt3A_492 = arith.cmpf olt, %add3A_490, %select_n3A_430 : vector<32x128xf32>
      %select_n3A_493 = arith.select %lt3A_491, %add3A_464, %select_n3A_427 : vector<32x128xi1>, vector<32x128xf32>
      %broadcast_in_dim3A_494 = vector.broadcast %add3A_436 : i32 to vector<32x128xi32>
      %select_n3A_495 = arith.select %lt3A_491, %broadcast_in_dim3A_494, %select_n3A_429 : vector<32x128xi1>, vector<32x128xi32>
      %select_n3A_496 = arith.select %lt3A_492, %add3A_490, %select_n3A_430 : vector<32x128xi1>, vector<32x128xf32>
      %broadcast_in_dim3A_497 = vector.broadcast %add3A_438 : i32 to vector<32x128xi32>
      %select_n3A_498 = arith.select %lt3A_492, %broadcast_in_dim3A_497, %select_n3A_432 : vector<32x128xi1>, vector<32x128xi32>
      %mul3A_499 = arith.constant 32 : i32
      %mul3A_500 = arith.muli %scan3A_32, %mul3A_499 : i32
      %add3A_501 = arith.constant 14 : i32
      %add3A_502 = arith.addi %mul3A_500, %add3A_501 : i32
      %add3A_503 = arith.constant 1 : i32
      %add3A_504 = arith.addi %add3A_502, %add3A_503 : i32
      %get3A_505 = arith.constant 0 : index
      %get3A_506 = arith.constant 0 : index
      %get3A_507 = arith.index_cast %add3A_502 : i32 to index
      %get3A_508 = memref.load %arg2[%get3A_505, %get3A_506, %get3A_507] : memref<1x4x4096xf32, #tpu.memory_space<smem>>
      %get3A_509 = arith.constant 0 : index
      %get3A_510 = arith.constant 1 : index
      %get3A_511 = arith.index_cast %add3A_502 : i32 to index
      %get3A_512 = memref.load %arg2[%get3A_509, %get3A_510, %get3A_511] : memref<1x4x4096xf32, #tpu.memory_space<smem>>
      %get3A_513 = arith.constant 0 : index
      %get3A_514 = arith.constant 2 : index
      %get3A_515 = arith.index_cast %add3A_502 : i32 to index
      %get3A_516 = memref.load %arg2[%get3A_513, %get3A_514, %get3A_515] : memref<1x4x4096xf32, #tpu.memory_space<smem>>
      %get3A_517 = arith.constant 0 : index
      %get3A_518 = arith.constant 3 : index
      %get3A_519 = arith.index_cast %add3A_502 : i32 to index
      %get3A_520 = memref.load %arg2[%get3A_517, %get3A_518, %get3A_519] : memref<1x4x4096xf32, #tpu.memory_space<smem>>
      %mul3A_521 = vector.broadcast %get3A_508 : f32 to vector<32x128xf32>
      %mul3A_522 = arith.mulf %get3A_4, %mul3A_521 : vector<32x128xf32>
      %mul3A_523 = vector.broadcast %get3A_512 : f32 to vector<32x128xf32>
      %mul3A_524 = arith.mulf %get3A_10, %mul3A_523 : vector<32x128xf32>
      %add3A_525 = arith.addf %mul3A_522, %mul3A_524 : vector<32x128xf32>
      %mul3A_526 = vector.broadcast %get3A_516 : f32 to vector<32x128xf32>
      %mul3A_527 = arith.mulf %get3A_16, %mul3A_526 : vector<32x128xf32>
      %add3A_528 = vector.broadcast %get3A_520 : f32 to vector<32x128xf32>
      %add3A_529 = arith.addf %mul3A_527, %add3A_528 : vector<32x128xf32>
      %add3A_530 = arith.addf %add3A_525, %add3A_529 : vector<32x128xf32>
      %get3A_531 = arith.constant 0 : index
      %get3A_532 = arith.constant 0 : index
      %get3A_533 = arith.index_cast %add3A_504 : i32 to index
      %get3A_534 = memref.load %arg2[%get3A_531, %get3A_532, %get3A_533] : memref<1x4x4096xf32, #tpu.memory_space<smem>>
      %get3A_535 = arith.constant 0 : index
      %get3A_536 = arith.constant 1 : index
      %get3A_537 = arith.index_cast %add3A_504 : i32 to index
      %get3A_538 = memref.load %arg2[%get3A_535, %get3A_536, %get3A_537] : memref<1x4x4096xf32, #tpu.memory_space<smem>>
      %get3A_539 = arith.constant 0 : index
      %get3A_540 = arith.constant 2 : index
      %get3A_541 = arith.index_cast %add3A_504 : i32 to index
      %get3A_542 = memref.load %arg2[%get3A_539, %get3A_540, %get3A_541] : memref<1x4x4096xf32, #tpu.memory_space<smem>>
      %get3A_543 = arith.constant 0 : index
      %get3A_544 = arith.constant 3 : index
      %get3A_545 = arith.index_cast %add3A_504 : i32 to index
      %get3A_546 = memref.load %arg2[%get3A_543, %get3A_544, %get3A_545] : memref<1x4x4096xf32, #tpu.memory_space<smem>>
      %mul3A_547 = vector.broadcast %get3A_534 : f32 to vector<32x128xf32>
      %mul3A_548 = arith.mulf %get3A_4, %mul3A_547 : vector<32x128xf32>
      %mul3A_549 = vector.broadcast %get3A_538 : f32 to vector<32x128xf32>
      %mul3A_550 = arith.mulf %get3A_10, %mul3A_549 : vector<32x128xf32>
      %add3A_551 = arith.addf %mul3A_548, %mul3A_550 : vector<32x128xf32>
      %mul3A_552 = vector.broadcast %get3A_542 : f32 to vector<32x128xf32>
      %mul3A_553 = arith.mulf %get3A_16, %mul3A_552 : vector<32x128xf32>
      %add3A_554 = vector.broadcast %get3A_546 : f32 to vector<32x128xf32>
      %add3A_555 = arith.addf %mul3A_553, %add3A_554 : vector<32x128xf32>
      %add3A_556 = arith.addf %add3A_551, %add3A_555 : vector<32x128xf32>
      %lt3A_557 = arith.cmpf olt, %add3A_530, %select_n3A_493 : vector<32x128xf32>
      %lt3A_558 = arith.cmpf olt, %add3A_556, %select_n3A_496 : vector<32x128xf32>
      %select_n3A_559 = arith.select %lt3A_557, %add3A_530, %select_n3A_493 : vector<32x128xi1>, vector<32x128xf32>
      %broadcast_in_dim3A_560 = vector.broadcast %add3A_502 : i32 to vector<32x128xi32>
      %select_n3A_561 = arith.select %lt3A_557, %broadcast_in_dim3A_560, %select_n3A_495 : vector<32x128xi1>, vector<32x128xi32>
      %select_n3A_562 = arith.select %lt3A_558, %add3A_556, %select_n3A_496 : vector<32x128xi1>, vector<32x128xf32>
      %broadcast_in_dim3A_563 = vector.broadcast %add3A_504 : i32 to vector<32x128xi32>
      %select_n3A_564 = arith.select %lt3A_558, %broadcast_in_dim3A_563, %select_n3A_498 : vector<32x128xi1>, vector<32x128xi32>
      %mul3A_565 = arith.constant 32 : i32
      %mul3A_566 = arith.muli %scan3A_32, %mul3A_565 : i32
      %add3A_567 = arith.constant 16 : i32
      %add3A_568 = arith.addi %mul3A_566, %add3A_567 : i32
      %add3A_569 = arith.constant 1 : i32
      %add3A_570 = arith.addi %add3A_568, %add3A_569 : i32
      %get3A_571 = arith.constant 0 : index
      %get3A_572 = arith.constant 0 : index
      %get3A_573 = arith.index_cast %add3A_568 : i32 to index
      %get3A_574 = memref.load %arg2[%get3A_571, %get3A_572, %get3A_573] : memref<1x4x4096xf32, #tpu.memory_space<smem>>
      %get3A_575 = arith.constant 0 : index
      %get3A_576 = arith.constant 1 : index
      %get3A_577 = arith.index_cast %add3A_568 : i32 to index
      %get3A_578 = memref.load %arg2[%get3A_575, %get3A_576, %get3A_577] : memref<1x4x4096xf32, #tpu.memory_space<smem>>
      %get3A_579 = arith.constant 0 : index
      %get3A_580 = arith.constant 2 : index
      %get3A_581 = arith.index_cast %add3A_568 : i32 to index
      %get3A_582 = memref.load %arg2[%get3A_579, %get3A_580, %get3A_581] : memref<1x4x4096xf32, #tpu.memory_space<smem>>
      %get3A_583 = arith.constant 0 : index
      %get3A_584 = arith.constant 3 : index
      %get3A_585 = arith.index_cast %add3A_568 : i32 to index
      %get3A_586 = memref.load %arg2[%get3A_583, %get3A_584, %get3A_585] : memref<1x4x4096xf32, #tpu.memory_space<smem>>
      %mul3A_587 = vector.broadcast %get3A_574 : f32 to vector<32x128xf32>
      %mul3A_588 = arith.mulf %get3A_4, %mul3A_587 : vector<32x128xf32>
      %mul3A_589 = vector.broadcast %get3A_578 : f32 to vector<32x128xf32>
      %mul3A_590 = arith.mulf %get3A_10, %mul3A_589 : vector<32x128xf32>
      %add3A_591 = arith.addf %mul3A_588, %mul3A_590 : vector<32x128xf32>
      %mul3A_592 = vector.broadcast %get3A_582 : f32 to vector<32x128xf32>
      %mul3A_593 = arith.mulf %get3A_16, %mul3A_592 : vector<32x128xf32>
      %add3A_594 = vector.broadcast %get3A_586 : f32 to vector<32x128xf32>
      %add3A_595 = arith.addf %mul3A_593, %add3A_594 : vector<32x128xf32>
      %add3A_596 = arith.addf %add3A_591, %add3A_595 : vector<32x128xf32>
      %get3A_597 = arith.constant 0 : index
      %get3A_598 = arith.constant 0 : index
      %get3A_599 = arith.index_cast %add3A_570 : i32 to index
      %get3A_600 = memref.load %arg2[%get3A_597, %get3A_598, %get3A_599] : memref<1x4x4096xf32, #tpu.memory_space<smem>>
      %get3A_601 = arith.constant 0 : index
      %get3A_602 = arith.constant 1 : index
      %get3A_603 = arith.index_cast %add3A_570 : i32 to index
      %get3A_604 = memref.load %arg2[%get3A_601, %get3A_602, %get3A_603] : memref<1x4x4096xf32, #tpu.memory_space<smem>>
      %get3A_605 = arith.constant 0 : index
      %get3A_606 = arith.constant 2 : index
      %get3A_607 = arith.index_cast %add3A_570 : i32 to index
      %get3A_608 = memref.load %arg2[%get3A_605, %get3A_606, %get3A_607] : memref<1x4x4096xf32, #tpu.memory_space<smem>>
      %get3A_609 = arith.constant 0 : index
      %get3A_610 = arith.constant 3 : index
      %get3A_611 = arith.index_cast %add3A_570 : i32 to index
      %get3A_612 = memref.load %arg2[%get3A_609, %get3A_610, %get3A_611] : memref<1x4x4096xf32, #tpu.memory_space<smem>>
      %mul3A_613 = vector.broadcast %get3A_600 : f32 to vector<32x128xf32>
      %mul3A_614 = arith.mulf %get3A_4, %mul3A_613 : vector<32x128xf32>
      %mul3A_615 = vector.broadcast %get3A_604 : f32 to vector<32x128xf32>
      %mul3A_616 = arith.mulf %get3A_10, %mul3A_615 : vector<32x128xf32>
      %add3A_617 = arith.addf %mul3A_614, %mul3A_616 : vector<32x128xf32>
      %mul3A_618 = vector.broadcast %get3A_608 : f32 to vector<32x128xf32>
      %mul3A_619 = arith.mulf %get3A_16, %mul3A_618 : vector<32x128xf32>
      %add3A_620 = vector.broadcast %get3A_612 : f32 to vector<32x128xf32>
      %add3A_621 = arith.addf %mul3A_619, %add3A_620 : vector<32x128xf32>
      %add3A_622 = arith.addf %add3A_617, %add3A_621 : vector<32x128xf32>
      %lt3A_623 = arith.cmpf olt, %add3A_596, %select_n3A_559 : vector<32x128xf32>
      %lt3A_624 = arith.cmpf olt, %add3A_622, %select_n3A_562 : vector<32x128xf32>
      %select_n3A_625 = arith.select %lt3A_623, %add3A_596, %select_n3A_559 : vector<32x128xi1>, vector<32x128xf32>
      %broadcast_in_dim3A_626 = vector.broadcast %add3A_568 : i32 to vector<32x128xi32>
      %select_n3A_627 = arith.select %lt3A_623, %broadcast_in_dim3A_626, %select_n3A_561 : vector<32x128xi1>, vector<32x128xi32>
      %select_n3A_628 = arith.select %lt3A_624, %add3A_622, %select_n3A_562 : vector<32x128xi1>, vector<32x128xf32>
      %broadcast_in_dim3A_629 = vector.broadcast %add3A_570 : i32 to vector<32x128xi32>
      %select_n3A_630 = arith.select %lt3A_624, %broadcast_in_dim3A_629, %select_n3A_564 : vector<32x128xi1>, vector<32x128xi32>
      %mul3A_631 = arith.constant 32 : i32
      %mul3A_632 = arith.muli %scan3A_32, %mul3A_631 : i32
      %add3A_633 = arith.constant 18 : i32
      %add3A_634 = arith.addi %mul3A_632, %add3A_633 : i32
      %add3A_635 = arith.constant 1 : i32
      %add3A_636 = arith.addi %add3A_634, %add3A_635 : i32
      %get3A_637 = arith.constant 0 : index
      %get3A_638 = arith.constant 0 : index
      %get3A_639 = arith.index_cast %add3A_634 : i32 to index
      %get3A_640 = memref.load %arg2[%get3A_637, %get3A_638, %get3A_639] : memref<1x4x4096xf32, #tpu.memory_space<smem>>
      %get3A_641 = arith.constant 0 : index
      %get3A_642 = arith.constant 1 : index
      %get3A_643 = arith.index_cast %add3A_634 : i32 to index
      %get3A_644 = memref.load %arg2[%get3A_641, %get3A_642, %get3A_643] : memref<1x4x4096xf32, #tpu.memory_space<smem>>
      %get3A_645 = arith.constant 0 : index
      %get3A_646 = arith.constant 2 : index
      %get3A_647 = arith.index_cast %add3A_634 : i32 to index
      %get3A_648 = memref.load %arg2[%get3A_645, %get3A_646, %get3A_647] : memref<1x4x4096xf32, #tpu.memory_space<smem>>
      %get3A_649 = arith.constant 0 : index
      %get3A_650 = arith.constant 3 : index
      %get3A_651 = arith.index_cast %add3A_634 : i32 to index
      %get3A_652 = memref.load %arg2[%get3A_649, %get3A_650, %get3A_651] : memref<1x4x4096xf32, #tpu.memory_space<smem>>
      %mul3A_653 = vector.broadcast %get3A_640 : f32 to vector<32x128xf32>
      %mul3A_654 = arith.mulf %get3A_4, %mul3A_653 : vector<32x128xf32>
      %mul3A_655 = vector.broadcast %get3A_644 : f32 to vector<32x128xf32>
      %mul3A_656 = arith.mulf %get3A_10, %mul3A_655 : vector<32x128xf32>
      %add3A_657 = arith.addf %mul3A_654, %mul3A_656 : vector<32x128xf32>
      %mul3A_658 = vector.broadcast %get3A_648 : f32 to vector<32x128xf32>
      %mul3A_659 = arith.mulf %get3A_16, %mul3A_658 : vector<32x128xf32>
      %add3A_660 = vector.broadcast %get3A_652 : f32 to vector<32x128xf32>
      %add3A_661 = arith.addf %mul3A_659, %add3A_660 : vector<32x128xf32>
      %add3A_662 = arith.addf %add3A_657, %add3A_661 : vector<32x128xf32>
      %get3A_663 = arith.constant 0 : index
      %get3A_664 = arith.constant 0 : index
      %get3A_665 = arith.index_cast %add3A_636 : i32 to index
      %get3A_666 = memref.load %arg2[%get3A_663, %get3A_664, %get3A_665] : memref<1x4x4096xf32, #tpu.memory_space<smem>>
      %get3A_667 = arith.constant 0 : index
      %get3A_668 = arith.constant 1 : index
      %get3A_669 = arith.index_cast %add3A_636 : i32 to index
      %get3A_670 = memref.load %arg2[%get3A_667, %get3A_668, %get3A_669] : memref<1x4x4096xf32, #tpu.memory_space<smem>>
      %get3A_671 = arith.constant 0 : index
      %get3A_672 = arith.constant 2 : index
      %get3A_673 = arith.index_cast %add3A_636 : i32 to index
      %get3A_674 = memref.load %arg2[%get3A_671, %get3A_672, %get3A_673] : memref<1x4x4096xf32, #tpu.memory_space<smem>>
      %get3A_675 = arith.constant 0 : index
      %get3A_676 = arith.constant 3 : index
      %get3A_677 = arith.index_cast %add3A_636 : i32 to index
      %get3A_678 = memref.load %arg2[%get3A_675, %get3A_676, %get3A_677] : memref<1x4x4096xf32, #tpu.memory_space<smem>>
      %mul3A_679 = vector.broadcast %get3A_666 : f32 to vector<32x128xf32>
      %mul3A_680 = arith.mulf %get3A_4, %mul3A_679 : vector<32x128xf32>
      %mul3A_681 = vector.broadcast %get3A_670 : f32 to vector<32x128xf32>
      %mul3A_682 = arith.mulf %get3A_10, %mul3A_681 : vector<32x128xf32>
      %add3A_683 = arith.addf %mul3A_680, %mul3A_682 : vector<32x128xf32>
      %mul3A_684 = vector.broadcast %get3A_674 : f32 to vector<32x128xf32>
      %mul3A_685 = arith.mulf %get3A_16, %mul3A_684 : vector<32x128xf32>
      %add3A_686 = vector.broadcast %get3A_678 : f32 to vector<32x128xf32>
      %add3A_687 = arith.addf %mul3A_685, %add3A_686 : vector<32x128xf32>
      %add3A_688 = arith.addf %add3A_683, %add3A_687 : vector<32x128xf32>
      %lt3A_689 = arith.cmpf olt, %add3A_662, %select_n3A_625 : vector<32x128xf32>
      %lt3A_690 = arith.cmpf olt, %add3A_688, %select_n3A_628 : vector<32x128xf32>
      %select_n3A_691 = arith.select %lt3A_689, %add3A_662, %select_n3A_625 : vector<32x128xi1>, vector<32x128xf32>
      %broadcast_in_dim3A_692 = vector.broadcast %add3A_634 : i32 to vector<32x128xi32>
      %select_n3A_693 = arith.select %lt3A_689, %broadcast_in_dim3A_692, %select_n3A_627 : vector<32x128xi1>, vector<32x128xi32>
      %select_n3A_694 = arith.select %lt3A_690, %add3A_688, %select_n3A_628 : vector<32x128xi1>, vector<32x128xf32>
      %broadcast_in_dim3A_695 = vector.broadcast %add3A_636 : i32 to vector<32x128xi32>
      %select_n3A_696 = arith.select %lt3A_690, %broadcast_in_dim3A_695, %select_n3A_630 : vector<32x128xi1>, vector<32x128xi32>
      %mul3A_697 = arith.constant 32 : i32
      %mul3A_698 = arith.muli %scan3A_32, %mul3A_697 : i32
      %add3A_699 = arith.constant 20 : i32
      %add3A_700 = arith.addi %mul3A_698, %add3A_699 : i32
      %add3A_701 = arith.constant 1 : i32
      %add3A_702 = arith.addi %add3A_700, %add3A_701 : i32
      %get3A_703 = arith.constant 0 : index
      %get3A_704 = arith.constant 0 : index
      %get3A_705 = arith.index_cast %add3A_700 : i32 to index
      %get3A_706 = memref.load %arg2[%get3A_703, %get3A_704, %get3A_705] : memref<1x4x4096xf32, #tpu.memory_space<smem>>
      %get3A_707 = arith.constant 0 : index
      %get3A_708 = arith.constant 1 : index
      %get3A_709 = arith.index_cast %add3A_700 : i32 to index
      %get3A_710 = memref.load %arg2[%get3A_707, %get3A_708, %get3A_709] : memref<1x4x4096xf32, #tpu.memory_space<smem>>
      %get3A_711 = arith.constant 0 : index
      %get3A_712 = arith.constant 2 : index
      %get3A_713 = arith.index_cast %add3A_700 : i32 to index
      %get3A_714 = memref.load %arg2[%get3A_711, %get3A_712, %get3A_713] : memref<1x4x4096xf32, #tpu.memory_space<smem>>
      %get3A_715 = arith.constant 0 : index
      %get3A_716 = arith.constant 3 : index
      %get3A_717 = arith.index_cast %add3A_700 : i32 to index
      %get3A_718 = memref.load %arg2[%get3A_715, %get3A_716, %get3A_717] : memref<1x4x4096xf32, #tpu.memory_space<smem>>
      %mul3A_719 = vector.broadcast %get3A_706 : f32 to vector<32x128xf32>
      %mul3A_720 = arith.mulf %get3A_4, %mul3A_719 : vector<32x128xf32>
      %mul3A_721 = vector.broadcast %get3A_710 : f32 to vector<32x128xf32>
      %mul3A_722 = arith.mulf %get3A_10, %mul3A_721 : vector<32x128xf32>
      %add3A_723 = arith.addf %mul3A_720, %mul3A_722 : vector<32x128xf32>
      %mul3A_724 = vector.broadcast %get3A_714 : f32 to vector<32x128xf32>
      %mul3A_725 = arith.mulf %get3A_16, %mul3A_724 : vector<32x128xf32>
      %add3A_726 = vector.broadcast %get3A_718 : f32 to vector<32x128xf32>
      %add3A_727 = arith.addf %mul3A_725, %add3A_726 : vector<32x128xf32>
      %add3A_728 = arith.addf %add3A_723, %add3A_727 : vector<32x128xf32>
      %get3A_729 = arith.constant 0 : index
      %get3A_730 = arith.constant 0 : index
      %get3A_731 = arith.index_cast %add3A_702 : i32 to index
      %get3A_732 = memref.load %arg2[%get3A_729, %get3A_730, %get3A_731] : memref<1x4x4096xf32, #tpu.memory_space<smem>>
      %get3A_733 = arith.constant 0 : index
      %get3A_734 = arith.constant 1 : index
      %get3A_735 = arith.index_cast %add3A_702 : i32 to index
      %get3A_736 = memref.load %arg2[%get3A_733, %get3A_734, %get3A_735] : memref<1x4x4096xf32, #tpu.memory_space<smem>>
      %get3A_737 = arith.constant 0 : index
      %get3A_738 = arith.constant 2 : index
      %get3A_739 = arith.index_cast %add3A_702 : i32 to index
      %get3A_740 = memref.load %arg2[%get3A_737, %get3A_738, %get3A_739] : memref<1x4x4096xf32, #tpu.memory_space<smem>>
      %get3A_741 = arith.constant 0 : index
      %get3A_742 = arith.constant 3 : index
      %get3A_743 = arith.index_cast %add3A_702 : i32 to index
      %get3A_744 = memref.load %arg2[%get3A_741, %get3A_742, %get3A_743] : memref<1x4x4096xf32, #tpu.memory_space<smem>>
      %mul3A_745 = vector.broadcast %get3A_732 : f32 to vector<32x128xf32>
      %mul3A_746 = arith.mulf %get3A_4, %mul3A_745 : vector<32x128xf32>
      %mul3A_747 = vector.broadcast %get3A_736 : f32 to vector<32x128xf32>
      %mul3A_748 = arith.mulf %get3A_10, %mul3A_747 : vector<32x128xf32>
      %add3A_749 = arith.addf %mul3A_746, %mul3A_748 : vector<32x128xf32>
      %mul3A_750 = vector.broadcast %get3A_740 : f32 to vector<32x128xf32>
      %mul3A_751 = arith.mulf %get3A_16, %mul3A_750 : vector<32x128xf32>
      %add3A_752 = vector.broadcast %get3A_744 : f32 to vector<32x128xf32>
      %add3A_753 = arith.addf %mul3A_751, %add3A_752 : vector<32x128xf32>
      %add3A_754 = arith.addf %add3A_749, %add3A_753 : vector<32x128xf32>
      %lt3A_755 = arith.cmpf olt, %add3A_728, %select_n3A_691 : vector<32x128xf32>
      %lt3A_756 = arith.cmpf olt, %add3A_754, %select_n3A_694 : vector<32x128xf32>
      %select_n3A_757 = arith.select %lt3A_755, %add3A_728, %select_n3A_691 : vector<32x128xi1>, vector<32x128xf32>
      %broadcast_in_dim3A_758 = vector.broadcast %add3A_700 : i32 to vector<32x128xi32>
      %select_n3A_759 = arith.select %lt3A_755, %broadcast_in_dim3A_758, %select_n3A_693 : vector<32x128xi1>, vector<32x128xi32>
      %select_n3A_760 = arith.select %lt3A_756, %add3A_754, %select_n3A_694 : vector<32x128xi1>, vector<32x128xf32>
      %broadcast_in_dim3A_761 = vector.broadcast %add3A_702 : i32 to vector<32x128xi32>
      %select_n3A_762 = arith.select %lt3A_756, %broadcast_in_dim3A_761, %select_n3A_696 : vector<32x128xi1>, vector<32x128xi32>
      %mul3A_763 = arith.constant 32 : i32
      %mul3A_764 = arith.muli %scan3A_32, %mul3A_763 : i32
      %add3A_765 = arith.constant 22 : i32
      %add3A_766 = arith.addi %mul3A_764, %add3A_765 : i32
      %add3A_767 = arith.constant 1 : i32
      %add3A_768 = arith.addi %add3A_766, %add3A_767 : i32
      %get3A_769 = arith.constant 0 : index
      %get3A_770 = arith.constant 0 : index
      %get3A_771 = arith.index_cast %add3A_766 : i32 to index
      %get3A_772 = memref.load %arg2[%get3A_769, %get3A_770, %get3A_771] : memref<1x4x4096xf32, #tpu.memory_space<smem>>
      %get3A_773 = arith.constant 0 : index
      %get3A_774 = arith.constant 1 : index
      %get3A_775 = arith.index_cast %add3A_766 : i32 to index
      %get3A_776 = memref.load %arg2[%get3A_773, %get3A_774, %get3A_775] : memref<1x4x4096xf32, #tpu.memory_space<smem>>
      %get3A_777 = arith.constant 0 : index
      %get3A_778 = arith.constant 2 : index
      %get3A_779 = arith.index_cast %add3A_766 : i32 to index
      %get3A_780 = memref.load %arg2[%get3A_777, %get3A_778, %get3A_779] : memref<1x4x4096xf32, #tpu.memory_space<smem>>
      %get3A_781 = arith.constant 0 : index
      %get3A_782 = arith.constant 3 : index
      %get3A_783 = arith.index_cast %add3A_766 : i32 to index
      %get3A_784 = memref.load %arg2[%get3A_781, %get3A_782, %get3A_783] : memref<1x4x4096xf32, #tpu.memory_space<smem>>
      %mul3A_785 = vector.broadcast %get3A_772 : f32 to vector<32x128xf32>
      %mul3A_786 = arith.mulf %get3A_4, %mul3A_785 : vector<32x128xf32>
      %mul3A_787 = vector.broadcast %get3A_776 : f32 to vector<32x128xf32>
      %mul3A_788 = arith.mulf %get3A_10, %mul3A_787 : vector<32x128xf32>
      %add3A_789 = arith.addf %mul3A_786, %mul3A_788 : vector<32x128xf32>
      %mul3A_790 = vector.broadcast %get3A_780 : f32 to vector<32x128xf32>
      %mul3A_791 = arith.mulf %get3A_16, %mul3A_790 : vector<32x128xf32>
      %add3A_792 = vector.broadcast %get3A_784 : f32 to vector<32x128xf32>
      %add3A_793 = arith.addf %mul3A_791, %add3A_792 : vector<32x128xf32>
      %add3A_794 = arith.addf %add3A_789, %add3A_793 : vector<32x128xf32>
      %get3A_795 = arith.constant 0 : index
      %get3A_796 = arith.constant 0 : index
      %get3A_797 = arith.index_cast %add3A_768 : i32 to index
      %get3A_798 = memref.load %arg2[%get3A_795, %get3A_796, %get3A_797] : memref<1x4x4096xf32, #tpu.memory_space<smem>>
      %get3A_799 = arith.constant 0 : index
      %get3A_800 = arith.constant 1 : index
      %get3A_801 = arith.index_cast %add3A_768 : i32 to index
      %get3A_802 = memref.load %arg2[%get3A_799, %get3A_800, %get3A_801] : memref<1x4x4096xf32, #tpu.memory_space<smem>>
      %get3A_803 = arith.constant 0 : index
      %get3A_804 = arith.constant 2 : index
      %get3A_805 = arith.index_cast %add3A_768 : i32 to index
      %get3A_806 = memref.load %arg2[%get3A_803, %get3A_804, %get3A_805] : memref<1x4x4096xf32, #tpu.memory_space<smem>>
      %get3A_807 = arith.constant 0 : index
      %get3A_808 = arith.constant 3 : index
      %get3A_809 = arith.index_cast %add3A_768 : i32 to index
      %get3A_810 = memref.load %arg2[%get3A_807, %get3A_808, %get3A_809] : memref<1x4x4096xf32, #tpu.memory_space<smem>>
      %mul3A_811 = vector.broadcast %get3A_798 : f32 to vector<32x128xf32>
      %mul3A_812 = arith.mulf %get3A_4, %mul3A_811 : vector<32x128xf32>
      %mul3A_813 = vector.broadcast %get3A_802 : f32 to vector<32x128xf32>
      %mul3A_814 = arith.mulf %get3A_10, %mul3A_813 : vector<32x128xf32>
      %add3A_815 = arith.addf %mul3A_812, %mul3A_814 : vector<32x128xf32>
      %mul3A_816 = vector.broadcast %get3A_806 : f32 to vector<32x128xf32>
      %mul3A_817 = arith.mulf %get3A_16, %mul3A_816 : vector<32x128xf32>
      %add3A_818 = vector.broadcast %get3A_810 : f32 to vector<32x128xf32>
      %add3A_819 = arith.addf %mul3A_817, %add3A_818 : vector<32x128xf32>
      %add3A_820 = arith.addf %add3A_815, %add3A_819 : vector<32x128xf32>
      %lt3A_821 = arith.cmpf olt, %add3A_794, %select_n3A_757 : vector<32x128xf32>
      %lt3A_822 = arith.cmpf olt, %add3A_820, %select_n3A_760 : vector<32x128xf32>
      %select_n3A_823 = arith.select %lt3A_821, %add3A_794, %select_n3A_757 : vector<32x128xi1>, vector<32x128xf32>
      %broadcast_in_dim3A_824 = vector.broadcast %add3A_766 : i32 to vector<32x128xi32>
      %select_n3A_825 = arith.select %lt3A_821, %broadcast_in_dim3A_824, %select_n3A_759 : vector<32x128xi1>, vector<32x128xi32>
      %select_n3A_826 = arith.select %lt3A_822, %add3A_820, %select_n3A_760 : vector<32x128xi1>, vector<32x128xf32>
      %broadcast_in_dim3A_827 = vector.broadcast %add3A_768 : i32 to vector<32x128xi32>
      %select_n3A_828 = arith.select %lt3A_822, %broadcast_in_dim3A_827, %select_n3A_762 : vector<32x128xi1>, vector<32x128xi32>
      %mul3A_829 = arith.constant 32 : i32
      %mul3A_830 = arith.muli %scan3A_32, %mul3A_829 : i32
      %add3A_831 = arith.constant 24 : i32
      %add3A_832 = arith.addi %mul3A_830, %add3A_831 : i32
      %add3A_833 = arith.constant 1 : i32
      %add3A_834 = arith.addi %add3A_832, %add3A_833 : i32
      %get3A_835 = arith.constant 0 : index
      %get3A_836 = arith.constant 0 : index
      %get3A_837 = arith.index_cast %add3A_832 : i32 to index
      %get3A_838 = memref.load %arg2[%get3A_835, %get3A_836, %get3A_837] : memref<1x4x4096xf32, #tpu.memory_space<smem>>
      %get3A_839 = arith.constant 0 : index
      %get3A_840 = arith.constant 1 : index
      %get3A_841 = arith.index_cast %add3A_832 : i32 to index
      %get3A_842 = memref.load %arg2[%get3A_839, %get3A_840, %get3A_841] : memref<1x4x4096xf32, #tpu.memory_space<smem>>
      %get3A_843 = arith.constant 0 : index
      %get3A_844 = arith.constant 2 : index
      %get3A_845 = arith.index_cast %add3A_832 : i32 to index
      %get3A_846 = memref.load %arg2[%get3A_843, %get3A_844, %get3A_845] : memref<1x4x4096xf32, #tpu.memory_space<smem>>
      %get3A_847 = arith.constant 0 : index
      %get3A_848 = arith.constant 3 : index
      %get3A_849 = arith.index_cast %add3A_832 : i32 to index
      %get3A_850 = memref.load %arg2[%get3A_847, %get3A_848, %get3A_849] : memref<1x4x4096xf32, #tpu.memory_space<smem>>
      %mul3A_851 = vector.broadcast %get3A_838 : f32 to vector<32x128xf32>
      %mul3A_852 = arith.mulf %get3A_4, %mul3A_851 : vector<32x128xf32>
      %mul3A_853 = vector.broadcast %get3A_842 : f32 to vector<32x128xf32>
      %mul3A_854 = arith.mulf %get3A_10, %mul3A_853 : vector<32x128xf32>
      %add3A_855 = arith.addf %mul3A_852, %mul3A_854 : vector<32x128xf32>
      %mul3A_856 = vector.broadcast %get3A_846 : f32 to vector<32x128xf32>
      %mul3A_857 = arith.mulf %get3A_16, %mul3A_856 : vector<32x128xf32>
      %add3A_858 = vector.broadcast %get3A_850 : f32 to vector<32x128xf32>
      %add3A_859 = arith.addf %mul3A_857, %add3A_858 : vector<32x128xf32>
      %add3A_860 = arith.addf %add3A_855, %add3A_859 : vector<32x128xf32>
      %get3A_861 = arith.constant 0 : index
      %get3A_862 = arith.constant 0 : index
      %get3A_863 = arith.index_cast %add3A_834 : i32 to index
      %get3A_864 = memref.load %arg2[%get3A_861, %get3A_862, %get3A_863] : memref<1x4x4096xf32, #tpu.memory_space<smem>>
      %get3A_865 = arith.constant 0 : index
      %get3A_866 = arith.constant 1 : index
      %get3A_867 = arith.index_cast %add3A_834 : i32 to index
      %get3A_868 = memref.load %arg2[%get3A_865, %get3A_866, %get3A_867] : memref<1x4x4096xf32, #tpu.memory_space<smem>>
      %get3A_869 = arith.constant 0 : index
      %get3A_870 = arith.constant 2 : index
      %get3A_871 = arith.index_cast %add3A_834 : i32 to index
      %get3A_872 = memref.load %arg2[%get3A_869, %get3A_870, %get3A_871] : memref<1x4x4096xf32, #tpu.memory_space<smem>>
      %get3A_873 = arith.constant 0 : index
      %get3A_874 = arith.constant 3 : index
      %get3A_875 = arith.index_cast %add3A_834 : i32 to index
      %get3A_876 = memref.load %arg2[%get3A_873, %get3A_874, %get3A_875] : memref<1x4x4096xf32, #tpu.memory_space<smem>>
      %mul3A_877 = vector.broadcast %get3A_864 : f32 to vector<32x128xf32>
      %mul3A_878 = arith.mulf %get3A_4, %mul3A_877 : vector<32x128xf32>
      %mul3A_879 = vector.broadcast %get3A_868 : f32 to vector<32x128xf32>
      %mul3A_880 = arith.mulf %get3A_10, %mul3A_879 : vector<32x128xf32>
      %add3A_881 = arith.addf %mul3A_878, %mul3A_880 : vector<32x128xf32>
      %mul3A_882 = vector.broadcast %get3A_872 : f32 to vector<32x128xf32>
      %mul3A_883 = arith.mulf %get3A_16, %mul3A_882 : vector<32x128xf32>
      %add3A_884 = vector.broadcast %get3A_876 : f32 to vector<32x128xf32>
      %add3A_885 = arith.addf %mul3A_883, %add3A_884 : vector<32x128xf32>
      %add3A_886 = arith.addf %add3A_881, %add3A_885 : vector<32x128xf32>
      %lt3A_887 = arith.cmpf olt, %add3A_860, %select_n3A_823 : vector<32x128xf32>
      %lt3A_888 = arith.cmpf olt, %add3A_886, %select_n3A_826 : vector<32x128xf32>
      %select_n3A_889 = arith.select %lt3A_887, %add3A_860, %select_n3A_823 : vector<32x128xi1>, vector<32x128xf32>
      %broadcast_in_dim3A_890 = vector.broadcast %add3A_832 : i32 to vector<32x128xi32>
      %select_n3A_891 = arith.select %lt3A_887, %broadcast_in_dim3A_890, %select_n3A_825 : vector<32x128xi1>, vector<32x128xi32>
      %select_n3A_892 = arith.select %lt3A_888, %add3A_886, %select_n3A_826 : vector<32x128xi1>, vector<32x128xf32>
      %broadcast_in_dim3A_893 = vector.broadcast %add3A_834 : i32 to vector<32x128xi32>
      %select_n3A_894 = arith.select %lt3A_888, %broadcast_in_dim3A_893, %select_n3A_828 : vector<32x128xi1>, vector<32x128xi32>
      %mul3A_895 = arith.constant 32 : i32
      %mul3A_896 = arith.muli %scan3A_32, %mul3A_895 : i32
      %add3A_897 = arith.constant 26 : i32
      %add3A_898 = arith.addi %mul3A_896, %add3A_897 : i32
      %add3A_899 = arith.constant 1 : i32
      %add3A_900 = arith.addi %add3A_898, %add3A_899 : i32
      %get3A_901 = arith.constant 0 : index
      %get3A_902 = arith.constant 0 : index
      %get3A_903 = arith.index_cast %add3A_898 : i32 to index
      %get3A_904 = memref.load %arg2[%get3A_901, %get3A_902, %get3A_903] : memref<1x4x4096xf32, #tpu.memory_space<smem>>
      %get3A_905 = arith.constant 0 : index
      %get3A_906 = arith.constant 1 : index
      %get3A_907 = arith.index_cast %add3A_898 : i32 to index
      %get3A_908 = memref.load %arg2[%get3A_905, %get3A_906, %get3A_907] : memref<1x4x4096xf32, #tpu.memory_space<smem>>
      %get3A_909 = arith.constant 0 : index
      %get3A_910 = arith.constant 2 : index
      %get3A_911 = arith.index_cast %add3A_898 : i32 to index
      %get3A_912 = memref.load %arg2[%get3A_909, %get3A_910, %get3A_911] : memref<1x4x4096xf32, #tpu.memory_space<smem>>
      %get3A_913 = arith.constant 0 : index
      %get3A_914 = arith.constant 3 : index
      %get3A_915 = arith.index_cast %add3A_898 : i32 to index
      %get3A_916 = memref.load %arg2[%get3A_913, %get3A_914, %get3A_915] : memref<1x4x4096xf32, #tpu.memory_space<smem>>
      %mul3A_917 = vector.broadcast %get3A_904 : f32 to vector<32x128xf32>
      %mul3A_918 = arith.mulf %get3A_4, %mul3A_917 : vector<32x128xf32>
      %mul3A_919 = vector.broadcast %get3A_908 : f32 to vector<32x128xf32>
      %mul3A_920 = arith.mulf %get3A_10, %mul3A_919 : vector<32x128xf32>
      %add3A_921 = arith.addf %mul3A_918, %mul3A_920 : vector<32x128xf32>
      %mul3A_922 = vector.broadcast %get3A_912 : f32 to vector<32x128xf32>
      %mul3A_923 = arith.mulf %get3A_16, %mul3A_922 : vector<32x128xf32>
      %add3A_924 = vector.broadcast %get3A_916 : f32 to vector<32x128xf32>
      %add3A_925 = arith.addf %mul3A_923, %add3A_924 : vector<32x128xf32>
      %add3A_926 = arith.addf %add3A_921, %add3A_925 : vector<32x128xf32>
      %get3A_927 = arith.constant 0 : index
      %get3A_928 = arith.constant 0 : index
      %get3A_929 = arith.index_cast %add3A_900 : i32 to index
      %get3A_930 = memref.load %arg2[%get3A_927, %get3A_928, %get3A_929] : memref<1x4x4096xf32, #tpu.memory_space<smem>>
      %get3A_931 = arith.constant 0 : index
      %get3A_932 = arith.constant 1 : index
      %get3A_933 = arith.index_cast %add3A_900 : i32 to index
      %get3A_934 = memref.load %arg2[%get3A_931, %get3A_932, %get3A_933] : memref<1x4x4096xf32, #tpu.memory_space<smem>>
      %get3A_935 = arith.constant 0 : index
      %get3A_936 = arith.constant 2 : index
      %get3A_937 = arith.index_cast %add3A_900 : i32 to index
      %get3A_938 = memref.load %arg2[%get3A_935, %get3A_936, %get3A_937] : memref<1x4x4096xf32, #tpu.memory_space<smem>>
      %get3A_939 = arith.constant 0 : index
      %get3A_940 = arith.constant 3 : index
      %get3A_941 = arith.index_cast %add3A_900 : i32 to index
      %get3A_942 = memref.load %arg2[%get3A_939, %get3A_940, %get3A_941] : memref<1x4x4096xf32, #tpu.memory_space<smem>>
      %mul3A_943 = vector.broadcast %get3A_930 : f32 to vector<32x128xf32>
      %mul3A_944 = arith.mulf %get3A_4, %mul3A_943 : vector<32x128xf32>
      %mul3A_945 = vector.broadcast %get3A_934 : f32 to vector<32x128xf32>
      %mul3A_946 = arith.mulf %get3A_10, %mul3A_945 : vector<32x128xf32>
      %add3A_947 = arith.addf %mul3A_944, %mul3A_946 : vector<32x128xf32>
      %mul3A_948 = vector.broadcast %get3A_938 : f32 to vector<32x128xf32>
      %mul3A_949 = arith.mulf %get3A_16, %mul3A_948 : vector<32x128xf32>
      %add3A_950 = vector.broadcast %get3A_942 : f32 to vector<32x128xf32>
      %add3A_951 = arith.addf %mul3A_949, %add3A_950 : vector<32x128xf32>
      %add3A_952 = arith.addf %add3A_947, %add3A_951 : vector<32x128xf32>
      %lt3A_953 = arith.cmpf olt, %add3A_926, %select_n3A_889 : vector<32x128xf32>
      %lt3A_954 = arith.cmpf olt, %add3A_952, %select_n3A_892 : vector<32x128xf32>
      %select_n3A_955 = arith.select %lt3A_953, %add3A_926, %select_n3A_889 : vector<32x128xi1>, vector<32x128xf32>
      %broadcast_in_dim3A_956 = vector.broadcast %add3A_898 : i32 to vector<32x128xi32>
      %select_n3A_957 = arith.select %lt3A_953, %broadcast_in_dim3A_956, %select_n3A_891 : vector<32x128xi1>, vector<32x128xi32>
      %select_n3A_958 = arith.select %lt3A_954, %add3A_952, %select_n3A_892 : vector<32x128xi1>, vector<32x128xf32>
      %broadcast_in_dim3A_959 = vector.broadcast %add3A_900 : i32 to vector<32x128xi32>
      %select_n3A_960 = arith.select %lt3A_954, %broadcast_in_dim3A_959, %select_n3A_894 : vector<32x128xi1>, vector<32x128xi32>
      %mul3A_961 = arith.constant 32 : i32
      %mul3A_962 = arith.muli %scan3A_32, %mul3A_961 : i32
      %add3A_963 = arith.constant 28 : i32
      %add3A_964 = arith.addi %mul3A_962, %add3A_963 : i32
      %add3A_965 = arith.constant 1 : i32
      %add3A_966 = arith.addi %add3A_964, %add3A_965 : i32
      %get3A_967 = arith.constant 0 : index
      %get3A_968 = arith.constant 0 : index
      %get3A_969 = arith.index_cast %add3A_964 : i32 to index
      %get3A_970 = memref.load %arg2[%get3A_967, %get3A_968, %get3A_969] : memref<1x4x4096xf32, #tpu.memory_space<smem>>
      %get3A_971 = arith.constant 0 : index
      %get3A_972 = arith.constant 1 : index
      %get3A_973 = arith.index_cast %add3A_964 : i32 to index
      %get3A_974 = memref.load %arg2[%get3A_971, %get3A_972, %get3A_973] : memref<1x4x4096xf32, #tpu.memory_space<smem>>
      %get3A_975 = arith.constant 0 : index
      %get3A_976 = arith.constant 2 : index
      %get3A_977 = arith.index_cast %add3A_964 : i32 to index
      %get3A_978 = memref.load %arg2[%get3A_975, %get3A_976, %get3A_977] : memref<1x4x4096xf32, #tpu.memory_space<smem>>
      %get3A_979 = arith.constant 0 : index
      %get3A_980 = arith.constant 3 : index
      %get3A_981 = arith.index_cast %add3A_964 : i32 to index
      %get3A_982 = memref.load %arg2[%get3A_979, %get3A_980, %get3A_981] : memref<1x4x4096xf32, #tpu.memory_space<smem>>
      %mul3A_983 = vector.broadcast %get3A_970 : f32 to vector<32x128xf32>
      %mul3A_984 = arith.mulf %get3A_4, %mul3A_983 : vector<32x128xf32>
      %mul3A_985 = vector.broadcast %get3A_974 : f32 to vector<32x128xf32>
      %mul3A_986 = arith.mulf %get3A_10, %mul3A_985 : vector<32x128xf32>
      %add3A_987 = arith.addf %mul3A_984, %mul3A_986 : vector<32x128xf32>
      %mul3A_988 = vector.broadcast %get3A_978 : f32 to vector<32x128xf32>
      %mul3A_989 = arith.mulf %get3A_16, %mul3A_988 : vector<32x128xf32>
      %add3A_990 = vector.broadcast %get3A_982 : f32 to vector<32x128xf32>
      %add3A_991 = arith.addf %mul3A_989, %add3A_990 : vector<32x128xf32>
      %add3A_992 = arith.addf %add3A_987, %add3A_991 : vector<32x128xf32>
      %get3A_993 = arith.constant 0 : index
      %get3A_994 = arith.constant 0 : index
      %get3A_995 = arith.index_cast %add3A_966 : i32 to index
      %get3A_996 = memref.load %arg2[%get3A_993, %get3A_994, %get3A_995] : memref<1x4x4096xf32, #tpu.memory_space<smem>>
      %get3A_997 = arith.constant 0 : index
      %get3A_998 = arith.constant 1 : index
      %get3A_999 = arith.index_cast %add3A_966 : i32 to index
      %get3A_1000 = memref.load %arg2[%get3A_997, %get3A_998, %get3A_999] : memref<1x4x4096xf32, #tpu.memory_space<smem>>
      %get3A_1001 = arith.constant 0 : index
      %get3A_1002 = arith.constant 2 : index
      %get3A_1003 = arith.index_cast %add3A_966 : i32 to index
      %get3A_1004 = memref.load %arg2[%get3A_1001, %get3A_1002, %get3A_1003] : memref<1x4x4096xf32, #tpu.memory_space<smem>>
      %get3A_1005 = arith.constant 0 : index
      %get3A_1006 = arith.constant 3 : index
      %get3A_1007 = arith.index_cast %add3A_966 : i32 to index
      %get3A_1008 = memref.load %arg2[%get3A_1005, %get3A_1006, %get3A_1007] : memref<1x4x4096xf32, #tpu.memory_space<smem>>
      %mul3A_1009 = vector.broadcast %get3A_996 : f32 to vector<32x128xf32>
      %mul3A_1010 = arith.mulf %get3A_4, %mul3A_1009 : vector<32x128xf32>
      %mul3A_1011 = vector.broadcast %get3A_1000 : f32 to vector<32x128xf32>
      %mul3A_1012 = arith.mulf %get3A_10, %mul3A_1011 : vector<32x128xf32>
      %add3A_1013 = arith.addf %mul3A_1010, %mul3A_1012 : vector<32x128xf32>
      %mul3A_1014 = vector.broadcast %get3A_1004 : f32 to vector<32x128xf32>
      %mul3A_1015 = arith.mulf %get3A_16, %mul3A_1014 : vector<32x128xf32>
      %add3A_1016 = vector.broadcast %get3A_1008 : f32 to vector<32x128xf32>
      %add3A_1017 = arith.addf %mul3A_1015, %add3A_1016 : vector<32x128xf32>
      %add3A_1018 = arith.addf %add3A_1013, %add3A_1017 : vector<32x128xf32>
      %lt3A_1019 = arith.cmpf olt, %add3A_992, %select_n3A_955 : vector<32x128xf32>
      %lt3A_1020 = arith.cmpf olt, %add3A_1018, %select_n3A_958 : vector<32x128xf32>
      %select_n3A_1021 = arith.select %lt3A_1019, %add3A_992, %select_n3A_955 : vector<32x128xi1>, vector<32x128xf32>
      %broadcast_in_dim3A_1022 = vector.broadcast %add3A_964 : i32 to vector<32x128xi32>
      %select_n3A_1023 = arith.select %lt3A_1019, %broadcast_in_dim3A_1022, %select_n3A_957 : vector<32x128xi1>, vector<32x128xi32>
      %select_n3A_1024 = arith.select %lt3A_1020, %add3A_1018, %select_n3A_958 : vector<32x128xi1>, vector<32x128xf32>
      %broadcast_in_dim3A_1025 = vector.broadcast %add3A_966 : i32 to vector<32x128xi32>
      %select_n3A_1026 = arith.select %lt3A_1020, %broadcast_in_dim3A_1025, %select_n3A_960 : vector<32x128xi1>, vector<32x128xi32>
      %mul3A_1027 = arith.constant 32 : i32
      %mul3A_1028 = arith.muli %scan3A_32, %mul3A_1027 : i32
      %add3A_1029 = arith.constant 30 : i32
      %add3A_1030 = arith.addi %mul3A_1028, %add3A_1029 : i32
      %add3A_1031 = arith.constant 1 : i32
      %add3A_1032 = arith.addi %add3A_1030, %add3A_1031 : i32
      %get3A_1033 = arith.constant 0 : index
      %get3A_1034 = arith.constant 0 : index
      %get3A_1035 = arith.index_cast %add3A_1030 : i32 to index
      %get3A_1036 = memref.load %arg2[%get3A_1033, %get3A_1034, %get3A_1035] : memref<1x4x4096xf32, #tpu.memory_space<smem>>
      %get3A_1037 = arith.constant 0 : index
      %get3A_1038 = arith.constant 1 : index
      %get3A_1039 = arith.index_cast %add3A_1030 : i32 to index
      %get3A_1040 = memref.load %arg2[%get3A_1037, %get3A_1038, %get3A_1039] : memref<1x4x4096xf32, #tpu.memory_space<smem>>
      %get3A_1041 = arith.constant 0 : index
      %get3A_1042 = arith.constant 2 : index
      %get3A_1043 = arith.index_cast %add3A_1030 : i32 to index
      %get3A_1044 = memref.load %arg2[%get3A_1041, %get3A_1042, %get3A_1043] : memref<1x4x4096xf32, #tpu.memory_space<smem>>
      %get3A_1045 = arith.constant 0 : index
      %get3A_1046 = arith.constant 3 : index
      %get3A_1047 = arith.index_cast %add3A_1030 : i32 to index
      %get3A_1048 = memref.load %arg2[%get3A_1045, %get3A_1046, %get3A_1047] : memref<1x4x4096xf32, #tpu.memory_space<smem>>
      %mul3A_1049 = vector.broadcast %get3A_1036 : f32 to vector<32x128xf32>
      %mul3A_1050 = arith.mulf %get3A_4, %mul3A_1049 : vector<32x128xf32>
      %mul3A_1051 = vector.broadcast %get3A_1040 : f32 to vector<32x128xf32>
      %mul3A_1052 = arith.mulf %get3A_10, %mul3A_1051 : vector<32x128xf32>
      %add3A_1053 = arith.addf %mul3A_1050, %mul3A_1052 : vector<32x128xf32>
      %mul3A_1054 = vector.broadcast %get3A_1044 : f32 to vector<32x128xf32>
      %mul3A_1055 = arith.mulf %get3A_16, %mul3A_1054 : vector<32x128xf32>
      %add3A_1056 = vector.broadcast %get3A_1048 : f32 to vector<32x128xf32>
      %add3A_1057 = arith.addf %mul3A_1055, %add3A_1056 : vector<32x128xf32>
      %add3A_1058 = arith.addf %add3A_1053, %add3A_1057 : vector<32x128xf32>
      %get3A_1059 = arith.constant 0 : index
      %get3A_1060 = arith.constant 0 : index
      %get3A_1061 = arith.index_cast %add3A_1032 : i32 to index
      %get3A_1062 = memref.load %arg2[%get3A_1059, %get3A_1060, %get3A_1061] : memref<1x4x4096xf32, #tpu.memory_space<smem>>
      %get3A_1063 = arith.constant 0 : index
      %get3A_1064 = arith.constant 1 : index
      %get3A_1065 = arith.index_cast %add3A_1032 : i32 to index
      %get3A_1066 = memref.load %arg2[%get3A_1063, %get3A_1064, %get3A_1065] : memref<1x4x4096xf32, #tpu.memory_space<smem>>
      %get3A_1067 = arith.constant 0 : index
      %get3A_1068 = arith.constant 2 : index
      %get3A_1069 = arith.index_cast %add3A_1032 : i32 to index
      %get3A_1070 = memref.load %arg2[%get3A_1067, %get3A_1068, %get3A_1069] : memref<1x4x4096xf32, #tpu.memory_space<smem>>
      %get3A_1071 = arith.constant 0 : index
      %get3A_1072 = arith.constant 3 : index
      %get3A_1073 = arith.index_cast %add3A_1032 : i32 to index
      %get3A_1074 = memref.load %arg2[%get3A_1071, %get3A_1072, %get3A_1073] : memref<1x4x4096xf32, #tpu.memory_space<smem>>
      %mul3A_1075 = vector.broadcast %get3A_1062 : f32 to vector<32x128xf32>
      %mul3A_1076 = arith.mulf %get3A_4, %mul3A_1075 : vector<32x128xf32>
      %mul3A_1077 = vector.broadcast %get3A_1066 : f32 to vector<32x128xf32>
      %mul3A_1078 = arith.mulf %get3A_10, %mul3A_1077 : vector<32x128xf32>
      %add3A_1079 = arith.addf %mul3A_1076, %mul3A_1078 : vector<32x128xf32>
      %mul3A_1080 = vector.broadcast %get3A_1070 : f32 to vector<32x128xf32>
      %mul3A_1081 = arith.mulf %get3A_16, %mul3A_1080 : vector<32x128xf32>
      %add3A_1082 = vector.broadcast %get3A_1074 : f32 to vector<32x128xf32>
      %add3A_1083 = arith.addf %mul3A_1081, %add3A_1082 : vector<32x128xf32>
      %add3A_1084 = arith.addf %add3A_1079, %add3A_1083 : vector<32x128xf32>
      %lt3A_1085 = arith.cmpf olt, %add3A_1058, %select_n3A_1021 : vector<32x128xf32>
      %lt3A_1086 = arith.cmpf olt, %add3A_1084, %select_n3A_1024 : vector<32x128xf32>
      %select_n3A_1087 = arith.select %lt3A_1085, %add3A_1058, %select_n3A_1021 : vector<32x128xi1>, vector<32x128xf32>
      %broadcast_in_dim3A_1088 = vector.broadcast %add3A_1030 : i32 to vector<32x128xi32>
      %select_n3A_1089 = arith.select %lt3A_1085, %broadcast_in_dim3A_1088, %select_n3A_1023 : vector<32x128xi1>, vector<32x128xi32>
      %select_n3A_1090 = arith.select %lt3A_1086, %add3A_1084, %select_n3A_1024 : vector<32x128xi1>, vector<32x128xf32>
      %broadcast_in_dim3A_1091 = vector.broadcast %add3A_1032 : i32 to vector<32x128xi32>
      %select_n3A_1092 = arith.select %lt3A_1086, %broadcast_in_dim3A_1091, %select_n3A_1026 : vector<32x128xi1>, vector<32x128xi32>
      scf.yield %select_n3A_1087, %select_n3A_1089, %select_n3A_1090, %select_n3A_1092 : vector<32x128xf32>, vector<32x128xi32>, vector<32x128xf32>, vector<32x128xi32>
    }
    %scan3A_24 = arith.constant 128 : i32
    %lt3A = arith.cmpf olt, %scan3A_23#2, %scan3A_23#0 : vector<32x128xf32>
    %select_n3A = arith.select %lt3A, %scan3A_23#3, %scan3A_23#1 : vector<32x128xi1>, vector<32x128xi32>
    %mul3A = arith.constant 4096 : i32
    %mul3A_25 = arith.muli %arg0, %mul3A : i32
    %add3A = vector.broadcast %mul3A_25 : i32 to vector<32x128xi32>
    %add3A_26 = arith.addi %select_n3A, %add3A : vector<32x128xi32>
    %swap3A = arith.constant 0 : index
    %swap3A_27 = arith.constant 0 : index
    %swap3A_28 = arith.constant 0 : index
    %swap3A_29 = vector.load %arg3[%swap3A, %swap3A_27, %swap3A_28] : memref<1x32x128xi32, #tpu.memory_space<vmem>>, vector<1x32x128xi32>
    %swap3A_30 = vector.shape_cast %swap3A_29 : vector<1x32x128xi32> to vector<32x128xi32>
    %swap3A_31 = vector.shape_cast %add3A_26 : vector<32x128xi32> to vector<1x32x128xi32>
    tpu.vector_store %arg3[%swap3A, %swap3A_27, %swap3A_28], %swap3A_31 {strides = array<i32>} : memref<1x32x128xi32, #tpu.memory_space<vmem>>, vector<1x32x128xi32>,
    return
  }
  func.func @transform_0(%arg0: i32) -> (i32, i32, i32, i32) {
    %c0_i32 = arith.constant 0 : i32
    %c0_i32_0 = arith.constant 0 : i32
    %c0_i32_1 = arith.constant 0 : i32
    %c0_i32_2 = arith.constant 0 : i32
    return %arg0, %c0_i32, %c0_i32_0, %c0_i32_1 : i32, i32, i32, i32
  }
  func.func @transform_1(%arg0: i32) -> (i32, i32, i32) {
    %c0_i32 = arith.constant 0 : i32
    %c0_i32_0 = arith.constant 0 : i32
    %c0_i32_1 = arith.constant 0 : i32
    return %arg0, %c0_i32, %c0_i32_0 : i32, i32, i32
  }
  func.func @transform_2(%arg0: i32) -> (i32, i32, i32) {
    %c0_i32 = arith.constant 0 : i32
    %c0_i32_0 = arith.constant 0 : i32
    %c0_i32_1 = arith.constant 0 : i32
    return %arg0, %c0_i32, %c0_i32_0 : i32, i32, i32
  }
}

module attributes {stable_mosaic.version = 14 : i64} {
  func.func @_c2_body(%arg0: i32, %arg1: memref<1x6x4096xf32, #tpu.memory_space<vmem>>, %arg2: memref<1x3x4096xf32, #tpu.memory_space<vmem>>, %arg3: memref<4x1xf32, #tpu.memory_space<smem>>) attributes {dimension_semantics = [#tpu.dimension_semantics<arbitrary>], iteration_bounds = array<i64: 4>, scalar_prefetch = 0 : i64, scratch_operands = 0 : i64, tpu.core_type = #tpu.core_type<tc>, window_params = [{transform_indices = @transform_0, window_bounds = array<i64: 1, 6, 4096>}, {transform_indices = @transform_1, window_bounds = array<i64: 1, 3, 4096>}, {transform_indices = @transform_2, window_bounds = array<i64: 4, 1>}]} {
    %get3A = arith.constant 0 : index
    %get3A_0 = arith.constant 0 : index
    %get3A_1 = arith.constant 0 : index
    %get3A_2 = vector.load %arg1[%get3A, %get3A_0, %get3A_1] : memref<1x6x4096xf32, #tpu.memory_space<vmem>>, vector<1x1x4096xf32>
    %get3A_3 = vector.shape_cast %get3A_2 : vector<1x1x4096xf32> to vector<4096xf32>
    %get3A_4 = arith.constant 0 : index
    %get3A_5 = arith.constant 1 : index
    %get3A_6 = arith.constant 0 : index
    %get3A_7 = vector.load %arg1[%get3A_4, %get3A_5, %get3A_6] : memref<1x6x4096xf32, #tpu.memory_space<vmem>>, vector<1x1x4096xf32>
    %get3A_8 = vector.shape_cast %get3A_7 : vector<1x1x4096xf32> to vector<4096xf32>
    %get3A_9 = arith.constant 0 : index
    %get3A_10 = arith.constant 2 : index
    %get3A_11 = arith.constant 0 : index
    %get3A_12 = vector.load %arg1[%get3A_9, %get3A_10, %get3A_11] : memref<1x6x4096xf32, #tpu.memory_space<vmem>>, vector<1x1x4096xf32>
    %get3A_13 = vector.shape_cast %get3A_12 : vector<1x1x4096xf32> to vector<4096xf32>
    %get3A_14 = arith.constant 0 : index
    %get3A_15 = arith.constant 3 : index
    %get3A_16 = arith.constant 0 : index
    %get3A_17 = vector.load %arg1[%get3A_14, %get3A_15, %get3A_16] : memref<1x6x4096xf32, #tpu.memory_space<vmem>>, vector<1x1x4096xf32>
    %get3A_18 = vector.shape_cast %get3A_17 : vector<1x1x4096xf32> to vector<4096xf32>
    %get3A_19 = arith.constant 0 : index
    %get3A_20 = arith.constant 4 : index
    %get3A_21 = arith.constant 0 : index
    %get3A_22 = vector.load %arg1[%get3A_19, %get3A_20, %get3A_21] : memref<1x6x4096xf32, #tpu.memory_space<vmem>>, vector<1x1x4096xf32>
    %get3A_23 = vector.shape_cast %get3A_22 : vector<1x1x4096xf32> to vector<4096xf32>
    %get3A_24 = arith.constant 0 : index
    %get3A_25 = arith.constant 5 : index
    %get3A_26 = arith.constant 0 : index
    %get3A_27 = vector.load %arg1[%get3A_24, %get3A_25, %get3A_26] : memref<1x6x4096xf32, #tpu.memory_space<vmem>>, vector<1x1x4096xf32>
    %get3A_28 = vector.shape_cast %get3A_27 : vector<1x1x4096xf32> to vector<4096xf32>
    %get3A_29 = arith.constant 0 : index
    %get3A_30 = arith.constant 0 : index
    %get3A_31 = arith.constant 0 : index
    %get3A_32 = vector.load %arg2[%get3A_29, %get3A_30, %get3A_31] : memref<1x3x4096xf32, #tpu.memory_space<vmem>>, vector<1x1x4096xf32>
    %get3A_33 = vector.shape_cast %get3A_32 : vector<1x1x4096xf32> to vector<4096xf32>
    %sub3A = arith.subf %get3A_33, %get3A_3 : vector<4096xf32>
    %get3A_34 = arith.constant 0 : index
    %get3A_35 = arith.constant 1 : index
    %get3A_36 = arith.constant 0 : index
    %get3A_37 = vector.load %arg2[%get3A_34, %get3A_35, %get3A_36] : memref<1x3x4096xf32, #tpu.memory_space<vmem>>, vector<1x1x4096xf32>
    %get3A_38 = vector.shape_cast %get3A_37 : vector<1x1x4096xf32> to vector<4096xf32>
    %sub3A_39 = arith.subf %get3A_38, %get3A_8 : vector<4096xf32>
    %get3A_40 = arith.constant 0 : index
    %get3A_41 = arith.constant 2 : index
    %get3A_42 = arith.constant 0 : index
    %get3A_43 = vector.load %arg2[%get3A_40, %get3A_41, %get3A_42] : memref<1x3x4096xf32, #tpu.memory_space<vmem>>, vector<1x1x4096xf32>
    %get3A_44 = vector.shape_cast %get3A_43 : vector<1x1x4096xf32> to vector<4096xf32>
    %sub3A_45 = arith.subf %get3A_44, %get3A_13 : vector<4096xf32>
    %mul3A = arith.mulf %sub3A, %sub3A : vector<4096xf32>
    %mul3A_46 = arith.mulf %sub3A_39, %sub3A_39 : vector<4096xf32>
    %add3A = arith.addf %mul3A, %mul3A_46 : vector<4096xf32>
    %mul3A_47 = arith.mulf %sub3A_45, %sub3A_45 : vector<4096xf32>
    %add3A_48 = arith.addf %add3A, %mul3A_47 : vector<4096xf32>
    %sqrt3A = math.sqrt %add3A_48 : vector<4096xf32>
    %mul3A_49 = arith.mulf %sub3A, %get3A_18 : vector<4096xf32>
    %mul3A_50 = arith.mulf %sub3A_39, %get3A_23 : vector<4096xf32>
    %add3A_51 = arith.addf %mul3A_49, %mul3A_50 : vector<4096xf32>
    %mul3A_52 = arith.mulf %sub3A_45, %get3A_28 : vector<4096xf32>
    %add3A_53 = arith.addf %add3A_51, %mul3A_52 : vector<4096xf32>
    %lt3A = arith.constant 0.000000e+00 : f32
    %lt3A_54 = vector.broadcast %lt3A : f32 to vector<4096xf32>
    %lt3A_55 = arith.cmpf olt, %add3A_53, %lt3A_54 : vector<4096xf32>
    %le3A = arith.constant 5.000000e+00 : f32
    %le3A_56 = vector.broadcast %le3A : f32 to vector<4096xf32>
    %le3A_57 = arith.cmpf ole, %sqrt3A, %le3A_56 : vector<4096xf32>
    %and3A = arith.andi %lt3A_55, %le3A_57 : vector<4096xi1>
    %convert_element_type3A = arith.extui %and3A : vector<4096xi1> to vector<4096xi32>
    %convert_element_type3A_58 = arith.sitofp %convert_element_type3A : vector<4096xi32> to vector<4096xf32>
    %reduce_sum3A = vector.shape_cast %convert_element_type3A_58 : vector<4096xf32> to vector<1x4096xf32>
    %reduce_sum3A_59 = arith.constant dense<0.000000e+00> : vector<1xf32>
    %reduce_sum3A_60 = vector.multi_reduction <add>, %reduce_sum3A, %reduce_sum3A_59 [1] : vector<1x4096xf32> to vector<1xf32>
    %reduce_sum3A_61 = vector.shape_cast %reduce_sum3A_60 : vector<1xf32> to vector<1x1xf32>
    %reduce_sum3A_62 = vector.extract %reduce_sum3A_61[0, 0] : f32 from vector<1x1xf32>
    %div3A = arith.constant 4.096000e+03 : f32
    %div3A_63 = arith.divf %reduce_sum3A_62, %div3A : f32
    %swap3A = arith.index_cast %arg0 : i32 to index
    %swap3A_64 = arith.constant 0 : index
    %swap3A_65 = memref.load %arg3[%swap3A, %swap3A_64] : memref<4x1xf32, #tpu.memory_space<smem>>
    memref.store %div3A_63, %arg3[%swap3A, %swap3A_64] : memref<4x1xf32, #tpu.memory_space<smem>>
    return
  }
  func.func @transform_0(%arg0: i32) -> (i32, i32, i32) {
    %c0_i32 = arith.constant 0 : i32
    %c0_i32_0 = arith.constant 0 : i32
    %c0_i32_1 = arith.constant 0 : i32
    return %arg0, %c0_i32, %c0_i32_0 : i32, i32, i32
  }
  func.func @transform_1(%arg0: i32) -> (i32, i32, i32) {
    %c0_i32 = arith.constant 0 : i32
    %c0_i32_0 = arith.constant 0 : i32
    %c0_i32_1 = arith.constant 0 : i32
    return %arg0, %c0_i32, %c0_i32_0 : i32, i32, i32
  }
  func.func @transform_2(%arg0: i32) -> (i32, i32) {
    %c0_i32 = arith.constant 0 : i32
    %c0_i32_0 = arith.constant 0 : i32
    %c0_i32_1 = arith.constant 0 : i32
    return %c0_i32, %c0_i32_0 : i32, i32
  }
}

</mosaic_0001>

<sc_bundles>
// kernel: kernel.11.cloned.1.call-start
scs
__scs_entry_jumppad:
0x0: {  	(pc) =	sbr.rel $0x88, $3  }
0x1: {  	(tag) =	ssettag $0x0;
	lr =	simm.s32 $0x1  }
0x2: {  	[smem:$0x3F9E] =	sst lr;
	_ =	strace $0xD0000000  }
0x3: {  	_ = 	snop  }
0x4: {  	_ = 	snop  }
0x5: {  	_ = 	snop  }
0x6: {  	_ = 	snop  }
0x7: {  	_ = 	snop  }
__scs_overlays_trampoline_lowered:
0x8: {  	[smem:$0x3FAD] =	sst s0  }
0x9: {  	[smem:$0x3FAE] =	sst s1  }
0xa: {  	[smem:$0x3FAF] =	sst s2  }
0xb: {  	[smem:$0x3FB0] =	sst s3  }
0xc: {  	[smem:$0x3FB1] =	sst s4  }
0xd: {  	[smem:$0x3FB2] =	sst s5  }
0xe: {  	[smem:$0x3FB3] =	sst s6  }
0xf: {  	[smem:$0x3FB4] =	sst s7  }
0x10: {  	[smem:$0x3FB5] =	sst s8  }
0x11: {  	[smem:$0x3FB6] =	sst s9;
	s0 =	simm.s32 @!p0 $0x0  }
0x12: {  	s1 =	sld [smem:$0x3F9C];
	s0 =	simm.s32 @p0 $0x1  }
0x13: {  	[smem:$0x3FB7] =	sst s0;
	s0 =	simm.s32 @!p1 $0x0  }
0x14: {  	s2 =	sld [smem:$0x3F9B];
	s0 =	simm.s32 @p1 $0x1  }
0x15: {  	[smem:$0x3FB8] =	sst s0;
	s0 =	simm.s32 @!p2 $0x0  }
0x16: {  	s3 =	sld [smem:$0x3FDB];
	s0 =	simm.s32 @p2 $0x1  }
0x17: {  	s4 =	simm.s32 $0x1BF5;
	[smem:$0x3FBA] =	sst s0  }
0x18: {  	s0 =	sld [smem:$0x3F9D];
	_ =	swait.ge [sflag:s4], $0x0  }
0x19: {  	s7 =	sld [smem:$0x3F9E]  }
0x1a: {  	s8 =	sadd.s32 $0xFFFFE003, lr  }
0x1b: {  	s9 =	sadd.s32 $0xFFFFFEF7, lr;
	s5 =	simm.s32 $0xFFFFFFFF;
	p2 =	slt.u32 s8, $0xFFFFF086  }
0x1c: {  	p1 =	slt.u32 s9, $0xF7A;
	s5 =	simm.s32 @!p2 $0x0  }
0x1d: {  	s5 =	simm.s32 @p1 $0x1;
	p0 =	seq.s32 s7, s2  }
0x1e: {  	s7 =	smul.u32 @!p0 $0xF7A, s2;
	p2 =	seq.s32 @!p0 s5, $0x0  }
0x1f: {  	s9 =	smul.u32 $0xF7A, s1;
	s8 =	simm.s32 @!p0 $0x1BF5;
	p2 =	por !p2, p0  }
0x20: {  	[sflag:s8] =	ssyncset.s32 @!p0 $0xFFFFF086;
	s6 =	sadd.s32 @!p0 s3, s7;
	s7 =	simm.s32 @!p0 $0x108  }
0x21: {  	s3 =	sadd.s32 s3, s9;
	s6 =	sadd.s32 @!p0 $0x88, s6;
	s7 =	simm.s32 @p2 $0x1082  }
0x22: {  	[simem:s7], [sflag:s8] =	dma.local @!p0 [hbm:s6], $0xF7A  }
0x23: {  	s9 =	sor.u32 $0xD0000000, s2;
	s6 =	simm.s32 $0x108;
	_ =	swait.ge @!p0 [sflag:s8], $0x0  }
0x24: {  	s3 =	sadd.s32 $0x88, s3;
	s6 =	simm.s32 @!p1 $0x1082;
	[sflag:s4] =	ssyncset.s32 $0xFFFFF086  }
0x25: {  	[simem:s6], [sflag:s4] =	dma.local [hbm:s3], $0xF7A  }
0x26: {  	[smem:$0x3F9E] =	sst s1;
	(tag) =	ssettag s2;
	_ =	strace s9  }
0x27: {  	s1 =	sld [smem:$0x3FAE]  }
0x28: {  	s2 =	sld [smem:$0x3FAF]  }
0x29: {  	s4 =	sld [smem:$0x3FB1]  }
0x2a: {  	p0 =	seq.s32 s5, $0x0;
	s5 =	sld [smem:$0x3FB2]  }
0x2b: {  	s6 =	sld [smem:$0x3FB3]  }
0x2c: {  	s7 =	sld [smem:$0x3FB4]  }
0x2d: {  	s3 =	simm.s32 $0x108;
	s8 =	sld [smem:$0x3FB5]  }
0x2e: {  	s3 =	simm.s32 @!p0 $0x1082;
	s9 =	sld [smem:$0x3FB6]  }
0x2f: {  	lr =	sadd.s32 s0, s3;
	s0 =	sld [smem:$0x3FAD]  }
0x30: {  	s3 =	sld [smem:$0x3FB0]  }
0x31: {  	[smem:$0x3FB9] =	sst s10  }
0x32: {  	s10 =	sld [smem:$0x3FB7];
	_ =	sdelay $0x3  }
0x33: {  	p0 =	seq.s32 s10, $0x1;
	s10 =	sld [smem:$0x3FB9];
	_ =	sdelay $0x3  }
0x34: {  	[smem:$0x3FB9] =	sst s10  }
0x35: {  	s10 =	sld [smem:$0x3FB8];
	_ =	sdelay $0x3  }
0x36: {  	p1 =	seq.s32 s10, $0x1;
	s10 =	sld [smem:$0x3FB9];
	_ =	sdelay $0x3  }
0x37: {  	[smem:$0x3FB9] =	sst s10  }
0x38: {  	s10 =	sld [smem:$0x3FBA]  }
0x39: {  	_ = 	snop;
	(pc) =	sbr.ind lr, $3  }
0x3a: {  	_ = 	snop  }
0x3b: {  	_ = 	snop  }
0x3c: {  	p2 =	seq.s32 s10, $0x1;
	s10 =	sld [smem:$0x3FB9]  }
0x3d: {  	_ =	shalt  }
0x3e: {  	_ =	shalt  }
0x3f: {  	_ =	shalt  }
0x40: {  	_ =	shalt  }
0x41: {  	_ =	shalt  }
0x42: {  	_ =	shalt  }
0x43: {  	_ =	shalt  }
0x44: {  	_ =	shalt  }
0x45: {  	_ =	shalt  }
0x46: {  	_ =	shalt  }
0x47: {  	_ =	shalt  }
0x48: {  	_ =	shalt  }
0x49: {  	_ =	shalt  }
0x4a: {  	_ =	shalt  }
0x4b: {  	_ =	shalt  }
0x4c: {  	_ =	shalt  }
0x4d: {  	_ =	shalt  }
0x4e: {  	_ =	shalt  }
0x4f: {  	_ =	shalt  }
0x50: {  	_ =	shalt  }
0x51: {  	_ =	shalt  }
0x52: {  	_ =	shalt  }
0x53: {  	_ =	shalt  }
0x54: {  	_ =	shalt  }
0x55: {  	_ =	shalt  }
0x56: {  	_ =	shalt  }
0x57: {  	_ =	shalt  }
0x58: {  	_ =	shalt  }
0x59: {  	_ =	shalt  }
0x5a: {  	_ =	shalt  }
0x5b: {  	_ =	shalt  }
0x5c: {  	_ =	shalt  }
0x5d: {  	_ =	shalt  }
0x5e: {  	_ =	shalt  }
0x5f: {  	_ =	shalt  }
0x60: {  	_ =	shalt  }
0x61: {  	_ =	shalt  }
0x62: {  	_ =	shalt  }
0x63: {  	_ =	shalt  }
0x64: {  	_ =	shalt  }
0x65: {  	_ =	shalt  }
0x66: {  	_ =	shalt  }
0x67: {  	_ =	shalt  }
0x68: {  	_ =	shalt  }
0x69: {  	_ =	shalt  }
0x6a: {  	_ =	shalt  }
0x6b: {  	_ =	shalt  }
0x6c: {  	_ =	shalt  }
0x6d: {  	_ =	shalt  }
0x6e: {  	_ =	shalt  }
0x6f: {  	_ =	shalt  }
0x70: {  	_ =	shalt  }
0x71: {  	_ =	shalt  }
0x72: {  	_ =	shalt  }
0x73: {  	_ =	shalt  }
0x74: {  	_ =	shalt  }
0x75: {  	_ =	shalt  }
0x76: {  	_ =	shalt  }
0x77: {  	_ =	shalt  }
0x78: {  	_ =	shalt  }
0x79: {  	_ =	shalt  }
0x7a: {  	_ =	shalt  }
0x7b: {  	_ =	shalt  }
0x7c: {  	_ =	shalt  }
0x7d: {  	_ =	shalt  }
0x7e: {  	_ =	shalt  }
0x7f: {  	_ =	shalt  }
0x80: {  	_ =	shalt  }
0x81: {  	_ =	shalt  }
0x82: {  	_ =	shalt  }
0x83: {  	_ =	shalt  }
0x84: {  	_ =	shalt  }
0x85: {  	_ =	shalt  }
0x86: {  	_ =	shalt  }
0x87: {  	_ =	shalt  }
.Lfunc_end0:
.L_simem_size_0:
called_computation.1_lowered:
.L_overlay_start_0:
0x88: {  	s2 =	sld [smem:$0x3FD9]  }
0x89: {  	s3 =	sld [smem:$0x3FFE];
	_ =	sdelay $0x1  }
0x8a: {  	s1 =	srdreg.scid  }
0x8b: {  	s0 =	sand.u32 $0x1, s1  }
0x8c: {  	s16 =	sshll.u32 s0, $0xA;
	s2 =	sadd.s32 s3, s2  }
0x8d: {  	s2 =	sadd.s32 s2, s16  }
0x8e: {  	[smem:$0x3FC5] =	sst s2  }
0x8f: {  	_ = 	snop  }
0x90: {  	(tm) =	ssettm $0x1  }
0x91: {  	s17 =	sld [smem:$0x3FFB];
	_ =	sdelay $0x3  }
0x92: {  	_ =	strace s17  }
0x93: {  	s2 =	sld [smem:$0x3FFC];
	_ =	sdelay $0x3  }
0x94: {  	_ =	strace s2  }
0x95: {  	s2 =	sld [smem:$0x3FFD];
	_ =	sdelay $0x3  }
0x96: {  	_ =	strace s2  }
0x97: {  	_ =	strace $0x8FFFFFFF  }
0x98: {  	s18 =	sld [smem:$0x3FDB];
	_ =	sdelay $0x1  }
0x99: {  	s19 =	simm.s32 $_scs_section_size  }
0x9a: {  	s4 =	simm.s32 $_size__tile_overlayer_lowered;
	s5 =	simm.s32 $_tile_overlayer_lowered  }
0x9b: {  	s22 =	simm.s32 $0x1BFF;
	s21 =	sshll.u32 s5, $0x1;
	s2 =	sadd.s32 s19, s18  }
0x9c: {  	s6 =	simm.s32 $0x0;
	s20 =	sshll.u32 s4, $0x1;
	s4 =	sadd.s32 s21, s2  }
0x9d: {  	[timem:s6], [sflag:s22] =	dma.local [hbm:s4], s20  }
0x9e: {  	_ =	swait.ge [sflag:s22], s20  }
0x9f: {  	s3 =	ssub.s32 $0x0, s20;
	[sflag:s22] =	ssyncset.done $0x0  }
0xa0: {  	[sflag:s22] =	ssyncadd.s32 s3;
	_ =	sdelay $0x1  }
0xa1: {  	s23 =	simm.s32 $0x1B8B  }
0xa2: {  	_ =	swait.ge [sflag:s23], $0x1  }
0xa3: {  	[sflag:s23] =	ssyncset.done $0x0  }
0xa4: {  	s25 =	simm.s32 $0x1B8E;
	s24 =	sld [smem:$0x3FFE];
	[sflag:s23] =	ssyncadd.s32 $0xFFFFFFFF  }
0xa5: {  	s26 =	simm.s32 $execute0_lowered;
	[smem:$0x3FD2] =	sst s25  }
0xa6: {  	s4 =	sshll.u32 s26, $0x1;
	_ =	strace $0x80000049;
	[dreg:$0x1] =	wrdreg $0xFFFFFFFF  }
0xa7: {  	s28 =	simm.s32 $_size_execute0_lowered;
	s2 =	sadd.s32 s2, s4;
	[dreg:$0x0] =	wrdreg $0x0  }
0xa8: {  	s4 =	sshll.u32 s28, $0x1;
	[dreg:$0x2] =	wrdreg s2  }
0xa9: {  	[dreg:$0x3] =	wrdreg s4  }
0xaa: {  	[dreg:$0x4] =	wrdreg $0xC0  }
0xab: {  	_ =	task [dreg:s6], $0x5FFFF  }
0xac: {  	[dreg:$0x1] =	wrdreg $0xFFFFFFFF  }
0xad: {  	[dreg:$0x0] =	wrdreg $0x60  }
0xae: {  	[dreg:$0x2] =	wrdreg s24  }
0xaf: {  	[dreg:$0x3] =	wrdreg $0x1A000  }
0xb0: {  	[dreg:$0x4] =	wrdreg $0x1E000  }
0xb1: {  	[dreg:$0x5] =	wrdreg $0x22000  }
0xb2: {  	[dreg:$0x6] =	wrdreg $0x9  }
0xb3: {  	_ =	task.clear_ibuf [dreg:s6], $0x7FFFF;
	_ =	strace $0x90000049  }
0xb4: {  	s29 =	simm.s32 $0x9;
	_ =	strace $0x8000004B  }
0xb5: {  	_ =	swait.ge [sflag:s29], $0x1  }
0xb6: {  	[sflag:s29] =	ssyncadd.s32 $0xFFFFFFFF  }
0xb7: {  	_ =	strace $0x9000004B  }
0xb8: {  	_ =	sfence  }
0xb9: {  	s30 =	sld [smem:$0x0];
	_ =	sdelay $0x2  }
0xba: {  	s31 =	sshll.u32 s1, $0xD;
	s1 =	sshrl.u32 s1, $0x2  }
0xbb: {  	s3 =	sand.u32 $0x4000, s31;
	s1 =	sadd.s32 s1, s30  }
0xbc: {  	s0 =	sor.u32 s3, s0;
	s1 =	sshll.u32 s1, $0x11  }
0xbd: {  	s0 =	sor.u32 s1, s0  }
0xbe: {  	s0 =	sadd.s32 $0x8F2B, s0  }
0xbf: {  	[sflag:s0] =	ssyncadd.remote.s32 $0x1  }
0xc0: {  	_ =	sfence.sel $0xFFFF  }
0xc1: {  	[dreg:$0x0] =	wrdreg $0xFFFFFFFF;
	(pc) =	sbr.abs _section_cstart, $3  }
0xc2: {  	[dreg:$0x1] =	wrdreg $0xFFFFFFFF  }
0xc3: {  	_ =	task.clear_ibuf [dreg:s6], $0x2FFFF;
	_ =	strace $0x9FFFFFFF  }
0xc4: {  	(tm) =	ssettm $0x7FFFFFFF  }
0xc5: {  	_ =	shalt  }
tec
execute0_lowered:
.L_overlay_start_1:
0x0: {  	(tag) =	ssettag $0x1  }
0x1: {  	s15 =	rddreg [dreg:$0x0]  }
0x2: {  	s1 =	rddreg [dreg:$0x1];
	s2 =	srdreg.scid  }
0x3: {  	s3 =	rddreg [dreg:$0x2];
	s0 =	stileid.u32;
	s30 =	sand.u32 $0x1, s2  }
0x4: {  	s4 =	rddreg [dreg:$0x3];
	s7 =	sshll.u32 s0, $0x9;
	s6 =	sshll.u32 s30, $0xD  }
0x5: {  	s5 =	simm.s32 $0x0;
	s9 =	simm.s32 $0x1;
	s13 =	sor.u32 s7, s6  }
0x6: {  	[smem:$0x7FF] =	sst s5;
	s8 =	sshll.u32 s0, $0x6;
	s6 =	sshrl.u32 s13, $0x3  }
0x7: {  	_ =	strace $0x8000004A;
	s31 =	sadd.s32 s6, s15;
	s6 =	sadd.s32 s13, s1  }
0x8: {  	s8 =	sor.u32 $0x1C01, s8;
	s7 =	sadd.s32 $0x8E00, s31;
	s10 =	sshrl.u32 s6, $0x3  }
0x9: {  	[spmem:s10], [sflag:s8] =	dma.local [hbm:s7], $0x40  }
0xa: {  	_ =	swait.ge [sflag:s9], $0x40  }
0xb: {  	s11 =	sadd.s32 s13, s3;
	[sflag:s9] =	ssyncset.done $0x0  }
0xc: {  	s12 =	sshrl.u32 s11, $0x3;
	[sflag:s9] =	ssyncadd.s32 $0xFFFFFFC0  }
0xd: {  	[spmem:s12], [sflag:s8] =	dma.local [hbm:s7], $0x40  }
0xe: {  	_ =	swait.ge [sflag:s9], $0x40  }
0xf: {  	s13 =	sadd.s32 s13, s4;
	[sflag:s9] =	ssyncset.done $0x0  }
0x10: {  	s14 =	sshrl.u32 s13, $0x3;
	[sflag:s9] =	ssyncadd.s32 $0xFFFFFFC0  }
0x11: {  	[spmem:s14], [sflag:s8] =	dma.local [hbm:s7], $0x40  }
0x12: {  	s17 =	sshll.u32 s0, $0x7;
	s16 =	sshll.u32 s30, $0xB;
	_ =	swait.ge [sflag:s9], $0x40  }
0x13: {  	s16 =	sor.u32 s17, s16;
	[sflag:s9] =	ssyncset.done $0x0  }
0x14: {  	s24 =	sadd.s32 s16, s15;
	[sflag:s9] =	ssyncadd.s32 $0xFFFFFFC0  }
0x15: {  	s15 =	sadd.s32 $0x1600, s24;
	[bflag:$0x0] =	sbarrier.arrive $0xFFFF  }
0x16: {  	[tilespmem:s5], [sflag:$0x1] =	stream.linear.gather [hbm4b:s15+s5], $0x400, $0x38;
	[tilespmem:$0x2600] =	vst v63  }
0x17: {  	_ =	swait.ge [sflag:s9], $0x400  }
0x18: {  	[sflag:s9] =	ssyncset.done $0x0  }
0x19: {  	s17 =	simm.s32 $0x400;
	s16 =	sadd.s32 $0x2600, s24;
	[sflag:s9] =	ssyncadd.s32 $0xFFFFFC00  }
0x1a: {  	[tilespmem:s17], [sflag:$0x1] =	stream.linear.gather [hbm4b:s16+s5], $0x400, $0x38;
	[tilespmem:$0x2600] =	vst v63  }
0x1b: {  	_ =	swait.ge [sflag:s9], $0x400  }
0x1c: {  	[sflag:s9] =	ssyncset.done $0x0  }
0x1d: {  	s19 =	simm.s32 $0x800;
	s18 =	sadd.s32 $0x3600, s24;
	[sflag:s9] =	ssyncadd.s32 $0xFFFFFC00  }
0x1e: {  	[tilespmem:s19], [sflag:$0x1] =	stream.linear.gather [hbm4b:s18+s5], $0x400, $0x38;
	[tilespmem:$0x2600] =	vst v63  }
0x1f: {  	_ =	swait.ge [sflag:s9], $0x400  }
0x20: {  	[sflag:s9] =	ssyncset.done $0x0  }
0x21: {  	s21 =	simm.s32 $0xC00;
	s20 =	sadd.s32 $0x5E00, s24;
	[sflag:s9] =	ssyncadd.s32 $0xFFFFFC00  }
0x22: {  	[tilespmem:s21], [sflag:$0x1] =	stream.linear.gather [hbm4b:s20+s5], $0x400, $0x38;
	[tilespmem:$0x2600] =	vst v63  }
0x23: {  	_ =	swait.ge [sflag:s9], $0x400  }
0x24: {  	[sflag:s9] =	ssyncset.done $0x0  }
0x25: {  	s23 =	simm.s32 $0x1000;
	s22 =	sadd.s32 $0x6E00, s24;
	[sflag:s9] =	ssyncadd.s32 $0xFFFFFC00  }
0x26: {  	[tilespmem:s23], [sflag:$0x1] =	stream.linear.gather [hbm4b:s22+s5], $0x400, $0x38;
	[tilespmem:$0x2600] =	vst v63  }
0x27: {  	_ =	swait.ge [sflag:s9], $0x400  }
0x28: {  	[sflag:s9] =	ssyncset.done $0x0  }
0x29: {  	s25 =	simm.s32 $0x1400;
	s24 =	sadd.s32 $0x7E00, s24;
	[sflag:s9] =	ssyncadd.s32 $0xFFFFFC00  }
0x2a: {  	[tilespmem:s25], [sflag:$0x1] =	stream.linear.gather [hbm4b:s24+s5], $0x400, $0x38;
	[tilespmem:$0x2600] =	vst v63  }
0x2b: {  	_ =	swait.ge [sflag:s9], $0x400  }
0x2c: {  	[sflag:s9] =	ssyncset.done $0x0  }
0x2d: {  	[sflag:s9] =	ssyncadd.s32 $0xFFFFFC00  }
0x2e: {  	[spmem:s1] =	stream.indirect.scatter.add.f32 [tilespmem:s21], [sflag:$0x1], $0x1, s5, s17, $0xb8;
	[tilespmem:$0x2600] =	vst v63  }
0x2f: {  	_ =	swait.ge [sflag:s9], $0x400  }
0x30: {  	[sflag:s9] =	ssyncset.done $0x0  }
0x31: {  	[sflag:s9] =	ssyncadd.s32 $0xFFFFFC00  }
0x32: {  	[spmem:s3] =	stream.indirect.scatter.add.f32 [tilespmem:s23], [sflag:$0x1], $0x1, s5, s17, $0xb8;
	[tilespmem:$0x2600] =	vst v63  }
0x33: {  	_ =	swait.ge [sflag:s9], $0x400  }
0x34: {  	[sflag:s9] =	ssyncset.done $0x0  }
0x35: {  	[sflag:s9] =	ssyncadd.s32 $0xFFFFFC00  }
0x36: {  	[spmem:s4] =	stream.indirect.scatter.add.f32 [tilespmem:s25], [sflag:$0x1], $0x1, s5, s17, $0xb8;
	[tilespmem:$0x2600] =	vst v63  }
0x37: {  	_ =	swait.ge [sflag:s9], $0x400  }
0x38: {  	[sflag:s9] =	ssyncset.done $0x0  }
0x39: {  	[sflag:s9] =	ssyncadd.s32 $0xFFFFFC00  }
0x3a: {  	[spmem:s1] =	stream.indirect.scatter.add.f32 [tilespmem:s21], [sflag:$0x1], $0x1, s17, s17, $0xb8;
	[tilespmem:$0x2600] =	vst v63  }
0x3b: {  	_ =	swait.ge [sflag:s9], $0x400  }
0x3c: {  	[sflag:s9] =	ssyncset.done $0x0  }
0x3d: {  	[sflag:s9] =	ssyncadd.s32 $0xFFFFFC00  }
0x3e: {  	[spmem:s3] =	stream.indirect.scatter.add.f32 [tilespmem:s23], [sflag:$0x1], $0x1, s17, s17, $0xb8;
	[tilespmem:$0x2600] =	vst v63  }
0x3f: {  	_ =	swait.ge [sflag:s9], $0x400  }
0x40: {  	[sflag:s9] =	ssyncset.done $0x0  }
0x41: {  	[sflag:s9] =	ssyncadd.s32 $0xFFFFFC00  }
0x42: {  	[spmem:s4] =	stream.indirect.scatter.add.f32 [tilespmem:s25], [sflag:$0x1], $0x1, s17, s17, $0xb8;
	[tilespmem:$0x2600] =	vst v63  }
0x43: {  	_ =	swait.ge [sflag:s9], $0x400  }
0x44: {  	[sflag:s9] =	ssyncset.done $0x0  }
0x45: {  	[sflag:s9] =	ssyncadd.s32 $0xFFFFFC00  }
0x46: {  	[spmem:s1] =	stream.indirect.scatter.add.f32 [tilespmem:s21], [sflag:$0x1], $0x1, s19, s17, $0xb8;
	[tilespmem:$0x2600] =	vst v63  }
0x47: {  	_ =	swait.ge [sflag:s9], $0x400  }
0x48: {  	[sflag:s9] =	ssyncset.done $0x0  }
0x49: {  	[sflag:s9] =	ssyncadd.s32 $0xFFFFFC00  }
0x4a: {  	[spmem:s3] =	stream.indirect.scatter.add.f32 [tilespmem:s23], [sflag:$0x1], $0x1, s19, s17, $0xb8;
	[tilespmem:$0x2600] =	vst v63  }
0x4b: {  	_ =	swait.ge [sflag:s9], $0x400  }
0x4c: {  	[sflag:s9] =	ssyncset.done $0x0  }
0x4d: {  	[sflag:s9] =	ssyncadd.s32 $0xFFFFFC00  }
0x4e: {  	[spmem:s4] =	stream.indirect.scatter.add.f32 [tilespmem:s25], [sflag:$0x1], $0x1, s19, s17, $0xb8;
	[tilespmem:$0x2600] =	vst v63  }
0x4f: {  	_ =	swait.ge [sflag:s9], $0x400  }
0x50: {  	[sflag:s9] =	ssyncset.done $0x0  }
0x51: {  	[sflag:s9] =	ssyncadd.s32 $0xFFFFFC00  }
0x52: {  	s26 =	simm.s32 $0x1800;
	[bflag:$0x0] =	sbarrier.arrive $0xFFFF  }
0x53: {  	[tilespmem:s26], [sflag:$0x1] =	stream.linear.gather [spmem:s6], $0x200, $0x38;
	[tilespmem:$0x2600] =	vst v63  }
0x54: {  	_ =	swait.ge [sflag:s9], $0x200  }
0x55: {  	[sflag:s9] =	ssyncset.done $0x0  }
0x56: {  	s28 =	sadd.s32 $0x9600, s31;
	[sflag:s9] =	ssyncadd.s32 $0xFFFFFE00  }
0x57: {  	[hbm4b:s28+s5] =	stream.linear.scatter [tilespmem:s26], [sflag:$0x1], $0x200, $0x38;
	[tilespmem:$0x2600] =	vst v63  }
0x58: {  	_ =	swait.ge [sflag:s9], $0x200  }
0x59: {  	[sflag:s9] =	ssyncset.done $0x0  }
0x5a: {  	[sflag:s9] =	ssyncadd.s32 $0xFFFFFE00  }
0x5b: {  	[tilespmem:s26], [sflag:$0x1] =	stream.linear.gather [spmem:s11], $0x200, $0x38;
	[tilespmem:$0x2600] =	vst v63  }
0x5c: {  	_ =	swait.ge [sflag:s9], $0x200  }
0x5d: {  	[sflag:s9] =	ssyncset.done $0x0  }
0x5e: {  	s30 =	ssub.s32 $0x2, s30;
	s29 =	sadd.s32 $0x9E00, s31;
	[sflag:s9] =	ssyncadd.s32 $0xFFFFFE00  }
0x5f: {  	[hbm4b:s29+s5] =	stream.linear.scatter [tilespmem:s26], [sflag:$0x1], $0x200, $0x38;
	[tilespmem:$0x2600] =	vst v63  }
0x60: {  	s2 =	sshrl.u32 s30, $0x1;
	_ =	swait.ge [sflag:s9], $0x200  }
0x61: {  	s2 =	ssub.s32 s30, s2;
	[sflag:s9] =	ssyncset.done $0x0  }
0x62: {  	s2 =	smax.u32 s2, $0x1;
	[sflag:s9] =	ssyncadd.s32 $0xFFFFFE00  }
0x63: {  	[tilespmem:s26], [sflag:$0x1] =	stream.linear.gather [spmem:s13], $0x200, $0x38;
	[tilespmem:$0x2600] =	vst v63  }
0x64: {  	p0 =	sne.s32 s2, $0x1;
	_ =	swait.ge [sflag:s9], $0x200  }
.Ltmp0:
0x65: {  	[sflag:s9] =	ssyncset.done $0x0;
	(pc) =	sbr.rel @!p0 .LBB2_2-.Ltmp0, $4  }
0x66: {  	s30 =	sadd.s32 $0xA600, s31;
	[sflag:s9] =	ssyncadd.s32 $0xFFFFFE00  }
0x67: {  	[hbm4b:s30+s5] =	stream.linear.scatter [tilespmem:s26], [sflag:$0x1], $0x200, $0x38;
	[tilespmem:$0x2600] =	vst v63  }
0x68: {  	_ =	swait.ge [sflag:s9], $0x200  }
0x69: {  	s31 =	sadd.s32 $0xFFFFFFFF, s2;
	[sflag:s9] =	ssyncset.done $0x0  }
.LBB2_1:
0x6a: {  	p0 =	sne.s32 s31, $0x1;
	s31 =	sadd.s32 $0xFFFFFFFF, s31;
	[sflag:s9] =	ssyncadd.s32 $0xFFFFFE00  }
0x6b: {  	[spmem:s10], [sflag:s8] =	dma.local [hbm:s7], $0x40  }
0x6c: {  	_ =	swait.ge [sflag:s9], $0x40  }
0x6d: {  	[sflag:s9] =	ssyncset.done $0x0  }
0x6e: {  	[sflag:s9] =	ssyncadd.s32 $0xFFFFFFC0  }
0x6f: {  	[spmem:s12], [sflag:s8] =	dma.local [hbm:s7], $0x40  }
0x70: {  	_ =	swait.ge [sflag:s9], $0x40  }
0x71: {  	[sflag:s9] =	ssyncset.done $0x0  }
0x72: {  	[sflag:s9] =	ssyncadd.s32 $0xFFFFFFC0  }
0x73: {  	[spmem:s14], [sflag:s8] =	dma.local [hbm:s7], $0x40  }
0x74: {  	_ =	swait.ge [sflag:s9], $0x40  }
0x75: {  	[sflag:s9] =	ssyncset.done $0x0  }
0x76: {  	[sflag:s9] =	ssyncadd.s32 $0xFFFFFFC0  }
0x77: {  	[bflag:$0x0] =	sbarrier.arrive $0xFFFF  }
0x78: {  	[tilespmem:s5], [sflag:$0x1] =	stream.linear.gather [hbm4b:s15+s5], $0x400, $0x38;
	[tilespmem:$0x2600] =	vst v63  }
0x79: {  	_ =	swait.ge [sflag:s9], $0x400  }
0x7a: {  	[sflag:s9] =	ssyncset.done $0x0  }
0x7b: {  	[sflag:s9] =	ssyncadd.s32 $0xFFFFFC00  }
0x7c: {  	[tilespmem:s17], [sflag:$0x1] =	stream.linear.gather [hbm4b:s16+s5], $0x400, $0x38;
	[tilespmem:$0x2600] =	vst v63  }
0x7d: {  	_ =	swait.ge [sflag:s9], $0x400  }
0x7e: {  	[sflag:s9] =	ssyncset.done $0x0  }
0x7f: {  	[sflag:s9] =	ssyncadd.s32 $0xFFFFFC00  }
0x80: {  	[tilespmem:s19], [sflag:$0x1] =	stream.linear.gather [hbm4b:s18+s5], $0x400, $0x38;
	[tilespmem:$0x2600] =	vst v63  }
0x81: {  	_ =	swait.ge [sflag:s9], $0x400  }
0x82: {  	[sflag:s9] =	ssyncset.done $0x0  }
0x83: {  	[sflag:s9] =	ssyncadd.s32 $0xFFFFFC00  }
0x84: {  	[tilespmem:s21], [sflag:$0x1] =	stream.linear.gather [hbm4b:s20+s5], $0x400, $0x38;
	[tilespmem:$0x2600] =	vst v63  }
0x85: {  	_ =	swait.ge [sflag:s9], $0x400  }
0x86: {  	[sflag:s9] =	ssyncset.done $0x0  }
0x87: {  	[sflag:s9] =	ssyncadd.s32 $0xFFFFFC00  }
0x88: {  	[tilespmem:s23], [sflag:$0x1] =	stream.linear.gather [hbm4b:s22+s5], $0x400, $0x38;
	[tilespmem:$0x2600] =	vst v63  }
0x89: {  	_ =	swait.ge [sflag:s9], $0x400  }
0x8a: {  	[sflag:s9] =	ssyncset.done $0x0  }
0x8b: {  	[sflag:s9] =	ssyncadd.s32 $0xFFFFFC00  }
0x8c: {  	[tilespmem:s25], [sflag:$0x1] =	stream.linear.gather [hbm4b:s24+s5], $0x400, $0x38;
	[tilespmem:$0x2600] =	vst v63  }
0x8d: {  	_ =	swait.ge [sflag:s9], $0x400  }
0x8e: {  	[sflag:s9] =	ssyncset.done $0x0  }
0x8f: {  	[sflag:s9] =	ssyncadd.s32 $0xFFFFFC00  }
0x90: {  	[spmem:s1] =	stream.indirect.scatter.add.f32 [tilespmem:s21], [sflag:$0x1], $0x1, s5, s17, $0xb8;
	[tilespmem:$0x2600] =	vst v63  }
0x91: {  	_ =	swait.ge [sflag:s9], $0x400  }
0x92: {  	[sflag:s9] =	ssyncset.done $0x0  }
0x93: {  	[sflag:s9] =	ssyncadd.s32 $0xFFFFFC00  }
0x94: {  	[spmem:s3] =	stream.indirect.scatter.add.f32 [tilespmem:s23], [sflag:$0x1], $0x1, s5, s17, $0xb8;
	[tilespmem:$0x2600] =	vst v63  }
0x95: {  	_ =	swait.ge [sflag:s9], $0x400  }
0x96: {  	[sflag:s9] =	ssyncset.done $0x0  }
0x97: {  	[sflag:s9] =	ssyncadd.s32 $0xFFFFFC00  }
0x98: {  	[spmem:s4] =	stream.indirect.scatter.add.f32 [tilespmem:s25], [sflag:$0x1], $0x1, s5, s17, $0xb8;
	[tilespmem:$0x2600] =	vst v63  }
0x99: {  	_ =	swait.ge [sflag:s9], $0x400  }
0x9a: {  	[sflag:s9] =	ssyncset.done $0x0  }
0x9b: {  	[sflag:s9] =	ssyncadd.s32 $0xFFFFFC00  }
0x9c: {  	[spmem:s1] =	stream.indirect.scatter.add.f32 [tilespmem:s21], [sflag:$0x1], $0x1, s17, s17, $0xb8;
	[tilespmem:$0x2600] =	vst v63  }
0x9d: {  	_ =	swait.ge [sflag:s9], $0x400  }
0x9e: {  	[sflag:s9] =	ssyncset.done $0x0  }
0x9f: {  	[sflag:s9] =	ssyncadd.s32 $0xFFFFFC00  }
0xa0: {  	[spmem:s3] =	stream.indirect.scatter.add.f32 [tilespmem:s23], [sflag:$0x1], $0x1, s17, s17, $0xb8;
	[tilespmem:$0x2600] =	vst v63  }
0xa1: {  	_ =	swait.ge [sflag:s9], $0x400  }
0xa2: {  	[sflag:s9] =	ssyncset.done $0x0  }
0xa3: {  	[sflag:s9] =	ssyncadd.s32 $0xFFFFFC00  }
0xa4: {  	[spmem:s4] =	stream.indirect.scatter.add.f32 [tilespmem:s25], [sflag:$0x1], $0x1, s17, s17, $0xb8;
	[tilespmem:$0x2600] =	vst v63  }
0xa5: {  	_ =	swait.ge [sflag:s9], $0x400  }
0xa6: {  	[sflag:s9] =	ssyncset.done $0x0  }
0xa7: {  	[sflag:s9] =	ssyncadd.s32 $0xFFFFFC00  }
0xa8: {  	[spmem:s1] =	stream.indirect.scatter.add.f32 [tilespmem:s21], [sflag:$0x1], $0x1, s19, s17, $0xb8;
	[tilespmem:$0x2600] =	vst v63  }
0xa9: {  	_ =	swait.ge [sflag:s9], $0x400  }
0xaa: {  	[sflag:s9] =	ssyncset.done $0x0  }
0xab: {  	[sflag:s9] =	ssyncadd.s32 $0xFFFFFC00  }
0xac: {  	[spmem:s3] =	stream.indirect.scatter.add.f32 [tilespmem:s23], [sflag:$0x1], $0x1, s19, s17, $0xb8;
	[tilespmem:$0x2600] =	vst v63  }
0xad: {  	_ =	swait.ge [sflag:s9], $0x400  }
0xae: {  	[sflag:s9] =	ssyncset.done $0x0  }
0xaf: {  	[sflag:s9] =	ssyncadd.s32 $0xFFFFFC00  }
0xb0: {  	[spmem:s4] =	stream.indirect.scatter.add.f32 [tilespmem:s25], [sflag:$0x1], $0x1, s19, s17, $0xb8;
	[tilespmem:$0x2600] =	vst v63  }
0xb1: {  	_ =	swait.ge [sflag:s9], $0x400  }
0xb2: {  	[sflag:s9] =	ssyncset.done $0x0  }
0xb3: {  	[sflag:s9] =	ssyncadd.s32 $0xFFFFFC00  }
0xb4: {  	[bflag:$0x0] =	sbarrier.arrive $0xFFFF  }
0xb5: {  	[tilespmem:s26], [sflag:$0x1] =	stream.linear.gather [spmem:s6], $0x200, $0x38;
	[tilespmem:$0x2600] =	vst v63  }
0xb6: {  	_ =	swait.ge [sflag:s9], $0x200  }
0xb7: {  	[sflag:s9] =	ssyncset.done $0x0  }
0xb8: {  	[sflag:s9] =	ssyncadd.s32 $0xFFFFFE00  }
0xb9: {  	[hbm4b:s28+s5] =	stream.linear.scatter [tilespmem:s26], [sflag:$0x1], $0x200, $0x38;
	[tilespmem:$0x2600] =	vst v63  }
0xba: {  	_ =	swait.ge [sflag:s9], $0x200  }
0xbb: {  	[sflag:s9] =	ssyncset.done $0x0  }
0xbc: {  	[sflag:s9] =	ssyncadd.s32 $0xFFFFFE00  }
0xbd: {  	[tilespmem:s26], [sflag:$0x1] =	stream.linear.gather [spmem:s11], $0x200, $0x38;
	[tilespmem:$0x2600] =	vst v63  }
0xbe: {  	_ =	swait.ge [sflag:s9], $0x200  }
0xbf: {  	[sflag:s9] =	ssyncset.done $0x0  }
0xc0: {  	[sflag:s9] =	ssyncadd.s32 $0xFFFFFE00  }
0xc1: {  	[hbm4b:s29+s5] =	stream.linear.scatter [tilespmem:s26], [sflag:$0x1], $0x200, $0x38;
	[tilespmem:$0x2600] =	vst v63  }
0xc2: {  	_ =	swait.ge [sflag:s9], $0x200  }
0xc3: {  	[sflag:s9] =	ssyncset.done $0x0  }
0xc4: {  	[sflag:s9] =	ssyncadd.s32 $0xFFFFFE00  }
0xc5: {  	[tilespmem:s26], [sflag:$0x1] =	stream.linear.gather [spmem:s13], $0x200, $0x38;
	[tilespmem:$0x2600] =	vst v63  }
0xc6: {  	_ =	swait.ge [sflag:s9], $0x200  }
.Ltmp1:
0xc7: {  	[sflag:s9] =	ssyncset.done $0x0;
	(pc) =	sbr.rel @p0 .LBB2_1-.Ltmp1, $4  }
0xc8: {  	[sflag:s9] =	ssyncadd.s32 $0xFFFFFE00  }
0xc9: {  	[hbm4b:s30+s5] =	stream.linear.scatter [tilespmem:s26], [sflag:$0x1], $0x200, $0x38;
	[tilespmem:$0x2600] =	vst v63  }
0xca: {  	_ =	swait.ge [sflag:s9], $0x200  }
0xcb: {  	[sflag:s9] =	ssyncset.done $0x0  }
.LBB2_2:
0xcc: {  	[sflag:s9] =	ssyncadd.s32 $0xFFFFFE00  }
0xcd: {  	_ =	sfence.sel $0x180000  }
0xce: {  	[bflag:$0x0] =	sbarrier.arrive $0xFFFF  }
0xcf: {  	_ =	strace $0x9000004A  }
0xd0: {  	[bflag:$0x2] =	sbarrier.arrive $0xFFFF  }
0xd1: {  	p0 =	sne.s32 s0, $0x0;
	s0 =	rddreg [dreg:$0x4]  }
0xd2: {  	s0 =	sadd.s32 @!p0 $0x100000, s0  }
0xd3: {  	[sflag:s0] =	ssyncadd.tile.s32 @!p0 $0x1;
	_ =	shalt  }
.Lfunc_end2:
_tile_overlayer_lowered:
.L_overlay_start_2:
0xd4: {  	(tag) =	ssettag $0x2  }
0xd5: {  	s0 =	rddreg [dreg:$0x0];
	s2 =	stileid.u32  }
0xd6: {  	s1 =	rddreg [dreg:$0x1];
	p0 =	sne.s32 s2, $0x0  }
0xd7: {  	s3 =	rddreg [dreg:$0x2];
	[bflag:$0x3] =	sbarrier.arrive $0xFFFF;
	s2 =	simm.s32 @!p0 $0x1C01  }
0xd8: {  	[timem:s3], [sflag:s2] =	dma.local @!p0 [hbm:s0], s1  }
0xd9: {  	s0 =	simm.s32 @!p0 $0x1  }
0xda: {  	_ =	swait.ge @!p0 [sflag:s0], s1  }
0xdb: {  	s1 =	ssub.s32 @!p0 $0x0, s1;
	[sflag:s0] =	ssyncset.done @!p0 $0x0  }
0xdc: {  	[sflag:s0] =	ssyncadd.s32 @!p0 s1  }
0xdd: {  	[bflag:$0x3] =	sbarrier.arrive $0xFFFF  }
0xde: {  	_ =	shalt  }

// kernel: kernel.14.cloned.1.call-start
scs
__scs_entry_jumppad:
0x0: {  	(pc) =	sbr.rel $0x88, $3  }
0x1: {  	(tag) =	ssettag $0x0;
	lr =	simm.s32 $0x1  }
0x2: {  	[smem:$0x3F9E] =	sst lr;
	_ =	strace $0xD0000000  }
0x3: {  	_ = 	snop  }
0x4: {  	_ = 	snop  }
0x5: {  	_ = 	snop  }
0x6: {  	_ = 	snop  }
0x7: {  	_ = 	snop  }
__scs_overlays_trampoline_lowered:
0x8: {  	[smem:$0x3FAD] =	sst s0  }
0x9: {  	[smem:$0x3FAE] =	sst s1  }
0xa: {  	[smem:$0x3FAF] =	sst s2  }
0xb: {  	[smem:$0x3FB0] =	sst s3  }
0xc: {  	[smem:$0x3FB1] =	sst s4  }
0xd: {  	[smem:$0x3FB2] =	sst s5  }
0xe: {  	[smem:$0x3FB3] =	sst s6  }
0xf: {  	[smem:$0x3FB4] =	sst s7  }
0x10: {  	[smem:$0x3FB5] =	sst s8  }
0x11: {  	[smem:$0x3FB6] =	sst s9;
	s0 =	simm.s32 @!p0 $0x0  }
0x12: {  	s1 =	sld [smem:$0x3F9C];
	s0 =	simm.s32 @p0 $0x1  }
0x13: {  	[smem:$0x3FB7] =	sst s0;
	s0 =	simm.s32 @!p1 $0x0  }
0x14: {  	s2 =	sld [smem:$0x3F9B];
	s0 =	simm.s32 @p1 $0x1  }
0x15: {  	[smem:$0x3FB8] =	sst s0;
	s0 =	simm.s32 @!p2 $0x0  }
0x16: {  	s3 =	sld [smem:$0x3FDB];
	s0 =	simm.s32 @p2 $0x1  }
0x17: {  	s4 =	simm.s32 $0x1BF5;
	[smem:$0x3FBA] =	sst s0  }
0x18: {  	s0 =	sld [smem:$0x3F9D];
	_ =	swait.ge [sflag:s4], $0x0  }
0x19: {  	s7 =	sld [smem:$0x3F9E]  }
0x1a: {  	s8 =	sadd.s32 $0xFFFFE003, lr  }
0x1b: {  	s9 =	sadd.s32 $0xFFFFFEF7, lr;
	s5 =	simm.s32 $0xFFFFFFFF;
	p2 =	slt.u32 s8, $0xFFFFF086  }
0x1c: {  	p1 =	slt.u32 s9, $0xF7A;
	s5 =	simm.s32 @!p2 $0x0  }
0x1d: {  	s5 =	simm.s32 @p1 $0x1;
	p0 =	seq.s32 s7, s2  }
0x1e: {  	s7 =	smul.u32 @!p0 $0xF7A, s2;
	p2 =	seq.s32 @!p0 s5, $0x0  }
0x1f: {  	s9 =	smul.u32 $0xF7A, s1;
	s8 =	simm.s32 @!p0 $0x1BF5;
	p2 =	por !p2, p0  }
0x20: {  	[sflag:s8] =	ssyncset.s32 @!p0 $0xFFFFF086;
	s6 =	sadd.s32 @!p0 s3, s7;
	s7 =	simm.s32 @!p0 $0x108  }
0x21: {  	s3 =	sadd.s32 s3, s9;
	s6 =	sadd.s32 @!p0 $0x88, s6;
	s7 =	simm.s32 @p2 $0x1082  }
0x22: {  	[simem:s7], [sflag:s8] =	dma.local @!p0 [hbm:s6], $0xF7A  }
0x23: {  	s9 =	sor.u32 $0xD0000000, s2;
	s6 =	simm.s32 $0x108;
	_ =	swait.ge @!p0 [sflag:s8], $0x0  }
0x24: {  	s3 =	sadd.s32 $0x88, s3;
	s6 =	simm.s32 @!p1 $0x1082;
	[sflag:s4] =	ssyncset.s32 $0xFFFFF086  }
0x25: {  	[simem:s6], [sflag:s4] =	dma.local [hbm:s3], $0xF7A  }
0x26: {  	[smem:$0x3F9E] =	sst s1;
	(tag) =	ssettag s2;
	_ =	strace s9  }
0x27: {  	s1 =	sld [smem:$0x3FAE]  }
0x28: {  	s2 =	sld [smem:$0x3FAF]  }
0x29: {  	s4 =	sld [smem:$0x3FB1]  }
0x2a: {  	p0 =	seq.s32 s5, $0x0;
	s5 =	sld [smem:$0x3FB2]  }
0x2b: {  	s6 =	sld [smem:$0x3FB3]  }
0x2c: {  	s7 =	sld [smem:$0x3FB4]  }
0x2d: {  	s3 =	simm.s32 $0x108;
	s8 =	sld [smem:$0x3FB5]  }
0x2e: {  	s3 =	simm.s32 @!p0 $0x1082;
	s9 =	sld [smem:$0x3FB6]  }
0x2f: {  	lr =	sadd.s32 s0, s3;
	s0 =	sld [smem:$0x3FAD]  }
0x30: {  	s3 =	sld [smem:$0x3FB0]  }
0x31: {  	[smem:$0x3FB9] =	sst s10  }
0x32: {  	s10 =	sld [smem:$0x3FB7];
	_ =	sdelay $0x3  }
0x33: {  	p0 =	seq.s32 s10, $0x1;
	s10 =	sld [smem:$0x3FB9];
	_ =	sdelay $0x3  }
0x34: {  	[smem:$0x3FB9] =	sst s10  }
0x35: {  	s10 =	sld [smem:$0x3FB8];
	_ =	sdelay $0x3  }
0x36: {  	p1 =	seq.s32 s10, $0x1;
	s10 =	sld [smem:$0x3FB9];
	_ =	sdelay $0x3  }
0x37: {  	[smem:$0x3FB9] =	sst s10  }
0x38: {  	s10 =	sld [smem:$0x3FBA]  }
0x39: {  	_ = 	snop;
	(pc) =	sbr.ind lr, $3  }
0x3a: {  	_ = 	snop  }
0x3b: {  	_ = 	snop  }
0x3c: {  	p2 =	seq.s32 s10, $0x1;
	s10 =	sld [smem:$0x3FB9]  }
0x3d: {  	_ =	shalt  }
0x3e: {  	_ =	shalt  }
0x3f: {  	_ =	shalt  }
0x40: {  	_ =	shalt  }
0x41: {  	_ =	shalt  }
0x42: {  	_ =	shalt  }
0x43: {  	_ =	shalt  }
0x44: {  	_ =	shalt  }
0x45: {  	_ =	shalt  }
0x46: {  	_ =	shalt  }
0x47: {  	_ =	shalt  }
0x48: {  	_ =	shalt  }
0x49: {  	_ =	shalt  }
0x4a: {  	_ =	shalt  }
0x4b: {  	_ =	shalt  }
0x4c: {  	_ =	shalt  }
0x4d: {  	_ =	shalt  }
0x4e: {  	_ =	shalt  }
0x4f: {  	_ =	shalt  }
0x50: {  	_ =	shalt  }
0x51: {  	_ =	shalt  }
0x52: {  	_ =	shalt  }
0x53: {  	_ =	shalt  }
0x54: {  	_ =	shalt  }
0x55: {  	_ =	shalt  }
0x56: {  	_ =	shalt  }
0x57: {  	_ =	shalt  }
0x58: {  	_ =	shalt  }
0x59: {  	_ =	shalt  }
0x5a: {  	_ =	shalt  }
0x5b: {  	_ =	shalt  }
0x5c: {  	_ =	shalt  }
0x5d: {  	_ =	shalt  }
0x5e: {  	_ =	shalt  }
0x5f: {  	_ =	shalt  }
0x60: {  	_ =	shalt  }
0x61: {  	_ =	shalt  }
0x62: {  	_ =	shalt  }
0x63: {  	_ =	shalt  }
0x64: {  	_ =	shalt  }
0x65: {  	_ =	shalt  }
0x66: {  	_ =	shalt  }
0x67: {  	_ =	shalt  }
0x68: {  	_ =	shalt  }
0x69: {  	_ =	shalt  }
0x6a: {  	_ =	shalt  }
0x6b: {  	_ =	shalt  }
0x6c: {  	_ =	shalt  }
0x6d: {  	_ =	shalt  }
0x6e: {  	_ =	shalt  }
0x6f: {  	_ =	shalt  }
0x70: {  	_ =	shalt  }
0x71: {  	_ =	shalt  }
0x72: {  	_ =	shalt  }
0x73: {  	_ =	shalt  }
0x74: {  	_ =	shalt  }
0x75: {  	_ =	shalt  }
0x76: {  	_ =	shalt  }
0x77: {  	_ =	shalt  }
0x78: {  	_ =	shalt  }
0x79: {  	_ =	shalt  }
0x7a: {  	_ =	shalt  }
0x7b: {  	_ =	shalt  }
0x7c: {  	_ =	shalt  }
0x7d: {  	_ =	shalt  }
0x7e: {  	_ =	shalt  }
0x7f: {  	_ =	shalt  }
0x80: {  	_ =	shalt  }
0x81: {  	_ =	shalt  }
0x82: {  	_ =	shalt  }
0x83: {  	_ =	shalt  }
0x84: {  	_ =	shalt  }
0x85: {  	_ =	shalt  }
0x86: {  	_ =	shalt  }
0x87: {  	_ =	shalt  }
.Lfunc_end0:
.L_simem_size_0:
called_computation.2_lowered:
.L_overlay_start_0:
0x88: {  	s2 =	sld [smem:$0x3FD9]  }
0x89: {  	s3 =	sld [smem:$0x3FFE];
	_ =	sdelay $0x1  }
0x8a: {  	s1 =	srdreg.scid  }
0x8b: {  	s0 =	sand.u32 $0x1, s1  }
0x8c: {  	s16 =	sshll.u32 s0, $0xA;
	s2 =	sadd.s32 s3, s2  }
0x8d: {  	s2 =	sadd.s32 s2, s16  }
0x8e: {  	[smem:$0x3FC5] =	sst s2  }
0x8f: {  	_ = 	snop  }
0x90: {  	(tm) =	ssettm $0x1  }
0x91: {  	s17 =	sld [smem:$0x3FFB];
	_ =	sdelay $0x3  }
0x92: {  	_ =	strace s17  }
0x93: {  	s2 =	sld [smem:$0x3FFC];
	_ =	sdelay $0x3  }
0x94: {  	_ =	strace s2  }
0x95: {  	s2 =	sld [smem:$0x3FFD];
	_ =	sdelay $0x3  }
0x96: {  	_ =	strace s2  }
0x97: {  	_ =	strace $0x8FFFFFFF  }
0x98: {  	s18 =	sld [smem:$0x3FDB];
	_ =	sdelay $0x1  }
0x99: {  	s19 =	simm.s32 $_scs_section_size  }
0x9a: {  	s4 =	simm.s32 $_size__tile_overlayer_lowered;
	s5 =	simm.s32 $_tile_overlayer_lowered  }
0x9b: {  	s22 =	simm.s32 $0x1BFF;
	s21 =	sshll.u32 s5, $0x1;
	s2 =	sadd.s32 s19, s18  }
0x9c: {  	s6 =	simm.s32 $0x0;
	s20 =	sshll.u32 s4, $0x1;
	s4 =	sadd.s32 s21, s2  }
0x9d: {  	[timem:s6], [sflag:s22] =	dma.local [hbm:s4], s20  }
0x9e: {  	_ =	swait.ge [sflag:s22], s20  }
0x9f: {  	s3 =	ssub.s32 $0x0, s20;
	[sflag:s22] =	ssyncset.done $0x0  }
0xa0: {  	[sflag:s22] =	ssyncadd.s32 s3;
	_ =	sdelay $0x1  }
0xa1: {  	s23 =	simm.s32 $0x1B8B  }
0xa2: {  	_ =	swait.ge [sflag:s23], $0x1  }
0xa3: {  	[sflag:s23] =	ssyncset.done $0x0  }
0xa4: {  	s25 =	simm.s32 $0x1B8E;
	s24 =	sld [smem:$0x3FFE];
	[sflag:s23] =	ssyncadd.s32 $0xFFFFFFFF  }
0xa5: {  	s26 =	simm.s32 $execute0_lowered;
	[smem:$0x3FD2] =	sst s25  }
0xa6: {  	s4 =	sshll.u32 s26, $0x1;
	_ =	strace $0x8000004C;
	[dreg:$0x1] =	wrdreg $0xFFFFFFFF  }
0xa7: {  	s28 =	simm.s32 $_size_execute0_lowered;
	s2 =	sadd.s32 s2, s4;
	[dreg:$0x0] =	wrdreg $0x0  }
0xa8: {  	s4 =	sshll.u32 s28, $0x1;
	[dreg:$0x2] =	wrdreg s2  }
0xa9: {  	[dreg:$0x3] =	wrdreg s4  }
0xaa: {  	[dreg:$0x4] =	wrdreg $0xC0  }
0xab: {  	_ =	task [dreg:s6], $0x5FFFF  }
0xac: {  	[dreg:$0x1] =	wrdreg $0xFFFFFFFF  }
0xad: {  	[dreg:$0x0] =	wrdreg $0x60  }
0xae: {  	[dreg:$0x2] =	wrdreg s24  }
0xaf: {  	[dreg:$0x3] =	wrdreg $0x9  }
0xb0: {  	_ =	task.clear_ibuf [dreg:s6], $0x4FFFF;
	_ =	strace $0x9000004C  }
0xb1: {  	s29 =	simm.s32 $0x9;
	_ =	strace $0x8000004E  }
0xb2: {  	_ =	swait.ge [sflag:s29], $0x1  }
0xb3: {  	[sflag:s29] =	ssyncadd.s32 $0xFFFFFFFF  }
0xb4: {  	_ =	strace $0x9000004E  }
0xb5: {  	_ =	sfence  }
0xb6: {  	s30 =	sld [smem:$0x0];
	_ =	sdelay $0x2  }
0xb7: {  	s31 =	sshll.u32 s1, $0xD;
	s1 =	sshrl.u32 s1, $0x2  }
0xb8: {  	s3 =	sand.u32 $0x4000, s31;
	s1 =	sadd.s32 s1, s30  }
0xb9: {  	s0 =	sor.u32 s3, s0;
	s1 =	sshll.u32 s1, $0x11  }
0xba: {  	s0 =	sor.u32 s1, s0  }
0xbb: {  	s0 =	sadd.s32 $0x8F2B, s0  }
0xbc: {  	[sflag:s0] =	ssyncadd.remote.s32 $0x1  }
0xbd: {  	_ =	sfence.sel $0xFFFF  }
0xbe: {  	[dreg:$0x0] =	wrdreg $0xFFFFFFFF;
	(pc) =	sbr.abs _section_cstart, $3  }
0xbf: {  	[dreg:$0x1] =	wrdreg $0xFFFFFFFF  }
0xc0: {  	_ =	task.clear_ibuf [dreg:s6], $0x2FFFF;
	_ =	strace $0x9FFFFFFF  }
0xc1: {  	(tm) =	ssettm $0x7FFFFFFF  }
tec
execute0_lowered:
.L_overlay_start_1:
0x0: {  	(tag) =	ssettag $0x1  }
0x1: {  	s1 =	srdreg.scid  }
0x2: {  	s0 =	stileid.u32;
	s17 =	sand.u32 $0x1, s1  }
0x3: {  	s16 =	rddreg [dreg:$0x0];
	s3 =	sshll.u32 s0, $0x7;
	s4 =	sshll.u32 s17, $0x6  }
0x4: {  	s2 =	simm.s32 $0x0;
	s1 =	rddreg [dreg:$0x1];
	s3 =	sor.u32 s4, s3  }
0x5: {  	[smem:$0x7FF] =	sst s2;
	s18 =	sadd.s32 s3, s16  }
0x6: {  	_ =	strace $0x8000004D;
	s3 =	simm.s32 $0x1;
	s4 =	sadd.s32 $0xAE00, s18  }
0x7: {  	[tilespmem:s2], [sflag:$0x1] =	stream.linear.gather [hbm4b:s4+s2], $0x200, $0x38;
	[tilespmem:$0x400] =	vst v63  }
0x8: {  	_ =	swait.ge [sflag:s3], $0x200  }
0x9: {  	[sflag:s3] =	ssyncset.done $0x0  }
0xa: {  	s6 =	simm.s32 $0x200;
	s5 =	sadd.s32 $0x5600, s16;
	[sflag:s3] =	ssyncadd.s32 $0xFFFFFE00  }
0xb: {  	[tilespmem:s6], [sflag:$0x1] =	stream.indirect.gather [hbm4b:s5+s6], $0x1, s2, s6, $0xb8;
	[tilespmem:$0x400] =	vst v63  }
0xc: {  	_ =	swait.ge [sflag:s3], $0x200  }
0xd: {  	[sflag:s3] =	ssyncset.done $0x0  }
0xe: {  	s7 =	sadd.s32 $0x5E00, s18;
	[sflag:s3] =	ssyncadd.s32 $0xFFFFFE00  }
0xf: {  	[hbm4b:s7+s2] =	stream.linear.scatter [tilespmem:s6], [sflag:$0x1], $0x200, $0x38;
	[tilespmem:$0x400] =	vst v63  }
0x10: {  	_ =	swait.ge [sflag:s3], $0x200  }
0x11: {  	[sflag:s3] =	ssyncset.done $0x0  }
0x12: {  	s8 =	sadd.s32 $0x4600, s16;
	[sflag:s3] =	ssyncadd.s32 $0xFFFFFE00  }
0x13: {  	[tilespmem:s6], [sflag:$0x1] =	stream.indirect.gather [hbm4b:s8+s6], $0x1, s2, s6, $0xb8;
	[tilespmem:$0x400] =	vst v63  }
0x14: {  	_ =	swait.ge [sflag:s3], $0x200  }
0x15: {  	[sflag:s3] =	ssyncset.done $0x0  }
0x16: {  	s9 =	sadd.s32 $0x6600, s18;
	[sflag:s3] =	ssyncadd.s32 $0xFFFFFE00  }
0x17: {  	[hbm4b:s9+s2] =	stream.linear.scatter [tilespmem:s6], [sflag:$0x1], $0x200, $0x38;
	[tilespmem:$0x400] =	vst v63  }
0x18: {  	_ =	swait.ge [sflag:s3], $0x200  }
0x19: {  	[sflag:s3] =	ssyncset.done $0x0  }
0x1a: {  	s10 =	sadd.s32 $0x4E00, s16;
	[sflag:s3] =	ssyncadd.s32 $0xFFFFFE00  }
0x1b: {  	[tilespmem:s6], [sflag:$0x1] =	stream.indirect.gather [hbm4b:s10+s6], $0x1, s2, s6, $0xb8;
	[tilespmem:$0x400] =	vst v63  }
0x1c: {  	_ =	swait.ge [sflag:s3], $0x200  }
0x1d: {  	[sflag:s3] =	ssyncset.done $0x0  }
0x1e: {  	s11 =	sadd.s32 $0x6E00, s18;
	[sflag:s3] =	ssyncadd.s32 $0xFFFFFE00  }
0x1f: {  	[hbm4b:s11+s2] =	stream.linear.scatter [tilespmem:s6], [sflag:$0x1], $0x200, $0x38;
	[tilespmem:$0x400] =	vst v63  }
0x20: {  	_ =	swait.ge [sflag:s3], $0x200  }
0x21: {  	[sflag:s3] =	ssyncset.done $0x0  }
0x22: {  	s12 =	sadd.s32 $0x2600, s16;
	[sflag:s3] =	ssyncadd.s32 $0xFFFFFE00  }
0x23: {  	[tilespmem:s6], [sflag:$0x1] =	stream.indirect.gather [hbm4b:s12+s6], $0x1, s2, s6, $0xb8;
	[tilespmem:$0x400] =	vst v63  }
0x24: {  	_ =	swait.ge [sflag:s3], $0x200  }
0x25: {  	[sflag:s3] =	ssyncset.done $0x0  }
0x26: {  	s13 =	sadd.s32 $0x7600, s18;
	[sflag:s3] =	ssyncadd.s32 $0xFFFFFE00  }
0x27: {  	[hbm4b:s13+s2] =	stream.linear.scatter [tilespmem:s6], [sflag:$0x1], $0x200, $0x38;
	[tilespmem:$0x400] =	vst v63  }
0x28: {  	_ =	swait.ge [sflag:s3], $0x200  }
0x29: {  	[sflag:s3] =	ssyncset.done $0x0  }
0x2a: {  	s14 =	sadd.s32 $0x1E00, s16;
	[sflag:s3] =	ssyncadd.s32 $0xFFFFFE00  }
0x2b: {  	[tilespmem:s6], [sflag:$0x1] =	stream.indirect.gather [hbm4b:s14+s6], $0x1, s2, s6, $0xb8;
	[tilespmem:$0x400] =	vst v63  }
0x2c: {  	_ =	swait.ge [sflag:s3], $0x200  }
0x2d: {  	[sflag:s3] =	ssyncset.done $0x0  }
0x2e: {  	s17 =	ssub.s32 $0x2, s17;
	s15 =	sadd.s32 $0x7E00, s18;
	[sflag:s3] =	ssyncadd.s32 $0xFFFFFE00  }
0x2f: {  	[hbm4b:s15+s2] =	stream.linear.scatter [tilespmem:s6], [sflag:$0x1], $0x200, $0x38;
	[tilespmem:$0x400] =	vst v63  }
0x30: {  	s19 =	sshrl.u32 s17, $0x1;
	_ =	swait.ge [sflag:s3], $0x200  }
0x31: {  	s19 =	ssub.s32 s17, s19;
	[sflag:s3] =	ssyncset.done $0x0  }
0x32: {  	s16 =	sadd.s32 $0x1600, s16;
	s31 =	smax.u32 s19, $0x1;
	[sflag:s3] =	ssyncadd.s32 $0xFFFFFE00  }
0x33: {  	[tilespmem:s6], [sflag:$0x1] =	stream.indirect.gather [hbm4b:s16+s6], $0x1, s2, s6, $0xb8;
	[tilespmem:$0x400] =	vst v63  }
0x34: {  	p0 =	sne.s32 s31, $0x1;
	_ =	swait.ge [sflag:s3], $0x200  }
.Ltmp0:
0x35: {  	[sflag:s3] =	ssyncset.done $0x0;
	(pc) =	sbr.rel @!p0 .LBB2_2-.Ltmp0, $4  }
0x36: {  	s17 =	sadd.s32 $0x8600, s18;
	[sflag:s3] =	ssyncadd.s32 $0xFFFFFE00  }
0x37: {  	[hbm4b:s17+s2] =	stream.linear.scatter [tilespmem:s6], [sflag:$0x1], $0x200, $0x38;
	[tilespmem:$0x400] =	vst v63  }
0x38: {  	_ =	swait.ge [sflag:s3], $0x200  }
0x39: {  	s18 =	sadd.s32 $0xFFFFFFFF, s31;
	[sflag:s3] =	ssyncset.done $0x0  }
.LBB2_1:
0x3a: {  	p0 =	sne.s32 s18, $0x1;
	s18 =	sadd.s32 $0xFFFFFFFF, s18;
	[sflag:s3] =	ssyncadd.s32 $0xFFFFFE00  }
0x3b: {  	[tilespmem:s2], [sflag:$0x1] =	stream.linear.gather [hbm4b:s4+s2], $0x200, $0x38;
	[tilespmem:$0x400] =	vst v63  }
0x3c: {  	_ =	swait.ge [sflag:s3], $0x200  }
0x3d: {  	[sflag:s3] =	ssyncset.done $0x0  }
0x3e: {  	[sflag:s3] =	ssyncadd.s32 $0xFFFFFE00  }
0x3f: {  	[tilespmem:s6], [sflag:$0x1] =	stream.indirect.gather [hbm4b:s5+s6], $0x1, s2, s6, $0xb8;
	[tilespmem:$0x400] =	vst v63  }
0x40: {  	_ =	swait.ge [sflag:s3], $0x200  }
0x41: {  	[sflag:s3] =	ssyncset.done $0x0  }
0x42: {  	[sflag:s3] =	ssyncadd.s32 $0xFFFFFE00  }
0x43: {  	[hbm4b:s7+s2] =	stream.linear.scatter [tilespmem:s6], [sflag:$0x1], $0x200, $0x38;
	[tilespmem:$0x400] =	vst v63  }
0x44: {  	_ =	swait.ge [sflag:s3], $0x200  }
0x45: {  	[sflag:s3] =	ssyncset.done $0x0  }
0x46: {  	[sflag:s3] =	ssyncadd.s32 $0xFFFFFE00  }
0x47: {  	[tilespmem:s6], [sflag:$0x1] =	stream.indirect.gather [hbm4b:s8+s6], $0x1, s2, s6, $0xb8;
	[tilespmem:$0x400] =	vst v63  }
0x48: {  	_ =	swait.ge [sflag:s3], $0x200  }
0x49: {  	[sflag:s3] =	ssyncset.done $0x0  }
0x4a: {  	[sflag:s3] =	ssyncadd.s32 $0xFFFFFE00  }
0x4b: {  	[hbm4b:s9+s2] =	stream.linear.scatter [tilespmem:s6], [sflag:$0x1], $0x200, $0x38;
	[tilespmem:$0x400] =	vst v63  }
0x4c: {  	_ =	swait.ge [sflag:s3], $0x200  }
0x4d: {  	[sflag:s3] =	ssyncset.done $0x0  }
0x4e: {  	[sflag:s3] =	ssyncadd.s32 $0xFFFFFE00  }
0x4f: {  	[tilespmem:s6], [sflag:$0x1] =	stream.indirect.gather [hbm4b:s10+s6], $0x1, s2, s6, $0xb8;
	[tilespmem:$0x400] =	vst v63  }
0x50: {  	_ =	swait.ge [sflag:s3], $0x200  }
0x51: {  	[sflag:s3] =	ssyncset.done $0x0  }
0x52: {  	[sflag:s3] =	ssyncadd.s32 $0xFFFFFE00  }
0x53: {  	[hbm4b:s11+s2] =	stream.linear.scatter [tilespmem:s6], [sflag:$0x1], $0x200, $0x38;
	[tilespmem:$0x400] =	vst v63  }
0x54: {  	_ =	swait.ge [sflag:s3], $0x200  }
0x55: {  	[sflag:s3] =	ssyncset.done $0x0  }
0x56: {  	[sflag:s3] =	ssyncadd.s32 $0xFFFFFE00  }
0x57: {  	[tilespmem:s6], [sflag:$0x1] =	stream.indirect.gather [hbm4b:s12+s6], $0x1, s2, s6, $0xb8;
	[tilespmem:$0x400] =	vst v63  }
0x58: {  	_ =	swait.ge [sflag:s3], $0x200  }
0x59: {  	[sflag:s3] =	ssyncset.done $0x0  }
0x5a: {  	[sflag:s3] =	ssyncadd.s32 $0xFFFFFE00  }
0x5b: {  	[hbm4b:s13+s2] =	stream.linear.scatter [tilespmem:s6], [sflag:$0x1], $0x200, $0x38;
	[tilespmem:$0x400] =	vst v63  }
0x5c: {  	_ =	swait.ge [sflag:s3], $0x200  }
0x5d: {  	[sflag:s3] =	ssyncset.done $0x0  }
0x5e: {  	[sflag:s3] =	ssyncadd.s32 $0xFFFFFE00  }
0x5f: {  	[tilespmem:s6], [sflag:$0x1] =	stream.indirect.gather [hbm4b:s14+s6], $0x1, s2, s6, $0xb8;
	[tilespmem:$0x400] =	vst v63  }
0x60: {  	_ =	swait.ge [sflag:s3], $0x200  }
0x61: {  	[sflag:s3] =	ssyncset.done $0x0  }
0x62: {  	[sflag:s3] =	ssyncadd.s32 $0xFFFFFE00  }
0x63: {  	[hbm4b:s15+s2] =	stream.linear.scatter [tilespmem:s6], [sflag:$0x1], $0x200, $0x38;
	[tilespmem:$0x400] =	vst v63  }
0x64: {  	_ =	swait.ge [sflag:s3], $0x200  }
0x65: {  	[sflag:s3] =	ssyncset.done $0x0  }
0x66: {  	[sflag:s3] =	ssyncadd.s32 $0xFFFFFE00  }
0x67: {  	[tilespmem:s6], [sflag:$0x1] =	stream.indirect.gather [hbm4b:s16+s6], $0x1, s2, s6, $0xb8;
	[tilespmem:$0x400] =	vst v63  }
0x68: {  	_ =	swait.ge [sflag:s3], $0x200  }
.Ltmp1:
0x69: {  	[sflag:s3] =	ssyncset.done $0x0;
	(pc) =	sbr.rel @p0 .LBB2_1-.Ltmp1, $4  }
0x6a: {  	[sflag:s3] =	ssyncadd.s32 $0xFFFFFE00  }
0x6b: {  	[hbm4b:s17+s2] =	stream.linear.scatter [tilespmem:s6], [sflag:$0x1], $0x200, $0x38;
	[tilespmem:$0x400] =	vst v63  }
0x6c: {  	_ =	swait.ge [sflag:s3], $0x200  }
0x6d: {  	[sflag:s3] =	ssyncset.done $0x0  }
.LBB2_2:
0x6e: {  	[sflag:s3] =	ssyncadd.s32 $0xFFFFFE00  }
0x6f: {  	_ =	sfence.sel $0x180000  }
0x70: {  	[bflag:$0x0] =	sbarrier.arrive $0xFFFF  }
0x71: {  	p0 =	sne.s32 s0, $0x0;
	_ =	strace $0x9000004D  }
0x72: {  	s0 =	sadd.s32 @!p0 $0x100000, s1;
	[bflag:$0x2] =	sbarrier.arrive $0xFFFF  }
0x73: {  	[sflag:s0] =	ssyncadd.tile.s32 @!p0 $0x1;
	_ =	shalt  }
.Lfunc_end2:
_tile_overlayer_lowered:
.L_overlay_start_2:
0x74: {  	(tag) =	ssettag $0x2  }
0x75: {  	s0 =	rddreg [dreg:$0x0];
	s2 =	stileid.u32  }
0x76: {  	s1 =	rddreg [dreg:$0x1];
	p0 =	sne.s32 s2, $0x0  }
0x77: {  	s3 =	rddreg [dreg:$0x2];
	[bflag:$0x3] =	sbarrier.arrive $0xFFFF;
	s2 =	simm.s32 @!p0 $0x1C01  }
0x78: {  	[timem:s3], [sflag:s2] =	dma.local @!p0 [hbm:s0], s1  }
0x79: {  	s0 =	simm.s32 @!p0 $0x1  }
0x7a: {  	_ =	swait.ge @!p0 [sflag:s0], s1  }
0x7b: {  	s1 =	ssub.s32 @!p0 $0x0, s1;
	[sflag:s0] =	ssyncset.done @!p0 $0x0  }
0x7c: {  	[sflag:s0] =	ssyncadd.s32 @!p0 s1  }
0x7d: {  	[bflag:$0x3] =	sbarrier.arrive $0xFFFF  }
0x7e: {  	_ =	shalt  }

// kernel: kernel.8.cloned.1.call-start
scs
__scs_entry_jumppad:
0x0: {  	(pc) =	sbr.rel $0x88, $3  }
0x1: {  	(tag) =	ssettag $0x0;
	lr =	simm.s32 $0x1  }
0x2: {  	[smem:$0x3F9E] =	sst lr;
	_ =	strace $0xD0000000  }
0x3: {  	_ = 	snop  }
0x4: {  	_ = 	snop  }
0x5: {  	_ = 	snop  }
0x6: {  	_ = 	snop  }
0x7: {  	_ = 	snop  }
__scs_overlays_trampoline_lowered:
0x8: {  	[smem:$0x3FAD] =	sst s0  }
0x9: {  	[smem:$0x3FAE] =	sst s1  }
0xa: {  	[smem:$0x3FAF] =	sst s2  }
0xb: {  	[smem:$0x3FB0] =	sst s3  }
0xc: {  	[smem:$0x3FB1] =	sst s4  }
0xd: {  	[smem:$0x3FB2] =	sst s5  }
0xe: {  	[smem:$0x3FB3] =	sst s6  }
0xf: {  	[smem:$0x3FB4] =	sst s7  }
0x10: {  	[smem:$0x3FB5] =	sst s8  }
0x11: {  	[smem:$0x3FB6] =	sst s9;
	s0 =	simm.s32 @!p0 $0x0  }
0x12: {  	s1 =	sld [smem:$0x3F9C];
	s0 =	simm.s32 @p0 $0x1  }
0x13: {  	[smem:$0x3FB7] =	sst s0;
	s0 =	simm.s32 @!p1 $0x0  }
0x14: {  	s2 =	sld [smem:$0x3F9B];
	s0 =	simm.s32 @p1 $0x1  }
0x15: {  	[smem:$0x3FB8] =	sst s0;
	s0 =	simm.s32 @!p2 $0x0  }
0x16: {  	s3 =	sld [smem:$0x3FDB];
	s0 =	simm.s32 @p2 $0x1  }
0x17: {  	s4 =	simm.s32 $0x1BF5;
	[smem:$0x3FBA] =	sst s0  }
0x18: {  	s0 =	sld [smem:$0x3F9D];
	_ =	swait.ge [sflag:s4], $0x0  }
0x19: {  	s7 =	sld [smem:$0x3F9E]  }
0x1a: {  	s8 =	sadd.s32 $0xFFFFE003, lr  }
0x1b: {  	s9 =	sadd.s32 $0xFFFFFEF7, lr;
	s5 =	simm.s32 $0xFFFFFFFF;
	p2 =	slt.u32 s8, $0xFFFFF086  }
0x1c: {  	p1 =	slt.u32 s9, $0xF7A;
	s5 =	simm.s32 @!p2 $0x0  }
0x1d: {  	s5 =	simm.s32 @p1 $0x1;
	p0 =	seq.s32 s7, s2  }
0x1e: {  	s7 =	smul.u32 @!p0 $0xF7A, s2;
	p2 =	seq.s32 @!p0 s5, $0x0  }
0x1f: {  	s9 =	smul.u32 $0xF7A, s1;
	s8 =	simm.s32 @!p0 $0x1BF5;
	p2 =	por !p2, p0  }
0x20: {  	[sflag:s8] =	ssyncset.s32 @!p0 $0xFFFFF086;
	s6 =	sadd.s32 @!p0 s3, s7;
	s7 =	simm.s32 @!p0 $0x108  }
0x21: {  	s3 =	sadd.s32 s3, s9;
	s6 =	sadd.s32 @!p0 $0x88, s6;
	s7 =	simm.s32 @p2 $0x1082  }
0x22: {  	[simem:s7], [sflag:s8] =	dma.local @!p0 [hbm:s6], $0xF7A  }
0x23: {  	s9 =	sor.u32 $0xD0000000, s2;
	s6 =	simm.s32 $0x108;
	_ =	swait.ge @!p0 [sflag:s8], $0x0  }
0x24: {  	s3 =	sadd.s32 $0x88, s3;
	s6 =	simm.s32 @!p1 $0x1082;
	[sflag:s4] =	ssyncset.s32 $0xFFFFF086  }
0x25: {  	[simem:s6], [sflag:s4] =	dma.local [hbm:s3], $0xF7A  }
0x26: {  	[smem:$0x3F9E] =	sst s1;
	(tag) =	ssettag s2;
	_ =	strace s9  }
0x27: {  	s1 =	sld [smem:$0x3FAE]  }
0x28: {  	s2 =	sld [smem:$0x3FAF]  }
0x29: {  	s4 =	sld [smem:$0x3FB1]  }
0x2a: {  	p0 =	seq.s32 s5, $0x0;
	s5 =	sld [smem:$0x3FB2]  }
0x2b: {  	s6 =	sld [smem:$0x3FB3]  }
0x2c: {  	s7 =	sld [smem:$0x3FB4]  }
0x2d: {  	s3 =	simm.s32 $0x108;
	s8 =	sld [smem:$0x3FB5]  }
0x2e: {  	s3 =	simm.s32 @!p0 $0x1082;
	s9 =	sld [smem:$0x3FB6]  }
0x2f: {  	lr =	sadd.s32 s0, s3;
	s0 =	sld [smem:$0x3FAD]  }
0x30: {  	s3 =	sld [smem:$0x3FB0]  }
0x31: {  	[smem:$0x3FB9] =	sst s10  }
0x32: {  	s10 =	sld [smem:$0x3FB7];
	_ =	sdelay $0x3  }
0x33: {  	p0 =	seq.s32 s10, $0x1;
	s10 =	sld [smem:$0x3FB9];
	_ =	sdelay $0x3  }
0x34: {  	[smem:$0x3FB9] =	sst s10  }
0x35: {  	s10 =	sld [smem:$0x3FB8];
	_ =	sdelay $0x3  }
0x36: {  	p1 =	seq.s32 s10, $0x1;
	s10 =	sld [smem:$0x3FB9];
	_ =	sdelay $0x3  }
0x37: {  	[smem:$0x3FB9] =	sst s10  }
0x38: {  	s10 =	sld [smem:$0x3FBA]  }
0x39: {  	_ = 	snop;
	(pc) =	sbr.ind lr, $3  }
0x3a: {  	_ = 	snop  }
0x3b: {  	_ = 	snop  }
0x3c: {  	p2 =	seq.s32 s10, $0x1;
	s10 =	sld [smem:$0x3FB9]  }
0x3d: {  	_ =	shalt  }
0x3e: {  	_ =	shalt  }
0x3f: {  	_ =	shalt  }
0x40: {  	_ =	shalt  }
0x41: {  	_ =	shalt  }
0x42: {  	_ =	shalt  }
0x43: {  	_ =	shalt  }
0x44: {  	_ =	shalt  }
0x45: {  	_ =	shalt  }
0x46: {  	_ =	shalt  }
0x47: {  	_ =	shalt  }
0x48: {  	_ =	shalt  }
0x49: {  	_ =	shalt  }
0x4a: {  	_ =	shalt  }
0x4b: {  	_ =	shalt  }
0x4c: {  	_ =	shalt  }
0x4d: {  	_ =	shalt  }
0x4e: {  	_ =	shalt  }
0x4f: {  	_ =	shalt  }
0x50: {  	_ =	shalt  }
0x51: {  	_ =	shalt  }
0x52: {  	_ =	shalt  }
0x53: {  	_ =	shalt  }
0x54: {  	_ =	shalt  }
0x55: {  	_ =	shalt  }
0x56: {  	_ =	shalt  }
0x57: {  	_ =	shalt  }
0x58: {  	_ =	shalt  }
0x59: {  	_ =	shalt  }
0x5a: {  	_ =	shalt  }
0x5b: {  	_ =	shalt  }
0x5c: {  	_ =	shalt  }
0x5d: {  	_ =	shalt  }
0x5e: {  	_ =	shalt  }
0x5f: {  	_ =	shalt  }
0x60: {  	_ =	shalt  }
0x61: {  	_ =	shalt  }
0x62: {  	_ =	shalt  }
0x63: {  	_ =	shalt  }
0x64: {  	_ =	shalt  }
0x65: {  	_ =	shalt  }
0x66: {  	_ =	shalt  }
0x67: {  	_ =	shalt  }
0x68: {  	_ =	shalt  }
0x69: {  	_ =	shalt  }
0x6a: {  	_ =	shalt  }
0x6b: {  	_ =	shalt  }
0x6c: {  	_ =	shalt  }
0x6d: {  	_ =	shalt  }
0x6e: {  	_ =	shalt  }
0x6f: {  	_ =	shalt  }
0x70: {  	_ =	shalt  }
0x71: {  	_ =	shalt  }
0x72: {  	_ =	shalt  }
0x73: {  	_ =	shalt  }
0x74: {  	_ =	shalt  }
0x75: {  	_ =	shalt  }
0x76: {  	_ =	shalt  }
0x77: {  	_ =	shalt  }
0x78: {  	_ =	shalt  }
0x79: {  	_ =	shalt  }
0x7a: {  	_ =	shalt  }
0x7b: {  	_ =	shalt  }
0x7c: {  	_ =	shalt  }
0x7d: {  	_ =	shalt  }
0x7e: {  	_ =	shalt  }
0x7f: {  	_ =	shalt  }
0x80: {  	_ =	shalt  }
0x81: {  	_ =	shalt  }
0x82: {  	_ =	shalt  }
0x83: {  	_ =	shalt  }
0x84: {  	_ =	shalt  }
0x85: {  	_ =	shalt  }
0x86: {  	_ =	shalt  }
0x87: {  	_ =	shalt  }
.Lfunc_end0:
.L_simem_size_0:
called_computation_lowered:
.L_overlay_start_0:
0x88: {  	s2 =	sld [smem:$0x3FD9]  }
0x89: {  	s3 =	sld [smem:$0x3FFE];
	_ =	sdelay $0x1  }
0x8a: {  	s1 =	srdreg.scid  }
0x8b: {  	s0 =	sand.u32 $0x1, s1  }
0x8c: {  	s16 =	sshll.u32 s0, $0xA;
	s2 =	sadd.s32 s3, s2  }
0x8d: {  	s2 =	sadd.s32 s2, s16  }
0x8e: {  	[smem:$0x3FC5] =	sst s2  }
0x8f: {  	_ = 	snop  }
0x90: {  	(tm) =	ssettm $0x1  }
0x91: {  	s17 =	sld [smem:$0x3FFB];
	_ =	sdelay $0x3  }
0x92: {  	_ =	strace s17  }
0x93: {  	s2 =	sld [smem:$0x3FFC];
	_ =	sdelay $0x3  }
0x94: {  	_ =	strace s2  }
0x95: {  	s2 =	sld [smem:$0x3FFD];
	_ =	sdelay $0x3  }
0x96: {  	_ =	strace s2  }
0x97: {  	_ =	strace $0x8FFFFFFF  }
0x98: {  	s18 =	sld [smem:$0x3FDB];
	_ =	sdelay $0x1  }
0x99: {  	s19 =	simm.s32 $_scs_section_size  }
0x9a: {  	s4 =	simm.s32 $_size__tile_overlayer_lowered;
	s5 =	simm.s32 $_tile_overlayer_lowered  }
0x9b: {  	s22 =	simm.s32 $0x1BFF;
	s21 =	sshll.u32 s5, $0x1;
	s2 =	sadd.s32 s19, s18  }
0x9c: {  	s6 =	simm.s32 $0x0;
	s20 =	sshll.u32 s4, $0x1;
	s4 =	sadd.s32 s21, s2  }
0x9d: {  	[timem:s6], [sflag:s22] =	dma.local [hbm:s4], s20  }
0x9e: {  	_ =	swait.ge [sflag:s22], s20  }
0x9f: {  	s3 =	ssub.s32 $0x0, s20;
	[sflag:s22] =	ssyncset.done $0x0  }
0xa0: {  	[sflag:s22] =	ssyncadd.s32 s3;
	_ =	sdelay $0x1  }
0xa1: {  	s23 =	simm.s32 $0x1B8B  }
0xa2: {  	_ =	swait.ge [sflag:s23], $0x1  }
0xa3: {  	[sflag:s23] =	ssyncset.done $0x0  }
0xa4: {  	s25 =	simm.s32 $0x1B8E;
	s24 =	sld [smem:$0x3FFE];
	[sflag:s23] =	ssyncadd.s32 $0xFFFFFFFF  }
0xa5: {  	s26 =	simm.s32 $execute0_lowered;
	[smem:$0x3FD2] =	sst s25  }
0xa6: {  	s4 =	sshll.u32 s26, $0x1;
	_ =	strace $0x80000046;
	[dreg:$0x1] =	wrdreg $0xFFFFFFFF  }
0xa7: {  	s28 =	simm.s32 $_size_execute0_lowered;
	s2 =	sadd.s32 s2, s4;
	[dreg:$0x0] =	wrdreg $0x0  }
0xa8: {  	s4 =	sshll.u32 s28, $0x1;
	[dreg:$0x2] =	wrdreg s2  }
0xa9: {  	[dreg:$0x3] =	wrdreg s4  }
0xaa: {  	[dreg:$0x4] =	wrdreg $0xC0  }
0xab: {  	_ =	task [dreg:s6], $0x5FFFF  }
0xac: {  	[dreg:$0x1] =	wrdreg $0xFFFFFFFF  }
0xad: {  	[dreg:$0x0] =	wrdreg $0x60  }
0xae: {  	[dreg:$0x2] =	wrdreg s24  }
0xaf: {  	[dreg:$0x3] =	wrdreg $0x9  }
0xb0: {  	_ =	task.clear_ibuf [dreg:s6], $0x4FFFF;
	_ =	strace $0x90000046  }
0xb1: {  	s29 =	simm.s32 $0x9;
	_ =	strace $0x80000048  }
0xb2: {  	_ =	swait.ge [sflag:s29], $0x1  }
0xb3: {  	[sflag:s29] =	ssyncadd.s32 $0xFFFFFFFF  }
0xb4: {  	_ =	strace $0x90000048  }
0xb5: {  	_ =	sfence  }
0xb6: {  	s30 =	sld [smem:$0x0];
	_ =	sdelay $0x2  }
0xb7: {  	s31 =	sshll.u32 s1, $0xD;
	s1 =	sshrl.u32 s1, $0x2  }
0xb8: {  	s3 =	sand.u32 $0x4000, s31;
	s1 =	sadd.s32 s1, s30  }
0xb9: {  	s0 =	sor.u32 s3, s0;
	s1 =	sshll.u32 s1, $0x11  }
0xba: {  	s0 =	sor.u32 s1, s0  }
0xbb: {  	s0 =	sadd.s32 $0x8F2B, s0  }
0xbc: {  	[sflag:s0] =	ssyncadd.remote.s32 $0x1  }
0xbd: {  	_ =	sfence.sel $0xFFFF  }
0xbe: {  	[dreg:$0x0] =	wrdreg $0xFFFFFFFF;
	(pc) =	sbr.abs _section_cstart, $3  }
0xbf: {  	[dreg:$0x1] =	wrdreg $0xFFFFFFFF  }
0xc0: {  	_ =	task.clear_ibuf [dreg:s6], $0x2FFFF;
	_ =	strace $0x9FFFFFFF  }
0xc1: {  	(tm) =	ssettm $0x7FFFFFFF  }
tec
execute0_lowered:
.L_overlay_start_1:
0x0: {  	(tag) =	ssettag $0x1  }
0x1: {  	s1 =	srdreg.scid  }
0x2: {  	s0 =	stileid.u32;
	s21 =	sand.u32 $0x1, s1  }
0x3: {  	s14 =	rddreg [dreg:$0x0];
	s3 =	sshll.u32 s0, $0x8;
	s4 =	sshll.u32 s21, $0x7  }
0x4: {  	s2 =	simm.s32 $0x0;
	s1 =	rddreg [dreg:$0x1];
	s3 =	sor.u32 s4, s3  }
0x5: {  	[smem:$0x7FF] =	sst s2;
	s22 =	sadd.s32 s3, s14  }
0x6: {  	_ =	strace $0x80000047;
	s3 =	simm.s32 $0x1;
	s4 =	sadd.s32 $0x1600, s22  }
0x7: {  	[tilespmem:s2], [sflag:$0x1] =	stream.linear.gather [hbm4b:s4+s2], $0x400, $0x38;
	[tilespmem:$0x1000] =	vst v63  }
0x8: {  	_ =	swait.ge [sflag:s3], $0x400  }
0x9: {  	[sflag:s3] =	ssyncset.done $0x0  }
0xa: {  	s6 =	simm.s32 $0x400;
	s5 =	sadd.s32 $0x2600, s22;
	[sflag:s3] =	ssyncadd.s32 $0xFFFFFC00  }
0xb: {  	[tilespmem:s6], [sflag:$0x1] =	stream.linear.gather [hbm4b:s5+s2], $0x400, $0x38;
	[tilespmem:$0x1000] =	vst v63  }
0xc: {  	_ =	swait.ge [sflag:s3], $0x400  }
0xd: {  	[sflag:s3] =	ssyncset.done $0x0  }
0xe: {  	s8 =	simm.s32 $0x800;
	s7 =	sadd.s32 $0x3600, s22;
	[sflag:s3] =	ssyncadd.s32 $0xFFFFFC00  }
0xf: {  	[tilespmem:s8], [sflag:$0x1] =	stream.linear.gather [hbm4b:s7+s2], $0x400, $0x38;
	[tilespmem:$0x1000] =	vst v63  }
0x10: {  	_ =	swait.ge [sflag:s3], $0x400  }
0x11: {  	[sflag:s3] =	ssyncset.done $0x0  }
0x12: {  	s10 =	simm.s32 $0xC00;
	s9 =	sadd.s32 $0x5600, s14;
	[sflag:s3] =	ssyncadd.s32 $0xFFFFFC00  }
0x13: {  	[tilespmem:s10], [sflag:$0x1] =	stream.indirect.gather [hbm4b:s9+s6], $0x1, s2, s6, $0xb8;
	[tilespmem:$0x1000] =	vst v63  }
0x14: {  	_ =	swait.ge [sflag:s3], $0x400  }
0x15: {  	[sflag:s3] =	ssyncset.done $0x0  }
0x16: {  	s11 =	sadd.s32 $0x5E00, s22;
	[sflag:s3] =	ssyncadd.s32 $0xFFFFFC00  }
0x17: {  	[hbm4b:s11+s2] =	stream.linear.scatter [tilespmem:s10], [sflag:$0x1], $0x400, $0x38;
	[tilespmem:$0x1000] =	vst v63  }
0x18: {  	_ =	swait.ge [sflag:s3], $0x400  }
0x19: {  	[sflag:s3] =	ssyncset.done $0x0  }
0x1a: {  	s12 =	sadd.s32 $0x4600, s14;
	[sflag:s3] =	ssyncadd.s32 $0xFFFFFC00  }
0x1b: {  	[tilespmem:s10], [sflag:$0x1] =	stream.indirect.gather [hbm4b:s12+s6], $0x1, s2, s6, $0xb8;
	[tilespmem:$0x1000] =	vst v63  }
0x1c: {  	_ =	swait.ge [sflag:s3], $0x400  }
0x1d: {  	[sflag:s3] =	ssyncset.done $0x0  }
0x1e: {  	s13 =	sadd.s32 $0x6E00, s22;
	[sflag:s3] =	ssyncadd.s32 $0xFFFFFC00  }
0x1f: {  	[hbm4b:s13+s2] =	stream.linear.scatter [tilespmem:s10], [sflag:$0x1], $0x400, $0x38;
	[tilespmem:$0x1000] =	vst v63  }
0x20: {  	_ =	swait.ge [sflag:s3], $0x400  }
0x21: {  	[sflag:s3] =	ssyncset.done $0x0  }
0x22: {  	s14 =	sadd.s32 $0x4E00, s14;
	[sflag:s3] =	ssyncadd.s32 $0xFFFFFC00  }
0x23: {  	[tilespmem:s10], [sflag:$0x1] =	stream.indirect.gather [hbm4b:s14+s6], $0x1, s2, s6, $0xb8;
	[tilespmem:$0x1000] =	vst v63  }
0x24: {  	_ =	swait.ge [sflag:s3], $0x400  }
0x25: {  	[sflag:s3] =	ssyncset.done $0x0  }
0x26: {  	s15 =	sadd.s32 $0x7E00, s22;
	[sflag:s3] =	ssyncadd.s32 $0xFFFFFC00  }
0x27: {  	[hbm4b:s15+s2] =	stream.linear.scatter [tilespmem:s10], [sflag:$0x1], $0x400, $0x38;
	[tilespmem:$0x1000] =	vst v63  }
0x28: {  	_ =	swait.ge [sflag:s3], $0x400  }
0x29: {  	[sflag:s3] =	ssyncset.done $0x0  }
0x2a: {  	[sflag:s3] =	ssyncadd.s32 $0xFFFFFC00  }
0x2b: {  	[tilespmem:s10], [sflag:$0x1] =	stream.indirect.gather [hbm4b:s9+s6], $0x1, s6, s6, $0xb8;
	[tilespmem:$0x1000] =	vst v63  }
0x2c: {  	_ =	swait.ge [sflag:s3], $0x400  }
0x2d: {  	[sflag:s3] =	ssyncset.done $0x0  }
0x2e: {  	s16 =	sadd.s32 $0x8E00, s22;
	[sflag:s3] =	ssyncadd.s32 $0xFFFFFC00  }
0x2f: {  	[hbm4b:s16+s2] =	stream.linear.scatter [tilespmem:s10], [sflag:$0x1], $0x400, $0x38;
	[tilespmem:$0x1000] =	vst v63  }
0x30: {  	_ =	swait.ge [sflag:s3], $0x400  }
0x31: {  	[sflag:s3] =	ssyncset.done $0x0  }
0x32: {  	[sflag:s3] =	ssyncadd.s32 $0xFFFFFC00  }
0x33: {  	[tilespmem:s10], [sflag:$0x1] =	stream.indirect.gather [hbm4b:s12+s6], $0x1, s6, s6, $0xb8;
	[tilespmem:$0x1000] =	vst v63  }
0x34: {  	_ =	swait.ge [sflag:s3], $0x400  }
0x35: {  	[sflag:s3] =	ssyncset.done $0x0  }
0x36: {  	s17 =	sadd.s32 $0x9E00, s22;
	[sflag:s3] =	ssyncadd.s32 $0xFFFFFC00  }
0x37: {  	[hbm4b:s17+s2] =	stream.linear.scatter [tilespmem:s10], [sflag:$0x1], $0x400, $0x38;
	[tilespmem:$0x1000] =	vst v63  }
0x38: {  	_ =	swait.ge [sflag:s3], $0x400  }
0x39: {  	[sflag:s3] =	ssyncset.done $0x0  }
0x3a: {  	[sflag:s3] =	ssyncadd.s32 $0xFFFFFC00  }
0x3b: {  	[tilespmem:s10], [sflag:$0x1] =	stream.indirect.gather [hbm4b:s14+s6], $0x1, s6, s6, $0xb8;
	[tilespmem:$0x1000] =	vst v63  }
0x3c: {  	_ =	swait.ge [sflag:s3], $0x400  }
0x3d: {  	[sflag:s3] =	ssyncset.done $0x0  }
0x3e: {  	s18 =	sadd.s32 $0xAE00, s22;
	[sflag:s3] =	ssyncadd.s32 $0xFFFFFC00  }
0x3f: {  	[hbm4b:s18+s2] =	stream.linear.scatter [tilespmem:s10], [sflag:$0x1], $0x400, $0x38;
	[tilespmem:$0x1000] =	vst v63  }
0x40: {  	_ =	swait.ge [sflag:s3], $0x400  }
0x41: {  	[sflag:s3] =	ssyncset.done $0x0  }
0x42: {  	[sflag:s3] =	ssyncadd.s32 $0xFFFFFC00  }
0x43: {  	[tilespmem:s10], [sflag:$0x1] =	stream.indirect.gather [hbm4b:s9+s6], $0x1, s8, s6, $0xb8;
	[tilespmem:$0x1000] =	vst v63  }
0x44: {  	_ =	swait.ge [sflag:s3], $0x400  }
0x45: {  	[sflag:s3] =	ssyncset.done $0x0  }
0x46: {  	s19 =	sadd.s32 $0xBE00, s22;
	[sflag:s3] =	ssyncadd.s32 $0xFFFFFC00  }
0x47: {  	[hbm4b:s19+s2] =	stream.linear.scatter [tilespmem:s10], [sflag:$0x1], $0x400, $0x38;
	[tilespmem:$0x1000] =	vst v63  }
0x48: {  	_ =	swait.ge [sflag:s3], $0x400  }
0x49: {  	[sflag:s3] =	ssyncset.done $0x0  }
0x4a: {  	[sflag:s3] =	ssyncadd.s32 $0xFFFFFC00  }
0x4b: {  	[tilespmem:s10], [sflag:$0x1] =	stream.indirect.gather [hbm4b:s12+s6], $0x1, s8, s6, $0xb8;
	[tilespmem:$0x1000] =	vst v63  }
0x4c: {  	_ =	swait.ge [sflag:s3], $0x400  }
0x4d: {  	[sflag:s3] =	ssyncset.done $0x0  }
0x4e: {  	s21 =	ssub.s32 $0x2, s21;
	s20 =	sadd.s32 $0xCE00, s22;
	[sflag:s3] =	ssyncadd.s32 $0xFFFFFC00  }
0x4f: {  	[hbm4b:s20+s2] =	stream.linear.scatter [tilespmem:s10], [sflag:$0x1], $0x400, $0x38;
	[tilespmem:$0x1000] =	vst v63  }
0x50: {  	s23 =	sshrl.u32 s21, $0x1;
	_ =	swait.ge [sflag:s3], $0x400  }
0x51: {  	s23 =	ssub.s32 s21, s23;
	[sflag:s3] =	ssyncset.done $0x0  }
0x52: {  	s31 =	smax.u32 s23, $0x1;
	[sflag:s3] =	ssyncadd.s32 $0xFFFFFC00  }
0x53: {  	[tilespmem:s10], [sflag:$0x1] =	stream.indirect.gather [hbm4b:s14+s6], $0x1, s8, s6, $0xb8;
	[tilespmem:$0x1000] =	vst v63  }
0x54: {  	p0 =	sne.s32 s31, $0x1;
	_ =	swait.ge [sflag:s3], $0x400  }
.Ltmp0:
0x55: {  	[sflag:s3] =	ssyncset.done $0x0;
	(pc) =	sbr.rel @!p0 .LBB2_2-.Ltmp0, $4  }
0x56: {  	s21 =	sadd.s32 $0xDE00, s22;
	[sflag:s3] =	ssyncadd.s32 $0xFFFFFC00  }
0x57: {  	[hbm4b:s21+s2] =	stream.linear.scatter [tilespmem:s10], [sflag:$0x1], $0x400, $0x38;
	[tilespmem:$0x1000] =	vst v63  }
0x58: {  	_ =	swait.ge [sflag:s3], $0x400  }
0x59: {  	s22 =	sadd.s32 $0xFFFFFFFF, s31;
	[sflag:s3] =	ssyncset.done $0x0  }
.LBB2_1:
0x5a: {  	p0 =	sne.s32 s22, $0x1;
	s22 =	sadd.s32 $0xFFFFFFFF, s22;
	[sflag:s3] =	ssyncadd.s32 $0xFFFFFC00  }
0x5b: {  	[tilespmem:s2], [sflag:$0x1] =	stream.linear.gather [hbm4b:s4+s2], $0x400, $0x38;
	[tilespmem:$0x1000] =	vst v63  }
0x5c: {  	_ =	swait.ge [sflag:s3], $0x400  }
0x5d: {  	[sflag:s3] =	ssyncset.done $0x0  }
0x5e: {  	[sflag:s3] =	ssyncadd.s32 $0xFFFFFC00  }
0x5f: {  	[tilespmem:s6], [sflag:$0x1] =	stream.linear.gather [hbm4b:s5+s2], $0x400, $0x38;
	[tilespmem:$0x1000] =	vst v63  }
0x60: {  	_ =	swait.ge [sflag:s3], $0x400  }
0x61: {  	[sflag:s3] =	ssyncset.done $0x0  }
0x62: {  	[sflag:s3] =	ssyncadd.s32 $0xFFFFFC00  }
0x63: {  	[tilespmem:s8], [sflag:$0x1] =	stream.linear.gather [hbm4b:s7+s2], $0x400, $0x38;
	[tilespmem:$0x1000] =	vst v63  }
0x64: {  	_ =	swait.ge [sflag:s3], $0x400  }
0x65: {  	[sflag:s3] =	ssyncset.done $0x0  }
0x66: {  	[sflag:s3] =	ssyncadd.s32 $0xFFFFFC00  }
0x67: {  	[tilespmem:s10], [sflag:$0x1] =	stream.indirect.gather [hbm4b:s9+s6], $0x1, s2, s6, $0xb8;
	[tilespmem:$0x1000] =	vst v63  }
0x68: {  	_ =	swait.ge [sflag:s3], $0x400  }
0x69: {  	[sflag:s3] =	ssyncset.done $0x0  }
0x6a: {  	[sflag:s3] =	ssyncadd.s32 $0xFFFFFC00  }
0x6b: {  	[hbm4b:s11+s2] =	stream.linear.scatter [tilespmem:s10], [sflag:$0x1], $0x400, $0x38;
	[tilespmem:$0x1000] =	vst v63  }
0x6c: {  	_ =	swait.ge [sflag:s3], $0x400  }
0x6d: {  	[sflag:s3] =	ssyncset.done $0x0  }
0x6e: {  	[sflag:s3] =	ssyncadd.s32 $0xFFFFFC00  }
0x6f: {  	[tilespmem:s10], [sflag:$0x1] =	stream.indirect.gather [hbm4b:s12+s6], $0x1, s2, s6, $0xb8;
	[tilespmem:$0x1000] =	vst v63  }
0x70: {  	_ =	swait.ge [sflag:s3], $0x400  }
0x71: {  	[sflag:s3] =	ssyncset.done $0x0  }
0x72: {  	[sflag:s3] =	ssyncadd.s32 $0xFFFFFC00  }
0x73: {  	[hbm4b:s13+s2] =	stream.linear.scatter [tilespmem:s10], [sflag:$0x1], $0x400, $0x38;
	[tilespmem:$0x1000] =	vst v63  }
0x74: {  	_ =	swait.ge [sflag:s3], $0x400  }
0x75: {  	[sflag:s3] =	ssyncset.done $0x0  }
0x76: {  	[sflag:s3] =	ssyncadd.s32 $0xFFFFFC00  }
0x77: {  	[tilespmem:s10], [sflag:$0x1] =	stream.indirect.gather [hbm4b:s14+s6], $0x1, s2, s6, $0xb8;
	[tilespmem:$0x1000] =	vst v63  }
0x78: {  	_ =	swait.ge [sflag:s3], $0x400  }
0x79: {  	[sflag:s3] =	ssyncset.done $0x0  }
0x7a: {  	[sflag:s3] =	ssyncadd.s32 $0xFFFFFC00  }
0x7b: {  	[hbm4b:s15+s2] =	stream.linear.scatter [tilespmem:s10], [sflag:$0x1], $0x400, $0x38;
	[tilespmem:$0x1000] =	vst v63  }
0x7c: {  	_ =	swait.ge [sflag:s3], $0x400  }
0x7d: {  	[sflag:s3] =	ssyncset.done $0x0  }
0x7e: {  	[sflag:s3] =	ssyncadd.s32 $0xFFFFFC00  }
0x7f: {  	[tilespmem:s10], [sflag:$0x1] =	stream.indirect.gather [hbm4b:s9+s6], $0x1, s6, s6, $0xb8;
	[tilespmem:$0x1000] =	vst v63  }
0x80: {  	_ =	swait.ge [sflag:s3], $0x400  }
0x81: {  	[sflag:s3] =	ssyncset.done $0x0  }
0x82: {  	[sflag:s3] =	ssyncadd.s32 $0xFFFFFC00  }
0x83: {  	[hbm4b:s16+s2] =	stream.linear.scatter [tilespmem:s10], [sflag:$0x1], $0x400, $0x38;
	[tilespmem:$0x1000] =	vst v63  }
0x84: {  	_ =	swait.ge [sflag:s3], $0x400  }
0x85: {  	[sflag:s3] =	ssyncset.done $0x0  }
0x86: {  	[sflag:s3] =	ssyncadd.s32 $0xFFFFFC00  }
0x87: {  	[tilespmem:s10], [sflag:$0x1] =	stream.indirect.gather [hbm4b:s12+s6], $0x1, s6, s6, $0xb8;
	[tilespmem:$0x1000] =	vst v63  }
0x88: {  	_ =	swait.ge [sflag:s3], $0x400  }
0x89: {  	[sflag:s3] =	ssyncset.done $0x0  }
0x8a: {  	[sflag:s3] =	ssyncadd.s32 $0xFFFFFC00  }
0x8b: {  	[hbm4b:s17+s2] =	stream.linear.scatter [tilespmem:s10], [sflag:$0x1], $0x400, $0x38;
	[tilespmem:$0x1000] =	vst v63  }
0x8c: {  	_ =	swait.ge [sflag:s3], $0x400  }
0x8d: {  	[sflag:s3] =	ssyncset.done $0x0  }
0x8e: {  	[sflag:s3] =	ssyncadd.s32 $0xFFFFFC00  }
0x8f: {  	[tilespmem:s10], [sflag:$0x1] =	stream.indirect.gather [hbm4b:s14+s6], $0x1, s6, s6, $0xb8;
	[tilespmem:$0x1000] =	vst v63  }
0x90: {  	_ =	swait.ge [sflag:s3], $0x400  }
0x91: {  	[sflag:s3] =	ssyncset.done $0x0  }
0x92: {  	[sflag:s3] =	ssyncadd.s32 $0xFFFFFC00  }
0x93: {  	[hbm4b:s18+s2] =	stream.linear.scatter [tilespmem:s10], [sflag:$0x1], $0x400, $0x38;
	[tilespmem:$0x1000] =	vst v63  }
0x94: {  	_ =	swait.ge [sflag:s3], $0x400  }
0x95: {  	[sflag:s3] =	ssyncset.done $0x0  }
0x96: {  	[sflag:s3] =	ssyncadd.s32 $0xFFFFFC00  }
0x97: {  	[tilespmem:s10], [sflag:$0x1] =	stream.indirect.gather [hbm4b:s9+s6], $0x1, s8, s6, $0xb8;
	[tilespmem:$0x1000] =	vst v63  }
0x98: {  	_ =	swait.ge [sflag:s3], $0x400  }
0x99: {  	[sflag:s3] =	ssyncset.done $0x0  }
0x9a: {  	[sflag:s3] =	ssyncadd.s32 $0xFFFFFC00  }
0x9b: {  	[hbm4b:s19+s2] =	stream.linear.scatter [tilespmem:s10], [sflag:$0x1], $0x400, $0x38;
	[tilespmem:$0x1000] =	vst v63  }
0x9c: {  	_ =	swait.ge [sflag:s3], $0x400  }
0x9d: {  	[sflag:s3] =	ssyncset.done $0x0  }
0x9e: {  	[sflag:s3] =	ssyncadd.s32 $0xFFFFFC00  }
0x9f: {  	[tilespmem:s10], [sflag:$0x1] =	stream.indirect.gather [hbm4b:s12+s6], $0x1, s8, s6, $0xb8;
	[tilespmem:$0x1000] =	vst v63  }
0xa0: {  	_ =	swait.ge [sflag:s3], $0x400  }
0xa1: {  	[sflag:s3] =	ssyncset.done $0x0  }
0xa2: {  	[sflag:s3] =	ssyncadd.s32 $0xFFFFFC00  }
0xa3: {  	[hbm4b:s20+s2] =	stream.linear.scatter [tilespmem:s10], [sflag:$0x1], $0x400, $0x38;
	[tilespmem:$0x1000] =	vst v63  }
0xa4: {  	_ =	swait.ge [sflag:s3], $0x400  }
0xa5: {  	[sflag:s3] =	ssyncset.done $0x0  }
0xa6: {  	[sflag:s3] =	ssyncadd.s32 $0xFFFFFC00  }
0xa7: {  	[tilespmem:s10], [sflag:$0x1] =	stream.indirect.gather [hbm4b:s14+s6], $0x1, s8, s6, $0xb8;
	[tilespmem:$0x1000] =	vst v63  }
0xa8: {  	_ =	swait.ge [sflag:s3], $0x400  }
.Ltmp1:
0xa9: {  	[sflag:s3] =	ssyncset.done $0x0;
	(pc) =	sbr.rel @p0 .LBB2_1-.Ltmp1, $4  }
0xaa: {  	[sflag:s3] =	ssyncadd.s32 $0xFFFFFC00  }
0xab: {  	[hbm4b:s21+s2] =	stream.linear.scatter [tilespmem:s10], [sflag:$0x1], $0x400, $0x38;
	[tilespmem:$0x1000] =	vst v63  }
0xac: {  	_ =	swait.ge [sflag:s3], $0x400  }
0xad: {  	[sflag:s3] =	ssyncset.done $0x0  }
.LBB2_2:
0xae: {  	[sflag:s3] =	ssyncadd.s32 $0xFFFFFC00  }
0xaf: {  	_ =	sfence.sel $0x180000  }
0xb0: {  	[bflag:$0x0] =	sbarrier.arrive $0xFFFF  }
0xb1: {  	p0 =	sne.s32 s0, $0x0;
	_ =	strace $0x90000047  }
0xb2: {  	s0 =	sadd.s32 @!p0 $0x100000, s1;
	[bflag:$0x2] =	sbarrier.arrive $0xFFFF  }
0xb3: {  	[sflag:s0] =	ssyncadd.tile.s32 @!p0 $0x1;
	_ =	shalt  }
.Lfunc_end2:
_tile_overlayer_lowered:
.L_overlay_start_2:
0xb4: {  	(tag) =	ssettag $0x2  }
0xb5: {  	s0 =	rddreg [dreg:$0x0];
	s2 =	stileid.u32  }
0xb6: {  	s1 =	rddreg [dreg:$0x1];
	p0 =	sne.s32 s2, $0x0  }
0xb7: {  	s3 =	rddreg [dreg:$0x2];
	[bflag:$0x3] =	sbarrier.arrive $0xFFFF;
	s2 =	simm.s32 @!p0 $0x1C01  }
0xb8: {  	[timem:s3], [sflag:s2] =	dma.local @!p0 [hbm:s0], s1  }
0xb9: {  	s0 =	simm.s32 @!p0 $0x1  }
0xba: {  	_ =	swait.ge @!p0 [sflag:s0], s1  }
0xbb: {  	s1 =	ssub.s32 @!p0 $0x0, s1;
	[sflag:s0] =	ssyncset.done @!p0 $0x0  }
0xbc: {  	[sflag:s0] =	ssyncadd.s32 @!p0 s1  }
0xbd: {  	[bflag:$0x3] =	sbarrier.arrive $0xFFFF  }
0xbe: {  	_ =	shalt  }

</sc_bundles>
